<compile_context>
chip_gen: v7x
topology: tpu7x:2x2x1
jax: 0.10.2.dev20260603
libtpu: 0.0.44.dev20260713+nightly
codegen_flags: <defaults>
</compile_context>

<pallas_src>
import functools

import jax
import jax.numpy as jnp
from jax import lax
from jax.experimental import pallas as pl
from jax.experimental.pallas import tpu as pltpu
from jax.experimental.pallas import tpu_sc as plsc

NC = 2
NS = 16
NW = NC * NS
L = 16


def _bytes(v):
    m = jnp.int32(0xFF)
    return (v & m,
            lax.shift_right_logical(v, jnp.int32(8)) & m,
            lax.shift_right_logical(v, jnp.int32(16)) & m,
            lax.shift_right_logical(v, jnp.int32(24)) & m)


@functools.lru_cache(maxsize=None)
def _build(N: int):
    C = 16384
    W = C // 4
    assert N % (NW * C) == 0
    PW = N // NW
    K_CH = PW // C
    NCH = NW * K_CH
    G = C // 64
    assert K_CH == 32 and NCH % L == 0 and G == 256

    mesh = plsc.VectorSubcoreMesh(
        core_axis_name="c", subcore_axis_name="s",
        num_cores=NC, num_subcores=NS,
    )
    params = pltpu.CompilerParams(needs_layout_passes=False)

    @functools.partial(
        pl.kernel,
        out_type=jax.ShapeDtypeStruct((NCH,), jnp.int32),
        mesh=mesh,
        scratch_types=[
            pltpu.VMEM((W,), jnp.int32),
            pltpu.VMEM((W,), jnp.int32),
            pltpu.VMEM((K_CH,), jnp.int32),
            pltpu.SemaphoreType.DMA,
            pltpu.SemaphoreType.DMA,
        ],
        compiler_params=params,
    )
    def count_kernel(mask_hbm, counts_hbm, mva, mvb, stage, sia, sib):
        wid = lax.axis_index("s") * NC + lax.axis_index("c")
        base = wid * (PW // 4)
        iota = lax.iota(jnp.int32, L)
        zeros = jnp.zeros((L,), jnp.int32)

        def issue(k, buf, sem):
            moff = pl.multiple_of(base + k * W, 8)
            pltpu.async_copy(mask_hbm.at[pl.ds(moff, W)], buf, sem)

        def wait(buf, sem):
            pltpu.make_async_copy(mask_hbm.at[pl.ds(0, W)], buf, sem).wait()

        def count_chunk(buf):
            tot_v = zeros
            for h in range(2):
                def vbody(j, acc):
                    return acc + buf[pl.ds(j * L, L)]
                acc = lax.fori_loop(h * (W // 32), (h + 1) * (W // 32),
                                    vbody, zeros)
                b0, b1, b2, b3 = _bytes(acc)
                tot_v = tot_v + b0 + b1 + b2 + b3
            return jnp.sum(tot_v)

        def insert(k, tot, lo, hi):
            km = k % L
            lo = jnp.where((k < L) & (iota == km), tot, lo)
            hi = jnp.where((k >= L) & (iota == km), tot, hi)
            return lo, hi

        issue(0, mva, sia)

        def body(k2, carry):
            lo, hi = carry
            k = 2 * k2
            issue(k + 1, mvb, sib)
            wait(mva, sia)
            lo, hi = insert(k, count_chunk(mva), lo, hi)
            issue(jnp.minimum(k + 2, K_CH - 1), mva, sia)
            wait(mvb, sib)
            lo, hi = insert(k + 1, count_chunk(mvb), lo, hi)
            return lo, hi

        lo, hi = lax.fori_loop(0, K_CH // 2, body, (zeros, zeros))
        wait(mva, sia)
        stage[pl.ds(0, L)] = lo
        stage[pl.ds(L, L)] = hi
        pltpu.sync_copy(stage, counts_hbm.at[pl.ds(wid * K_CH, K_CH)])

    @functools.partial(
        pl.kernel,
        out_type=jax.ShapeDtypeStruct((N,), jnp.float32),
        mesh=mesh,
        scratch_types=[
            pltpu.VMEM((W,), jnp.int32),
            pltpu.VMEM((W,), jnp.int32),
            pltpu.VMEM((C,), jnp.float32),
            pltpu.VMEM((C,), jnp.float32),
            pltpu.VMEM((C + 8,), jnp.float32),
            pltpu.VMEM((C + 8,), jnp.float32),
            pltpu.VMEM((NCH,), jnp.int32),
            pltpu.VMEM((NCH,), jnp.int32),
            pltpu.SemaphoreType.DMA,
            pltpu.SemaphoreType.DMA,
            pltpu.SemaphoreType.DMA,
            pltpu.SemaphoreType.DMA,
        ],
        compiler_params=params,
    )
    def scatter_kernel(mask_hbm, x_hbm, src_hbm, counts_hbm, out_hbm,
                       mva, mvb, ova, ovb, sva, svb, cvm, pvm,
                       sia, sib, soa, sob):
        wid = lax.axis_index("s") * NC + lax.axis_index("c")
        base = wid * PW
        iota = lax.iota(jnp.int32, L)
        pos0 = iota * 4

        pltpu.sync_copy(counts_hbm, cvm)

        def pbody(i, carry):
            v = cvm[pl.ds(i * L, L)]
            cs = plsc.cumsum(v)
            pvm[pl.ds(i * L, L)] = carry + cs - v
            return carry + cs[15]

        lax.fori_loop(0, NCH // L, pbody, jnp.int32(0))

        def issue_in(k, mvm, ovm, svm, sem):
            start = base + k * C
            moff = pl.multiple_of(start // 4, 8)
            pltpu.async_copy(mask_hbm.at[pl.ds(moff, W)], mvm, sem)
            pltpu.async_copy(x_hbm.at[pl.ds(start, C)], ovm, sem)
            gcid = wid * K_CH + k
            pvec = pvm[pl.ds((gcid // L) * L, L)]
            off = jnp.sum(jnp.where(iota == gcid % L, pvec, jnp.int32(0)))
            wbase = jnp.maximum(
                jnp.minimum((off // 8) * 8, jnp.int32(N - (C + 8))),
                jnp.int32(0))
            wbase = pl.multiple_of(wbase, 8)
            pltpu.async_copy(src_hbm.at[pl.ds(wbase, C + 8)], svm, sem)
            return off - wbase

        def wait_in(mvm, ovm, svm, sem):
            pltpu.make_async_copy(mask_hbm.at[pl.ds(0, W)], mvm, sem).wait()
            pltpu.make_async_copy(x_hbm.at[pl.ds(0, C)], ovm, sem).wait()
            pltpu.make_async_copy(src_hbm.at[pl.ds(0, C + 8)], svm,
                                  sem).wait()

        def issue_out(k, ovm, sem):
            start = base + k * C
            pltpu.async_copy(ovm, out_hbm.at[pl.ds(start, C)], sem)

        def wait_out(ovm, sem):
            pltpu.make_async_copy(ovm, out_hbm.at[pl.ds(base, C)], sem).wait()

        def compute(mvm, ovm, svm, delta):
            def vbody(j, carry):
                v = mvm[pl.ds(j * L, L)]
                b0, b1, b2, b3 = _bytes(v)
                s = b0 + b1 + b2 + b3
                cs = plsc.cumsum(s)
                p = (delta + carry - 1) + (cs - s)
                posb = pos0 + j * 64
                for i, b in enumerate((b0, b1, b2, b3)):
                    idx = jnp.maximum(p + b, jnp.int32(0))
                    m = b != 0
                    g = plsc.load_gather(svm, [idx], mask=m)
                    plsc.store_scatter(ovm, [posb + i], g, mask=m)
                    p = p + b
                return carry + cs[15]

            lax.fori_loop(0, G, vbody, jnp.int32(0), unroll=4)

        delta_a0 = issue_in(0, mva, ova, sva, sia)
        delta_b0 = issue_in(1, mvb, ovb, svb, sib)

        def body(k2, carry):
            delta_a, delta_b = carry
            k = 2 * k2
            wait_in(mva, ova, sva, sia)
            compute(mva, ova, sva, delta_a)
            issue_out(k, ova, soa)
            wait_in(mvb, ovb, svb, sib)
            compute(mvb, ovb, svb, delta_b)
            issue_out(k + 1, ovb, sob)
            wait_out(ova, soa)
            da = issue_in(jnp.minimum(k + 2, K_CH - 1), mva, ova, sva, sia)
            wait_out(ovb, sob)
            db = issue_in(jnp.minimum(k + 3, K_CH - 1), mvb, ovb, svb, sib)
            return da, db

        lax.fori_loop(0, K_CH // 2, body, (delta_a0, delta_b0))
        wait_in(mva, ova, sva, sia)
        wait_in(mvb, ovb, svb, sib)

    return count_kernel, scatter_kernel


def kernel(x, mask, source, out):
    N = x.size
    mflat = mask.astype(jnp.uint8).view(jnp.int32).reshape(-1)
    xflat = x.reshape(-1)
    sflat = source.reshape(-1)
    count_kernel, scatter_kernel = _build(N)
    counts = count_kernel(mflat)
    res = scatter_kernel(mflat, xflat, sflat, counts)
    return res.reshape(x.shape)

# --- scband reference (transcript-rebuilt; emitter-appended) ---
"""Pipeline reference for scband-torch-ops-aten-masked-scatter-out-module-53987738910757 (READ-ONLY COPY).

The authoritative reference and input builder live on the scoring server;
editing this copy changes nothing except your own understanding.
"""

import jax, jax.numpy as jnp
import numpy as np


def setup_inputs(seed: int = 0) -> dict:
    key = jax.random.key(seed)
    k1, k2, k3 = jax.random.split(key, 3)
    M, D = 16384, 1024
    x = jax.random.normal(k1, (M, D), dtype=jnp.float32)
    mask = jax.random.randint(k2, (M, D), 0, 2).astype(jnp.bool_)
    source = jax.random.normal(k3, (M, D), dtype=jnp.float32)
    out = jnp.zeros((M, D), dtype=jnp.float32)
    return {"x": x, "mask": mask, "source": source, "out": out}


def reference(x, mask, source, out):
    # aten.masked_scatter.out semantics: copy elements of `source` (read in
    # row-major order) into positions of `x` where `mask` is True, writing the
    # result into `out`. The returned tensor does not depend on out's prior
    # contents.
    mflat = mask.reshape(-1)
    sflat = source.reshape(-1)
    xflat = x.reshape(-1)
    # position within packed source stream for each True element
    idx = jnp.cumsum(mflat.astype(jnp.int32)) - 1
    idx = jnp.clip(idx, 0, sflat.shape[0] - 1)
    gathered = jnp.take(sflat, idx)
    res = jnp.where(mflat, gathered, xflat).reshape(x.shape)
    return res

if __name__ == "__main__":
    import jax
    _d = setup_inputs()
    print(jax.jit(kernel)(*tuple(_d.values())))

</pallas_src>

<mosaic_0001>
#map = affine_map<(d0, d1) -> (0)>
module attributes {stable_mosaic.version = 14 : i64} {
  func.func @count_kernel(%arg0: i32, %arg1: i32, %arg2: memref<4194304xi32, #tpu.memory_space<hbm>>, %arg3: memref<1024xi32, #tpu.memory_space<hbm>>, %arg4: memref<4096xi32, #tpu.memory_space<vmem>>, %arg5: memref<4096xi32, #tpu.memory_space<vmem>>, %arg6: memref<32xi32, #tpu.memory_space<vmem>>, %arg7: memref<!tpu.dma_semaphore, #tpu.memory_space<semaphore_mem>>, %arg8: memref<!tpu.dma_semaphore, #tpu.memory_space<semaphore_mem>>) attributes {dimension_semantics = [#tpu.dimension_semantics<core_parallel>, #tpu.dimension_semantics<subcore_parallel>], iteration_bounds = array<i64: 2, 16>, scalar_prefetch = 0 : i64, scratch_operands = 5 : i64, tpu.core_type = #tpu.core_type<sc_vector_subcore>, window_params = [{transform_indices = #map}, {transform_indices = #map}]} {
    %mul3A = arith.constant 2 : i32
    %mul3A_0 = arith.muli %arg1, %mul3A : i32
    %add3A = arith.addi %mul3A_0, %arg0 : i32
    %mul3A_1 = arith.constant 131072 : i32
    %mul3A_2 = arith.muli %add3A, %mul3A_1 : i32
    %iota3A = tpu.iota {dimensions = array<i32: 0>} : vector<16xi32>
    %broadcast_in_dim3A = arith.constant 0 : i32
    %broadcast_in_dim3A_3 = vector.broadcast %broadcast_in_dim3A : i32 to vector<16xi32>
    %add3A_4 = arith.constant 0 : i32
    %add3A_5 = arith.addi %mul3A_2, %add3A_4 : i32
    %multiple_of3A = tpu.assume_multiple %add3A_5, 8 : i32
    %dma_start3A = tpu.memref_slice %arg2[%multiple_of3A] : memref<4194304xi32, #tpu.memory_space<hbm>> -> memref<4096xi32, #tpu.memory_space<hbm>>
    %dma_start3A_6 = tpu.memref_slice %arg2[%multiple_of3A] : memref<4194304xi32, #tpu.memory_space<hbm>> -> memref<4096xi32, #tpu.memory_space<hbm>>
    tpu.enqueue_dma source(%dma_start3A_6 : memref<4096xi32, #tpu.memory_space<hbm>>) target(%arg4 : memref<4096xi32, #tpu.memory_space<vmem>>) target_semaphore(%arg7 : memref<!tpu.dma_semaphore, #tpu.memory_space<semaphore_mem>>)
    %scan3A = arith.constant 0 : i32
    %scan3A_7 = arith.constant 16 : i32
    %scan3A_8 = arith.addi %scan3A, %scan3A_7 : i32
    %scan3A_9 = arith.constant 1 : i32
    %scan3A_10:2 = scf.for %scan3A_20 = %scan3A to %scan3A_8 step %scan3A_9 iter_args(%scan3A_21 = %broadcast_in_dim3A_3, %scan3A_22 = %broadcast_in_dim3A_3) -> (vector<16xi32>, vector<16xi32>)  : i32 {
      %mul3A_23 = arith.constant 2 : i32
      %mul3A_24 = arith.muli %mul3A_23, %scan3A_20 : i32
      %add3A_25 = arith.constant 1 : i32
      %add3A_26 = arith.addi %mul3A_24, %add3A_25 : i32
      %mul3A_27 = arith.constant 4096 : i32
      %mul3A_28 = arith.muli %add3A_26, %mul3A_27 : i32
      %add3A_29 = arith.addi %mul3A_2, %mul3A_28 : i32
      %multiple_of3A_30 = tpu.assume_multiple %add3A_29, 8 : i32
      %dma_start3A_31 = tpu.memref_slice %arg2[%multiple_of3A_30] : memref<4194304xi32, #tpu.memory_space<hbm>> -> memref<4096xi32, #tpu.memory_space<hbm>>
      %dma_start3A_32 = tpu.memref_slice %arg2[%multiple_of3A_30] : memref<4194304xi32, #tpu.memory_space<hbm>> -> memref<4096xi32, #tpu.memory_space<hbm>>
      tpu.enqueue_dma source(%dma_start3A_32 : memref<4096xi32, #tpu.memory_space<hbm>>) target(%arg5 : memref<4096xi32, #tpu.memory_space<vmem>>) target_semaphore(%arg8 : memref<!tpu.dma_semaphore, #tpu.memory_space<semaphore_mem>>)
      %dma_wait3A_33 = arith.constant 0 : i32
      %dma_wait3A_34 = tpu.memref_slice %arg2[%dma_wait3A_33] : memref<4194304xi32, #tpu.memory_space<hbm>> -> memref<4096xi32, #tpu.memory_space<hbm>>
      %dma_wait3A_35 = arith.constant 0 : i32
      %dma_wait3A_36 = tpu.memref_slice %arg2[%dma_wait3A_35] : memref<4194304xi32, #tpu.memory_space<hbm>> -> memref<4096xi32, #tpu.memory_space<hbm>>
      tpu.wait_dma2 semaphore(%arg7 : memref<!tpu.dma_semaphore, #tpu.memory_space<semaphore_mem>>) src(%dma_wait3A_36 : memref<4096xi32, #tpu.memory_space<hbm>>) dst(%arg4 : memref<4096xi32, #tpu.memory_space<vmem>>)
      %scan3A_37 = arith.constant 0 : i32
      %scan3A_38 = arith.constant 128 : i32
      %scan3A_39 = arith.addi %scan3A_37, %scan3A_38 : i32
      %scan3A_40 = arith.constant 1 : i32
      %scan3A_41 = scf.for %scan3A_238 = %scan3A_37 to %scan3A_39 step %scan3A_40 iter_args(%scan3A_239 = %broadcast_in_dim3A_3) -> (vector<16xi32>)  : i32 {
        %mul3A_240 = arith.constant 16 : i32
        %mul3A_241 = arith.muli %scan3A_238, %mul3A_240 : i32
        %get3A = arith.index_cast %mul3A_241 : i32 to index
        %get3A_242 = tpu.vector_load %arg4[%get3A] {strides = array<i32>} : memref<4096xi32, #tpu.memory_space<vmem>>, vector<16xi32>,
        %add3A_243 = arith.addi %scan3A_239, %get3A_242 : vector<16xi32>
        scf.yield %add3A_243 : vector<16xi32>
      }
      %scan3A_42 = arith.constant 128 : i32
      %and3A = arith.constant 255 : i32
      %and3A_43 = vector.broadcast %and3A : i32 to vector<16xi32>
      %and3A_44 = arith.andi %scan3A_41, %and3A_43 : vector<16xi32>
      %shift_right_logical3A = arith.constant 8 : i32
      %shift_right_logical3A_45 = vector.broadcast %shift_right_logical3A : i32 to vector<16xi32>
      %shift_right_logical3A_46 = arith.shrui %scan3A_41, %shift_right_logical3A_45 : vector<16xi32>
      %and3A_47 = arith.constant 255 : i32
      %and3A_48 = vector.broadcast %and3A_47 : i32 to vector<16xi32>
      %and3A_49 = arith.andi %shift_right_logical3A_46, %and3A_48 : vector<16xi32>
      %shift_right_logical3A_50 = arith.constant 16 : i32
      %shift_right_logical3A_51 = vector.broadcast %shift_right_logical3A_50 : i32 to vector<16xi32>
      %shift_right_logical3A_52 = arith.shrui %scan3A_41, %shift_right_logical3A_51 : vector<16xi32>
      %and3A_53 = arith.constant 255 : i32
      %and3A_54 = vector.broadcast %and3A_53 : i32 to vector<16xi32>
      %and3A_55 = arith.andi %shift_right_logical3A_52, %and3A_54 : vector<16xi32>
      %shift_right_logical3A_56 = arith.constant 24 : i32
      %shift_right_logical3A_57 = vector.broadcast %shift_right_logical3A_56 : i32 to vector<16xi32>
      %shift_right_logical3A_58 = arith.shrui %scan3A_41, %shift_right_logical3A_57 : vector<16xi32>
      %and3A_59 = arith.constant 255 : i32
      %and3A_60 = vector.broadcast %and3A_59 : i32 to vector<16xi32>
      %and3A_61 = arith.andi %shift_right_logical3A_58, %and3A_60 : vector<16xi32>
      %add3A_62 = arith.addi %broadcast_in_dim3A_3, %and3A_44 : vector<16xi32>
      %add3A_63 = arith.addi %add3A_62, %and3A_49 : vector<16xi32>
      %add3A_64 = arith.addi %add3A_63, %and3A_55 : vector<16xi32>
      %add3A_65 = arith.addi %add3A_64, %and3A_61 : vector<16xi32>
      %scan3A_66 = arith.constant 128 : i32
      %scan3A_67 = arith.constant 128 : i32
      %scan3A_68 = arith.addi %scan3A_66, %scan3A_67 : i32
      %scan3A_69 = arith.constant 1 : i32
      %scan3A_70 = scf.for %scan3A_238 = %scan3A_66 to %scan3A_68 step %scan3A_69 iter_args(%scan3A_239 = %broadcast_in_dim3A_3) -> (vector<16xi32>)  : i32 {
        %mul3A_240 = arith.constant 16 : i32
        %mul3A_241 = arith.muli %scan3A_238, %mul3A_240 : i32
        %get3A = arith.index_cast %mul3A_241 : i32 to index
        %get3A_242 = tpu.vector_load %arg4[%get3A] {strides = array<i32>} : memref<4096xi32, #tpu.memory_space<vmem>>, vector<16xi32>,
        %add3A_243 = arith.addi %scan3A_239, %get3A_242 : vector<16xi32>
        scf.yield %add3A_243 : vector<16xi32>
      }
      %scan3A_71 = arith.constant 128 : i32
      %and3A_72 = arith.constant 255 : i32
      %and3A_73 = vector.broadcast %and3A_72 : i32 to vector<16xi32>
      %and3A_74 = arith.andi %scan3A_70, %and3A_73 : vector<16xi32>
      %shift_right_logical3A_75 = arith.constant 8 : i32
      %shift_right_logical3A_76 = vector.broadcast %shift_right_logical3A_75 : i32 to vector<16xi32>
      %shift_right_logical3A_77 = arith.shrui %scan3A_70, %shift_right_logical3A_76 : vector<16xi32>
      %and3A_78 = arith.constant 255 : i32
      %and3A_79 = vector.broadcast %and3A_78 : i32 to vector<16xi32>
      %and3A_80 = arith.andi %shift_right_logical3A_77, %and3A_79 : vector<16xi32>
      %shift_right_logical3A_81 = arith.constant 16 : i32
      %shift_right_logical3A_82 = vector.broadcast %shift_right_logical3A_81 : i32 to vector<16xi32>
      %shift_right_logical3A_83 = arith.shrui %scan3A_70, %shift_right_logical3A_82 : vector<16xi32>
      %and3A_84 = arith.constant 255 : i32
      %and3A_85 = vector.broadcast %and3A_84 : i32 to vector<16xi32>
      %and3A_86 = arith.andi %shift_right_logical3A_83, %and3A_85 : vector<16xi32>
      %shift_right_logical3A_87 = arith.constant 24 : i32
      %shift_right_logical3A_88 = vector.broadcast %shift_right_logical3A_87 : i32 to vector<16xi32>
      %shift_right_logical3A_89 = arith.shrui %scan3A_70, %shift_right_logical3A_88 : vector<16xi32>
      %and3A_90 = arith.constant 255 : i32
      %and3A_91 = vector.broadcast %and3A_90 : i32 to vector<16xi32>
      %and3A_92 = arith.andi %shift_right_logical3A_89, %and3A_91 : vector<16xi32>
      %add3A_93 = arith.addi %add3A_65, %and3A_74 : vector<16xi32>
      %add3A_94 = arith.addi %add3A_93, %and3A_80 : vector<16xi32>
      %add3A_95 = arith.addi %add3A_94, %and3A_86 : vector<16xi32>
      %add3A_96 = arith.addi %add3A_95, %and3A_92 : vector<16xi32>
      %reduce_sum3A = arith.constant true
      %reduce_sum3A_97 = vector.broadcast %reduce_sum3A : i1 to vector<16xi1>
      %reduce_sum3A_98 = tpu.scan <sum>, %add3A_96 masked %reduce_sum3A_97 : vector<16xi32>, vector<16xi1> -> vector<16xi32>
      %reduce_sum3A_99 = vector.extract %reduce_sum3A_98[15] : i32 from vector<16xi32>
      %jit3A = arith.constant 16 : i32
      %eq3A = arith.constant 0 : i32
      %eq3A_100 = arith.cmpi eq, %jit3A, %eq3A : i32
      %jit3A_101 = arith.constant 1 : i32
      %select_n3A = arith.select %eq3A_100, %jit3A_101, %jit3A : i32
      %rem3A = arith.remsi %mul3A_24, %select_n3A : i32
      %ne3A = arith.constant 0 : i32
      %ne3A_102 = arith.cmpi ne, %rem3A, %ne3A : i32
      %lt3A = arith.constant 0 : i32
      %lt3A_103 = arith.cmpi slt, %rem3A, %lt3A : i32
      %lt3A_104 = arith.constant 0 : i32
      %lt3A_105 = arith.cmpi slt, %select_n3A, %lt3A_104 : i32
      %ne3A_106 = arith.xori %lt3A_103, %lt3A_105 : i1
      %and3A_107 = arith.andi %ne3A_106, %ne3A_102 : i1
      %add3A_108 = arith.addi %rem3A, %select_n3A : i32
      %select_n3A_109 = arith.select %and3A_107, %add3A_108, %rem3A : i32
      %lt3A_110 = arith.constant 16 : i32
      %lt3A_111 = arith.cmpi slt, %mul3A_24, %lt3A_110 : i32
      %eq3A_112 = vector.broadcast %select_n3A_109 : i32 to vector<16xi32>
      %eq3A_113 = arith.cmpi eq, %iota3A, %eq3A_112 : vector<16xi32>
      %and3A_114 = vector.broadcast %lt3A_111 : i1 to vector<16xi1>
      %and3A_115 = arith.andi %and3A_114, %eq3A_113 : vector<16xi1>
      %broadcast_in_dim3A_116 = vector.broadcast %reduce_sum3A_99 : i32 to vector<16xi32>
      %select_n3A_117 = arith.select %and3A_115, %broadcast_in_dim3A_116, %scan3A_21 : vector<16xi1>, vector<16xi32>
      %ge3A = arith.constant 16 : i32
      %ge3A_118 = arith.cmpi sge, %mul3A_24, %ge3A : i32
      %eq3A_119 = vector.broadcast %select_n3A_109 : i32 to vector<16xi32>
      %eq3A_120 = arith.cmpi eq, %iota3A, %eq3A_119 : vector<16xi32>
      %and3A_121 = vector.broadcast %ge3A_118 : i1 to vector<16xi1>
      %and3A_122 = arith.andi %and3A_121, %eq3A_120 : vector<16xi1>
      %broadcast_in_dim3A_123 = vector.broadcast %reduce_sum3A_99 : i32 to vector<16xi32>
      %select_n3A_124 = arith.select %and3A_122, %broadcast_in_dim3A_123, %scan3A_22 : vector<16xi1>, vector<16xi32>
      %add3A_125 = arith.constant 2 : i32
      %add3A_126 = arith.addi %mul3A_24, %add3A_125 : i32
      %min3A = arith.constant 31 : i32
      %min3A_127 = arith.minsi %add3A_126, %min3A : i32
      %mul3A_128 = arith.constant 4096 : i32
      %mul3A_129 = arith.muli %min3A_127, %mul3A_128 : i32
      %add3A_130 = arith.addi %mul3A_2, %mul3A_129 : i32
      %multiple_of3A_131 = tpu.assume_multiple %add3A_130, 8 : i32
      %dma_start3A_132 = tpu.memref_slice %arg2[%multiple_of3A_131] : memref<4194304xi32, #tpu.memory_space<hbm>> -> memref<4096xi32, #tpu.memory_space<hbm>>
      %dma_start3A_133 = tpu.memref_slice %arg2[%multiple_of3A_131] : memref<4194304xi32, #tpu.memory_space<hbm>> -> memref<4096xi32, #tpu.memory_space<hbm>>
      tpu.enqueue_dma source(%dma_start3A_133 : memref<4096xi32, #tpu.memory_space<hbm>>) target(%arg4 : memref<4096xi32, #tpu.memory_space<vmem>>) target_semaphore(%arg7 : memref<!tpu.dma_semaphore, #tpu.memory_space<semaphore_mem>>)
      %dma_wait3A_134 = arith.constant 0 : i32
      %dma_wait3A_135 = tpu.memref_slice %arg2[%dma_wait3A_134] : memref<4194304xi32, #tpu.memory_space<hbm>> -> memref<4096xi32, #tpu.memory_space<hbm>>
      %dma_wait3A_136 = arith.constant 0 : i32
      %dma_wait3A_137 = tpu.memref_slice %arg2[%dma_wait3A_136] : memref<4194304xi32, #tpu.memory_space<hbm>> -> memref<4096xi32, #tpu.memory_space<hbm>>
      tpu.wait_dma2 semaphore(%arg8 : memref<!tpu.dma_semaphore, #tpu.memory_space<semaphore_mem>>) src(%dma_wait3A_137 : memref<4096xi32, #tpu.memory_space<hbm>>) dst(%arg5 : memref<4096xi32, #tpu.memory_space<vmem>>)
      %add3A_138 = arith.constant 1 : i32
      %add3A_139 = arith.addi %mul3A_24, %add3A_138 : i32
      %scan3A_140 = arith.constant 0 : i32
      %scan3A_141 = arith.constant 128 : i32
      %scan3A_142 = arith.addi %scan3A_140, %scan3A_141 : i32
      %scan3A_143 = arith.constant 1 : i32
      %scan3A_144 = scf.for %scan3A_238 = %scan3A_140 to %scan3A_142 step %scan3A_143 iter_args(%scan3A_239 = %broadcast_in_dim3A_3) -> (vector<16xi32>)  : i32 {
        %mul3A_240 = arith.constant 16 : i32
        %mul3A_241 = arith.muli %scan3A_238, %mul3A_240 : i32
        %get3A = arith.index_cast %mul3A_241 : i32 to index
        %get3A_242 = tpu.vector_load %arg5[%get3A] {strides = array<i32>} : memref<4096xi32, #tpu.memory_space<vmem>>, vector<16xi32>,
        %add3A_243 = arith.addi %scan3A_239, %get3A_242 : vector<16xi32>
        scf.yield %add3A_243 : vector<16xi32>
      }
      %scan3A_145 = arith.constant 128 : i32
      %and3A_146 = arith.constant 255 : i32
      %and3A_147 = vector.broadcast %and3A_146 : i32 to vector<16xi32>
      %and3A_148 = arith.andi %scan3A_144, %and3A_147 : vector<16xi32>
      %shift_right_logical3A_149 = arith.constant 8 : i32
      %shift_right_logical3A_150 = vector.broadcast %shift_right_logical3A_149 : i32 to vector<16xi32>
      %shift_right_logical3A_151 = arith.shrui %scan3A_144, %shift_right_logical3A_150 : vector<16xi32>
      %and3A_152 = arith.constant 255 : i32
      %and3A_153 = vector.broadcast %and3A_152 : i32 to vector<16xi32>
      %and3A_154 = arith.andi %shift_right_logical3A_151, %and3A_153 : vector<16xi32>
      %shift_right_logical3A_155 = arith.constant 16 : i32
      %shift_right_logical3A_156 = vector.broadcast %shift_right_logical3A_155 : i32 to vector<16xi32>
      %shift_right_logical3A_157 = arith.shrui %scan3A_144, %shift_right_logical3A_156 : vector<16xi32>
      %and3A_158 = arith.constant 255 : i32
      %and3A_159 = vector.broadcast %and3A_158 : i32 to vector<16xi32>
      %and3A_160 = arith.andi %shift_right_logical3A_157, %and3A_159 : vector<16xi32>
      %shift_right_logical3A_161 = arith.constant 24 : i32
      %shift_right_logical3A_162 = vector.broadcast %shift_right_logical3A_161 : i32 to vector<16xi32>
      %shift_right_logical3A_163 = arith.shrui %scan3A_144, %shift_right_logical3A_162 : vector<16xi32>
      %and3A_164 = arith.constant 255 : i32
      %and3A_165 = vector.broadcast %and3A_164 : i32 to vector<16xi32>
      %and3A_166 = arith.andi %shift_right_logical3A_163, %and3A_165 : vector<16xi32>
      %add3A_167 = arith.addi %broadcast_in_dim3A_3, %and3A_148 : vector<16xi32>
      %add3A_168 = arith.addi %add3A_167, %and3A_154 : vector<16xi32>
      %add3A_169 = arith.addi %add3A_168, %and3A_160 : vector<16xi32>
      %add3A_170 = arith.addi %add3A_169, %and3A_166 : vector<16xi32>
      %scan3A_171 = arith.constant 128 : i32
      %scan3A_172 = arith.constant 128 : i32
      %scan3A_173 = arith.addi %scan3A_171, %scan3A_172 : i32
      %scan3A_174 = arith.constant 1 : i32
      %scan3A_175 = scf.for %scan3A_238 = %scan3A_171 to %scan3A_173 step %scan3A_174 iter_args(%scan3A_239 = %broadcast_in_dim3A_3) -> (vector<16xi32>)  : i32 {
        %mul3A_240 = arith.constant 16 : i32
        %mul3A_241 = arith.muli %scan3A_238, %mul3A_240 : i32
        %get3A = arith.index_cast %mul3A_241 : i32 to index
        %get3A_242 = tpu.vector_load %arg5[%get3A] {strides = array<i32>} : memref<4096xi32, #tpu.memory_space<vmem>>, vector<16xi32>,
        %add3A_243 = arith.addi %scan3A_239, %get3A_242 : vector<16xi32>
        scf.yield %add3A_243 : vector<16xi32>
      }
      %scan3A_176 = arith.constant 128 : i32
      %and3A_177 = arith.constant 255 : i32
      %and3A_178 = vector.broadcast %and3A_177 : i32 to vector<16xi32>
      %and3A_179 = arith.andi %scan3A_175, %and3A_178 : vector<16xi32>
      %shift_right_logical3A_180 = arith.constant 8 : i32
      %shift_right_logical3A_181 = vector.broadcast %shift_right_logical3A_180 : i32 to vector<16xi32>
      %shift_right_logical3A_182 = arith.shrui %scan3A_175, %shift_right_logical3A_181 : vector<16xi32>
      %and3A_183 = arith.constant 255 : i32
      %and3A_184 = vector.broadcast %and3A_183 : i32 to vector<16xi32>
      %and3A_185 = arith.andi %shift_right_logical3A_182, %and3A_184 : vector<16xi32>
      %shift_right_logical3A_186 = arith.constant 16 : i32
      %shift_right_logical3A_187 = vector.broadcast %shift_right_logical3A_186 : i32 to vector<16xi32>
      %shift_right_logical3A_188 = arith.shrui %scan3A_175, %shift_right_logical3A_187 : vector<16xi32>
      %and3A_189 = arith.constant 255 : i32
      %and3A_190 = vector.broadcast %and3A_189 : i32 to vector<16xi32>
      %and3A_191 = arith.andi %shift_right_logical3A_188, %and3A_190 : vector<16xi32>
      %shift_right_logical3A_192 = arith.constant 24 : i32
      %shift_right_logical3A_193 = vector.broadcast %shift_right_logical3A_192 : i32 to vector<16xi32>
      %shift_right_logical3A_194 = arith.shrui %scan3A_175, %shift_right_logical3A_193 : vector<16xi32>
      %and3A_195 = arith.constant 255 : i32
      %and3A_196 = vector.broadcast %and3A_195 : i32 to vector<16xi32>
      %and3A_197 = arith.andi %shift_right_logical3A_194, %and3A_196 : vector<16xi32>
      %add3A_198 = arith.addi %add3A_170, %and3A_179 : vector<16xi32>
      %add3A_199 = arith.addi %add3A_198, %and3A_185 : vector<16xi32>
      %add3A_200 = arith.addi %add3A_199, %and3A_191 : vector<16xi32>
      %add3A_201 = arith.addi %add3A_200, %and3A_197 : vector<16xi32>
      %reduce_sum3A_202 = arith.constant true
      %reduce_sum3A_203 = vector.broadcast %reduce_sum3A_202 : i1 to vector<16xi1>
      %reduce_sum3A_204 = tpu.scan <sum>, %add3A_201 masked %reduce_sum3A_203 : vector<16xi32>, vector<16xi1> -> vector<16xi32>
      %reduce_sum3A_205 = vector.extract %reduce_sum3A_204[15] : i32 from vector<16xi32>
      %jit3A_206 = arith.constant 16 : i32
      %eq3A_207 = arith.constant 0 : i32
      %eq3A_208 = arith.cmpi eq, %jit3A_206, %eq3A_207 : i32
      %jit3A_209 = arith.constant 1 : i32
      %select_n3A_210 = arith.select %eq3A_208, %jit3A_209, %jit3A_206 : i32
      %rem3A_211 = arith.remsi %add3A_139, %select_n3A_210 : i32
      %ne3A_212 = arith.constant 0 : i32
      %ne3A_213 = arith.cmpi ne, %rem3A_211, %ne3A_212 : i32
      %lt3A_214 = arith.constant 0 : i32
      %lt3A_215 = arith.cmpi slt, %rem3A_211, %lt3A_214 : i32
      %lt3A_216 = arith.constant 0 : i32
      %lt3A_217 = arith.cmpi slt, %select_n3A_210, %lt3A_216 : i32
      %ne3A_218 = arith.xori %lt3A_215, %lt3A_217 : i1
      %and3A_219 = arith.andi %ne3A_218, %ne3A_213 : i1
      %add3A_220 = arith.addi %rem3A_211, %select_n3A_210 : i32
      %select_n3A_221 = arith.select %and3A_219, %add3A_220, %rem3A_211 : i32
      %lt3A_222 = arith.constant 16 : i32
      %lt3A_223 = arith.cmpi slt, %add3A_139, %lt3A_222 : i32
      %eq3A_224 = vector.broadcast %select_n3A_221 : i32 to vector<16xi32>
      %eq3A_225 = arith.cmpi eq, %iota3A, %eq3A_224 : vector<16xi32>
      %and3A_226 = vector.broadcast %lt3A_223 : i1 to vector<16xi1>
      %and3A_227 = arith.andi %and3A_226, %eq3A_225 : vector<16xi1>
      %broadcast_in_dim3A_228 = vector.broadcast %reduce_sum3A_205 : i32 to vector<16xi32>
      %select_n3A_229 = arith.select %and3A_227, %broadcast_in_dim3A_228, %select_n3A_117 : vector<16xi1>, vector<16xi32>
      %ge3A_230 = arith.constant 16 : i32
      %ge3A_231 = arith.cmpi sge, %add3A_139, %ge3A_230 : i32
      %eq3A_232 = vector.broadcast %select_n3A_221 : i32 to vector<16xi32>
      %eq3A_233 = arith.cmpi eq, %iota3A, %eq3A_232 : vector<16xi32>
      %and3A_234 = vector.broadcast %ge3A_231 : i1 to vector<16xi1>
      %and3A_235 = arith.andi %and3A_234, %eq3A_233 : vector<16xi1>
      %broadcast_in_dim3A_236 = vector.broadcast %reduce_sum3A_205 : i32 to vector<16xi32>
      %select_n3A_237 = arith.select %and3A_235, %broadcast_in_dim3A_236, %select_n3A_124 : vector<16xi1>, vector<16xi32>
      scf.yield %select_n3A_229, %select_n3A_237 : vector<16xi32>, vector<16xi32>
    }
    %scan3A_11 = arith.constant 16 : i32
    %dma_wait3A = arith.constant 0 : i32
    %dma_wait3A_12 = tpu.memref_slice %arg2[%dma_wait3A] : memref<4194304xi32, #tpu.memory_space<hbm>> -> memref<4096xi32, #tpu.memory_space<hbm>>
    %dma_wait3A_13 = arith.constant 0 : i32
    %dma_wait3A_14 = tpu.memref_slice %arg2[%dma_wait3A_13] : memref<4194304xi32, #tpu.memory_space<hbm>> -> memref<4096xi32, #tpu.memory_space<hbm>>
    tpu.wait_dma2 semaphore(%arg7 : memref<!tpu.dma_semaphore, #tpu.memory_space<semaphore_mem>>) src(%dma_wait3A_14 : memref<4096xi32, #tpu.memory_space<hbm>>) dst(%arg4 : memref<4096xi32, #tpu.memory_space<vmem>>)
    %swap3A = arith.constant 0 : index
    %swap3A_15 = tpu.vector_load %arg6[%swap3A] {strides = array<i32>} : memref<32xi32, #tpu.memory_space<vmem>>, vector<16xi32>,
    tpu.vector_store %arg6[%swap3A], %scan3A_10#0 {strides = array<i32>} : memref<32xi32, #tpu.memory_space<vmem>>, vector<16xi32>,
    %swap3A_16 = arith.constant 16 : index
    %swap3A_17 = tpu.vector_load %arg6[%swap3A_16] {strides = array<i32>} : memref<32xi32, #tpu.memory_space<vmem>>, vector<16xi32>,
    tpu.vector_store %arg6[%swap3A_16], %scan3A_10#1 {strides = array<i32>} : memref<32xi32, #tpu.memory_space<vmem>>, vector<16xi32>,
    %mul3A_18 = arith.constant 32 : i32
    %mul3A_19 = arith.muli %add3A, %mul3A_18 : i32
    "tpu.region"() ({
      %run_scoped3A = tpu.sem_alloc : memref<!tpu.dma_semaphore, #tpu.memory_space<semaphore_mem>>
      %dma_start3A_20 = tpu.memref_slice %arg3[%mul3A_19] : memref<1024xi32, #tpu.memory_space<hbm>> -> memref<32xi32, #tpu.memory_space<hbm>>
      %dma_start3A_21 = tpu.memref_slice %arg3[%mul3A_19] : memref<1024xi32, #tpu.memory_space<hbm>> -> memref<32xi32, #tpu.memory_space<hbm>>
      tpu.enqueue_dma source(%arg6 : memref<32xi32, #tpu.memory_space<vmem>>) target(%dma_start3A_21 : memref<32xi32, #tpu.memory_space<hbm>>) target_semaphore(%run_scoped3A : memref<!tpu.dma_semaphore, #tpu.memory_space<semaphore_mem>>)
      %dma_wait3A_22 = tpu.memref_slice %arg3[%mul3A_19] : memref<1024xi32, #tpu.memory_space<hbm>> -> memref<32xi32, #tpu.memory_space<hbm>>
      %dma_wait3A_23 = tpu.memref_slice %arg3[%mul3A_19] : memref<1024xi32, #tpu.memory_space<hbm>> -> memref<32xi32, #tpu.memory_space<hbm>>
      tpu.wait_dma2 semaphore(%run_scoped3A : memref<!tpu.dma_semaphore, #tpu.memory_space<semaphore_mem>>) src(%arg6 : memref<32xi32, #tpu.memory_space<vmem>>) dst(%dma_wait3A_23 : memref<32xi32, #tpu.memory_space<hbm>>)
      tpu.yield
    }) : () -> ()
    return
  }
}

#map = affine_map<(d0, d1) -> (0)>
module attributes {stable_mosaic.version = 14 : i64} {
  func.func @scatter_kernel(%arg0: i32, %arg1: i32, %arg2: memref<4194304xi32, #tpu.memory_space<hbm>>, %arg3: memref<16777216xf32, #tpu.memory_space<hbm>>, %arg4: memref<16777216xf32, #tpu.memory_space<hbm>>, %arg5: memref<1024xi32, #tpu.memory_space<hbm>>, %arg6: memref<16777216xf32, #tpu.memory_space<hbm>>, %arg7: memref<4096xi32, #tpu.memory_space<vmem>>, %arg8: memref<4096xi32, #tpu.memory_space<vmem>>, %arg9: memref<16384xf32, #tpu.memory_space<vmem>>, %arg10: memref<16384xf32, #tpu.memory_space<vmem>>, %arg11: memref<16392xf32, #tpu.memory_space<vmem>>, %arg12: memref<16392xf32, #tpu.memory_space<vmem>>, %arg13: memref<1024xi32, #tpu.memory_space<vmem>>, %arg14: memref<1024xi32, #tpu.memory_space<vmem>>, %arg15: memref<!tpu.dma_semaphore, #tpu.memory_space<semaphore_mem>>, %arg16: memref<!tpu.dma_semaphore, #tpu.memory_space<semaphore_mem>>, %arg17: memref<!tpu.dma_semaphore, #tpu.memory_space<semaphore_mem>>, %arg18: memref<!tpu.dma_semaphore, #tpu.memory_space<semaphore_mem>>) attributes {dimension_semantics = [#tpu.dimension_semantics<core_parallel>, #tpu.dimension_semantics<subcore_parallel>], iteration_bounds = array<i64: 2, 16>, scalar_prefetch = 0 : i64, scratch_operands = 12 : i64, tpu.core_type = #tpu.core_type<sc_vector_subcore>, window_params = [{transform_indices = #map}, {transform_indices = #map}, {transform_indices = #map}, {transform_indices = #map}, {transform_indices = #map}]} {
    %mul3A = arith.constant 2 : i32
    %mul3A_0 = arith.muli %arg1, %mul3A : i32
    %add3A = arith.addi %mul3A_0, %arg0 : i32
    %mul3A_1 = arith.constant 524288 : i32
    %mul3A_2 = arith.muli %add3A, %mul3A_1 : i32
    %iota3A = tpu.iota {dimensions = array<i32: 0>} : vector<16xi32>
    %mul3A_3 = arith.constant 4 : i32
    %mul3A_4 = vector.broadcast %mul3A_3 : i32 to vector<16xi32>
    %mul3A_5 = arith.muli %iota3A, %mul3A_4 : vector<16xi32>
    "tpu.region"() ({
      %run_scoped3A = tpu.sem_alloc : memref<!tpu.dma_semaphore, #tpu.memory_space<semaphore_mem>>
      tpu.enqueue_dma source(%arg5 : memref<1024xi32, #tpu.memory_space<hbm>>) target(%arg13 : memref<1024xi32, #tpu.memory_space<vmem>>) target_semaphore(%run_scoped3A : memref<!tpu.dma_semaphore, #tpu.memory_space<semaphore_mem>>)
      tpu.wait_dma2 semaphore(%run_scoped3A : memref<!tpu.dma_semaphore, #tpu.memory_space<semaphore_mem>>) src(%arg5 : memref<1024xi32, #tpu.memory_space<hbm>>) dst(%arg13 : memref<1024xi32, #tpu.memory_space<vmem>>)
      tpu.yield
    }) : () -> ()
    %scan3A = arith.constant 0 : i32
    %scan3A_6 = arith.constant 0 : i32
    %scan3A_7 = arith.constant 64 : i32
    %scan3A_8 = arith.addi %scan3A_6, %scan3A_7 : i32
    %scan3A_9 = arith.constant 1 : i32
    %scan3A_10 = scf.for %scan3A_268 = %scan3A_6 to %scan3A_8 step %scan3A_9 iter_args(%scan3A_269 = %scan3A) -> (i32)  : i32 {
      %mul3A_270 = arith.constant 16 : i32
      %mul3A_271 = arith.muli %scan3A_268, %mul3A_270 : i32
      %get3A_272 = arith.index_cast %mul3A_271 : i32 to index
      %get3A_273 = tpu.vector_load %arg13[%get3A_272] {strides = array<i32>} : memref<1024xi32, #tpu.memory_space<vmem>>, vector<16xi32>,
      %broadcast_in_dim3A_274 = arith.constant true
      %broadcast_in_dim3A_275 = vector.broadcast %broadcast_in_dim3A_274 : i1 to vector<16xi1>
      %masked_cumsum3A = tpu.scan <sum>, %get3A_273 masked %broadcast_in_dim3A_275 : vector<16xi32>, vector<16xi1> -> vector<16xi32>
      %add3A_276 = vector.broadcast %scan3A_269 : i32 to vector<16xi32>
      %add3A_277 = arith.addi %add3A_276, %masked_cumsum3A : vector<16xi32>
      %sub3A_278 = arith.subi %add3A_277, %get3A_273 : vector<16xi32>
      %mul3A_279 = arith.constant 16 : i32
      %mul3A_280 = arith.muli %scan3A_268, %mul3A_279 : i32
      %swap3A = arith.index_cast %mul3A_280 : i32 to index
      %swap3A_281 = tpu.vector_load %arg14[%swap3A] {strides = array<i32>} : memref<1024xi32, #tpu.memory_space<vmem>>, vector<16xi32>,
      tpu.vector_store %arg14[%swap3A], %sub3A_278 {strides = array<i32>} : memref<1024xi32, #tpu.memory_space<vmem>>, vector<16xi32>,
      %slice3A = vector.extract_strided_slice %masked_cumsum3A {offsets = [15], sizes = [1], strides = [1]} : vector<16xi32> to vector<1xi32>
      %squeeze3A = vector.extract %slice3A[0] : i32 from vector<1xi32>
      %add3A_282 = arith.addi %scan3A_269, %squeeze3A : i32
      scf.yield %add3A_282 : i32
    }
    %scan3A_11 = arith.constant 64 : i32
    %add3A_12 = arith.constant 0 : i32
    %add3A_13 = arith.addi %mul3A_2, %add3A_12 : i32
    %jit3A = arith.constant 4 : i32
    %div3A = arith.divsi %add3A_13, %jit3A : i32
    %sign3A = arith.constant 0 : i32
    %sign3A_14 = arith.cmpi sgt, %add3A_13, %sign3A : i32
    %sign3A_15 = arith.extui %sign3A_14 : i1 to i32
    %sign3A_16 = arith.constant 0 : i32
    %sign3A_17 = arith.cmpi slt, %add3A_13, %sign3A_16 : i32
    %sign3A_18 = arith.extui %sign3A_17 : i1 to i32
    %sign3A_19 = arith.subi %sign3A_15, %sign3A_18 : i32
    %sign3A_20 = arith.constant 0 : i32
    %sign3A_21 = arith.cmpi sgt, %jit3A, %sign3A_20 : i32
    %sign3A_22 = arith.extui %sign3A_21 : i1 to i32
    %sign3A_23 = arith.constant 0 : i32
    %sign3A_24 = arith.cmpi slt, %jit3A, %sign3A_23 : i32
    %sign3A_25 = arith.extui %sign3A_24 : i1 to i32
    %sign3A_26 = arith.subi %sign3A_22, %sign3A_25 : i32
    %ne3A = arith.cmpi ne, %sign3A_19, %sign3A_26 : i32
    %rem3A = arith.remsi %add3A_13, %jit3A : i32
    %ne3A_27 = arith.constant 0 : i32
    %ne3A_28 = arith.cmpi ne, %rem3A, %ne3A_27 : i32
    %and3A = arith.andi %ne3A, %ne3A_28 : i1
    %sub3A = arith.constant 1 : i32
    %sub3A_29 = arith.subi %div3A, %sub3A : i32
    %select_n3A = arith.select %and3A, %sub3A_29, %div3A : i32
    %multiple_of3A = tpu.assume_multiple %select_n3A, 8 : i32
    %dma_start3A = tpu.memref_slice %arg2[%multiple_of3A] : memref<4194304xi32, #tpu.memory_space<hbm>> -> memref<4096xi32, #tpu.memory_space<hbm>>
    %dma_start3A_30 = tpu.memref_slice %arg2[%multiple_of3A] : memref<4194304xi32, #tpu.memory_space<hbm>> -> memref<4096xi32, #tpu.memory_space<hbm>>
    tpu.enqueue_dma source(%dma_start3A_30 : memref<4096xi32, #tpu.memory_space<hbm>>) target(%arg7 : memref<4096xi32, #tpu.memory_space<vmem>>) target_semaphore(%arg15 : memref<!tpu.dma_semaphore, #tpu.memory_space<semaphore_mem>>)
    %dma_start3A_31 = tpu.memref_slice %arg3[%add3A_13] : memref<16777216xf32, #tpu.memory_space<hbm>> -> memref<16384xf32, #tpu.memory_space<hbm>>
    %dma_start3A_32 = tpu.memref_slice %arg3[%add3A_13] : memref<16777216xf32, #tpu.memory_space<hbm>> -> memref<16384xf32, #tpu.memory_space<hbm>>
    tpu.enqueue_dma source(%dma_start3A_32 : memref<16384xf32, #tpu.memory_space<hbm>>) target(%arg9 : memref<16384xf32, #tpu.memory_space<vmem>>) target_semaphore(%arg15 : memref<!tpu.dma_semaphore, #tpu.memory_space<semaphore_mem>>)
    %mul3A_33 = arith.constant 32 : i32
    %mul3A_34 = arith.muli %add3A, %mul3A_33 : i32
    %add3A_35 = arith.constant 0 : i32
    %add3A_36 = arith.addi %mul3A_34, %add3A_35 : i32
    %jit3A_37 = arith.constant 16 : i32
    %div3A_38 = arith.divsi %add3A_36, %jit3A_37 : i32
    %sign3A_39 = arith.constant 0 : i32
    %sign3A_40 = arith.cmpi sgt, %add3A_36, %sign3A_39 : i32
    %sign3A_41 = arith.extui %sign3A_40 : i1 to i32
    %sign3A_42 = arith.constant 0 : i32
    %sign3A_43 = arith.cmpi slt, %add3A_36, %sign3A_42 : i32
    %sign3A_44 = arith.extui %sign3A_43 : i1 to i32
    %sign3A_45 = arith.subi %sign3A_41, %sign3A_44 : i32
    %sign3A_46 = arith.constant 0 : i32
    %sign3A_47 = arith.cmpi sgt, %jit3A_37, %sign3A_46 : i32
    %sign3A_48 = arith.extui %sign3A_47 : i1 to i32
    %sign3A_49 = arith.constant 0 : i32
    %sign3A_50 = arith.cmpi slt, %jit3A_37, %sign3A_49 : i32
    %sign3A_51 = arith.extui %sign3A_50 : i1 to i32
    %sign3A_52 = arith.subi %sign3A_48, %sign3A_51 : i32
    %ne3A_53 = arith.cmpi ne, %sign3A_45, %sign3A_52 : i32
    %rem3A_54 = arith.remsi %add3A_36, %jit3A_37 : i32
    %ne3A_55 = arith.constant 0 : i32
    %ne3A_56 = arith.cmpi ne, %rem3A_54, %ne3A_55 : i32
    %and3A_57 = arith.andi %ne3A_53, %ne3A_56 : i1
    %sub3A_58 = arith.constant 1 : i32
    %sub3A_59 = arith.subi %div3A_38, %sub3A_58 : i32
    %select_n3A_60 = arith.select %and3A_57, %sub3A_59, %div3A_38 : i32
    %mul3A_61 = arith.constant 16 : i32
    %mul3A_62 = arith.muli %select_n3A_60, %mul3A_61 : i32
    %get3A = arith.index_cast %mul3A_62 : i32 to index
    %get3A_63 = tpu.vector_load %arg14[%get3A] {strides = array<i32>} : memref<1024xi32, #tpu.memory_space<vmem>>, vector<16xi32>,
    %jit3A_64 = arith.constant 16 : i32
    %eq3A = arith.constant 0 : i32
    %eq3A_65 = arith.cmpi eq, %jit3A_64, %eq3A : i32
    %jit3A_66 = arith.constant 1 : i32
    %select_n3A_67 = arith.select %eq3A_65, %jit3A_66, %jit3A_64 : i32
    %rem3A_68 = arith.remsi %add3A_36, %select_n3A_67 : i32
    %ne3A_69 = arith.constant 0 : i32
    %ne3A_70 = arith.cmpi ne, %rem3A_68, %ne3A_69 : i32
    %lt3A = arith.constant 0 : i32
    %lt3A_71 = arith.cmpi slt, %rem3A_68, %lt3A : i32
    %lt3A_72 = arith.constant 0 : i32
    %lt3A_73 = arith.cmpi slt, %select_n3A_67, %lt3A_72 : i32
    %ne3A_74 = arith.xori %lt3A_71, %lt3A_73 : i1
    %and3A_75 = arith.andi %ne3A_74, %ne3A_70 : i1
    %add3A_76 = arith.addi %rem3A_68, %select_n3A_67 : i32
    %select_n3A_77 = arith.select %and3A_75, %add3A_76, %rem3A_68 : i32
    %eq3A_78 = vector.broadcast %select_n3A_77 : i32 to vector<16xi32>
    %eq3A_79 = arith.cmpi eq, %iota3A, %eq3A_78 : vector<16xi32>
    %jit3A_80 = arith.constant 0 : i32
    %broadcast_in_dim3A = vector.broadcast %jit3A_80 : i32 to vector<16xi32>
    %select_n3A_81 = arith.select %eq3A_79, %get3A_63, %broadcast_in_dim3A : vector<16xi1>, vector<16xi32>
    %reduce_sum3A = arith.constant true
    %reduce_sum3A_82 = vector.broadcast %reduce_sum3A : i1 to vector<16xi1>
    %reduce_sum3A_83 = tpu.scan <sum>, %select_n3A_81 masked %reduce_sum3A_82 : vector<16xi32>, vector<16xi1> -> vector<16xi32>
    %reduce_sum3A_84 = vector.extract %reduce_sum3A_83[15] : i32 from vector<16xi32>
    %jit3A_85 = arith.constant 8 : i32
    %div3A_86 = arith.divsi %reduce_sum3A_84, %jit3A_85 : i32
    %sign3A_87 = arith.constant 0 : i32
    %sign3A_88 = arith.cmpi sgt, %reduce_sum3A_84, %sign3A_87 : i32
    %sign3A_89 = arith.extui %sign3A_88 : i1 to i32
    %sign3A_90 = arith.constant 0 : i32
    %sign3A_91 = arith.cmpi slt, %reduce_sum3A_84, %sign3A_90 : i32
    %sign3A_92 = arith.extui %sign3A_91 : i1 to i32
    %sign3A_93 = arith.subi %sign3A_89, %sign3A_92 : i32
    %sign3A_94 = arith.constant 0 : i32
    %sign3A_95 = arith.cmpi sgt, %jit3A_85, %sign3A_94 : i32
    %sign3A_96 = arith.extui %sign3A_95 : i1 to i32
    %sign3A_97 = arith.constant 0 : i32
    %sign3A_98 = arith.cmpi slt, %jit3A_85, %sign3A_97 : i32
    %sign3A_99 = arith.extui %sign3A_98 : i1 to i32
    %sign3A_100 = arith.subi %sign3A_96, %sign3A_99 : i32
    %ne3A_101 = arith.cmpi ne, %sign3A_93, %sign3A_100 : i32
    %rem3A_102 = arith.remsi %reduce_sum3A_84, %jit3A_85 : i32
    %ne3A_103 = arith.constant 0 : i32
    %ne3A_104 = arith.cmpi ne, %rem3A_102, %ne3A_103 : i32
    %and3A_105 = arith.andi %ne3A_101, %ne3A_104 : i1
    %sub3A_106 = arith.constant 1 : i32
    %sub3A_107 = arith.subi %div3A_86, %sub3A_106 : i32
    %select_n3A_108 = arith.select %and3A_105, %sub3A_107, %div3A_86 : i32
    %mul3A_109 = arith.constant 8 : i32
    %mul3A_110 = arith.muli %select_n3A_108, %mul3A_109 : i32
    %min3A = arith.constant 16760824 : i32
    %min3A_111 = arith.minsi %mul3A_110, %min3A : i32
    %max3A = arith.constant 0 : i32
    %max3A_112 = arith.maxsi %min3A_111, %max3A : i32
    %multiple_of3A_113 = tpu.assume_multiple %max3A_112, 8 : i32
    %dma_start3A_114 = tpu.memref_slice %arg4[%multiple_of3A_113] : memref<16777216xf32, #tpu.memory_space<hbm>> -> memref<16392xf32, #tpu.memory_space<hbm>>
    %dma_start3A_115 = tpu.memref_slice %arg4[%multiple_of3A_113] : memref<16777216xf32, #tpu.memory_space<hbm>> -> memref<16392xf32, #tpu.memory_space<hbm>>
    tpu.enqueue_dma source(%dma_start3A_115 : memref<16392xf32, #tpu.memory_space<hbm>>) target(%arg11 : memref<16392xf32, #tpu.memory_space<vmem>>) target_semaphore(%arg15 : memref<!tpu.dma_semaphore, #tpu.memory_space<semaphore_mem>>)
    %sub3A_116 = arith.subi %reduce_sum3A_84, %multiple_of3A_113 : i32
    %add3A_117 = arith.constant 16384 : i32
    %add3A_118 = arith.addi %mul3A_2, %add3A_117 : i32
    %jit3A_119 = arith.constant 4 : i32
    %div3A_120 = arith.divsi %add3A_118, %jit3A_119 : i32
    %sign3A_121 = arith.constant 0 : i32
    %sign3A_122 = arith.cmpi sgt, %add3A_118, %sign3A_121 : i32
    %sign3A_123 = arith.extui %sign3A_122 : i1 to i32
    %sign3A_124 = arith.constant 0 : i32
    %sign3A_125 = arith.cmpi slt, %add3A_118, %sign3A_124 : i32
    %sign3A_126 = arith.extui %sign3A_125 : i1 to i32
    %sign3A_127 = arith.subi %sign3A_123, %sign3A_126 : i32
    %sign3A_128 = arith.constant 0 : i32
    %sign3A_129 = arith.cmpi sgt, %jit3A_119, %sign3A_128 : i32
    %sign3A_130 = arith.extui %sign3A_129 : i1 to i32
    %sign3A_131 = arith.constant 0 : i32
    %sign3A_132 = arith.cmpi slt, %jit3A_119, %sign3A_131 : i32
    %sign3A_133 = arith.extui %sign3A_132 : i1 to i32
    %sign3A_134 = arith.subi %sign3A_130, %sign3A_133 : i32
    %ne3A_135 = arith.cmpi ne, %sign3A_127, %sign3A_134 : i32
    %rem3A_136 = arith.remsi %add3A_118, %jit3A_119 : i32
    %ne3A_137 = arith.constant 0 : i32
    %ne3A_138 = arith.cmpi ne, %rem3A_136, %ne3A_137 : i32
    %and3A_139 = arith.andi %ne3A_135, %ne3A_138 : i1
    %sub3A_140 = arith.constant 1 : i32
    %sub3A_141 = arith.subi %div3A_120, %sub3A_140 : i32
    %select_n3A_142 = arith.select %and3A_139, %sub3A_141, %div3A_120 : i32
    %multiple_of3A_143 = tpu.assume_multiple %select_n3A_142, 8 : i32
    %dma_start3A_144 = tpu.memref_slice %arg2[%multiple_of3A_143] : memref<4194304xi32, #tpu.memory_space<hbm>> -> memref<4096xi32, #tpu.memory_space<hbm>>
    %dma_start3A_145 = tpu.memref_slice %arg2[%multiple_of3A_143] : memref<4194304xi32, #tpu.memory_space<hbm>> -> memref<4096xi32, #tpu.memory_space<hbm>>
    tpu.enqueue_dma source(%dma_start3A_145 : memref<4096xi32, #tpu.memory_space<hbm>>) target(%arg8 : memref<4096xi32, #tpu.memory_space<vmem>>) target_semaphore(%arg16 : memref<!tpu.dma_semaphore, #tpu.memory_space<semaphore_mem>>)
    %dma_start3A_146 = tpu.memref_slice %arg3[%add3A_118] : memref<16777216xf32, #tpu.memory_space<hbm>> -> memref<16384xf32, #tpu.memory_space<hbm>>
    %dma_start3A_147 = tpu.memref_slice %arg3[%add3A_118] : memref<16777216xf32, #tpu.memory_space<hbm>> -> memref<16384xf32, #tpu.memory_space<hbm>>
    tpu.enqueue_dma source(%dma_start3A_147 : memref<16384xf32, #tpu.memory_space<hbm>>) target(%arg10 : memref<16384xf32, #tpu.memory_space<vmem>>) target_semaphore(%arg16 : memref<!tpu.dma_semaphore, #tpu.memory_space<semaphore_mem>>)
    %mul3A_148 = arith.constant 32 : i32
    %mul3A_149 = arith.muli %add3A, %mul3A_148 : i32
    %add3A_150 = arith.constant 1 : i32
    %add3A_151 = arith.addi %mul3A_149, %add3A_150 : i32
    %jit3A_152 = arith.constant 16 : i32
    %div3A_153 = arith.divsi %add3A_151, %jit3A_152 : i32
    %sign3A_154 = arith.constant 0 : i32
    %sign3A_155 = arith.cmpi sgt, %add3A_151, %sign3A_154 : i32
    %sign3A_156 = arith.extui %sign3A_155 : i1 to i32
    %sign3A_157 = arith.constant 0 : i32
    %sign3A_158 = arith.cmpi slt, %add3A_151, %sign3A_157 : i32
    %sign3A_159 = arith.extui %sign3A_158 : i1 to i32
    %sign3A_160 = arith.subi %sign3A_156, %sign3A_159 : i32
    %sign3A_161 = arith.constant 0 : i32
    %sign3A_162 = arith.cmpi sgt, %jit3A_152, %sign3A_161 : i32
    %sign3A_163 = arith.extui %sign3A_162 : i1 to i32
    %sign3A_164 = arith.constant 0 : i32
    %sign3A_165 = arith.cmpi slt, %jit3A_152, %sign3A_164 : i32
    %sign3A_166 = arith.extui %sign3A_165 : i1 to i32
    %sign3A_167 = arith.subi %sign3A_163, %sign3A_166 : i32
    %ne3A_168 = arith.cmpi ne, %sign3A_160, %sign3A_167 : i32
    %rem3A_169 = arith.remsi %add3A_151, %jit3A_152 : i32
    %ne3A_170 = arith.constant 0 : i32
    %ne3A_171 = arith.cmpi ne, %rem3A_169, %ne3A_170 : i32
    %and3A_172 = arith.andi %ne3A_168, %ne3A_171 : i1
    %sub3A_173 = arith.constant 1 : i32
    %sub3A_174 = arith.subi %div3A_153, %sub3A_173 : i32
    %select_n3A_175 = arith.select %and3A_172, %sub3A_174, %div3A_153 : i32
    %mul3A_176 = arith.constant 16 : i32
    %mul3A_177 = arith.muli %select_n3A_175, %mul3A_176 : i32
    %get3A_178 = arith.index_cast %mul3A_177 : i32 to index
    %get3A_179 = tpu.vector_load %arg14[%get3A_178] {strides = array<i32>} : memref<1024xi32, #tpu.memory_space<vmem>>, vector<16xi32>,
    %jit3A_180 = arith.constant 16 : i32
    %eq3A_181 = arith.constant 0 : i32
    %eq3A_182 = arith.cmpi eq, %jit3A_180, %eq3A_181 : i32
    %jit3A_183 = arith.constant 1 : i32
    %select_n3A_184 = arith.select %eq3A_182, %jit3A_183, %jit3A_180 : i32
    %rem3A_185 = arith.remsi %add3A_151, %select_n3A_184 : i32
    %ne3A_186 = arith.constant 0 : i32
    %ne3A_187 = arith.cmpi ne, %rem3A_185, %ne3A_186 : i32
    %lt3A_188 = arith.constant 0 : i32
    %lt3A_189 = arith.cmpi slt, %rem3A_185, %lt3A_188 : i32
    %lt3A_190 = arith.constant 0 : i32
    %lt3A_191 = arith.cmpi slt, %select_n3A_184, %lt3A_190 : i32
    %ne3A_192 = arith.xori %lt3A_189, %lt3A_191 : i1
    %and3A_193 = arith.andi %ne3A_192, %ne3A_187 : i1
    %add3A_194 = arith.addi %rem3A_185, %select_n3A_184 : i32
    %select_n3A_195 = arith.select %and3A_193, %add3A_194, %rem3A_185 : i32
    %eq3A_196 = vector.broadcast %select_n3A_195 : i32 to vector<16xi32>
    %eq3A_197 = arith.cmpi eq, %iota3A, %eq3A_196 : vector<16xi32>
    %jit3A_198 = arith.constant 0 : i32
    %broadcast_in_dim3A_199 = vector.broadcast %jit3A_198 : i32 to vector<16xi32>
    %select_n3A_200 = arith.select %eq3A_197, %get3A_179, %broadcast_in_dim3A_199 : vector<16xi1>, vector<16xi32>
    %reduce_sum3A_201 = arith.constant true
    %reduce_sum3A_202 = vector.broadcast %reduce_sum3A_201 : i1 to vector<16xi1>
    %reduce_sum3A_203 = tpu.scan <sum>, %select_n3A_200 masked %reduce_sum3A_202 : vector<16xi32>, vector<16xi1> -> vector<16xi32>
    %reduce_sum3A_204 = vector.extract %reduce_sum3A_203[15] : i32 from vector<16xi32>
    %jit3A_205 = arith.constant 8 : i32
    %div3A_206 = arith.divsi %reduce_sum3A_204, %jit3A_205 : i32
    %sign3A_207 = arith.constant 0 : i32
    %sign3A_208 = arith.cmpi sgt, %reduce_sum3A_204, %sign3A_207 : i32
    %sign3A_209 = arith.extui %sign3A_208 : i1 to i32
    %sign3A_210 = arith.constant 0 : i32
    %sign3A_211 = arith.cmpi slt, %reduce_sum3A_204, %sign3A_210 : i32
    %sign3A_212 = arith.extui %sign3A_211 : i1 to i32
    %sign3A_213 = arith.subi %sign3A_209, %sign3A_212 : i32
    %sign3A_214 = arith.constant 0 : i32
    %sign3A_215 = arith.cmpi sgt, %jit3A_205, %sign3A_214 : i32
    %sign3A_216 = arith.extui %sign3A_215 : i1 to i32
    %sign3A_217 = arith.constant 0 : i32
    %sign3A_218 = arith.cmpi slt, %jit3A_205, %sign3A_217 : i32
    %sign3A_219 = arith.extui %sign3A_218 : i1 to i32
    %sign3A_220 = arith.subi %sign3A_216, %sign3A_219 : i32
    %ne3A_221 = arith.cmpi ne, %sign3A_213, %sign3A_220 : i32
    %rem3A_222 = arith.remsi %reduce_sum3A_204, %jit3A_205 : i32
    %ne3A_223 = arith.constant 0 : i32
    %ne3A_224 = arith.cmpi ne, %rem3A_222, %ne3A_223 : i32
    %and3A_225 = arith.andi %ne3A_221, %ne3A_224 : i1
    %sub3A_226 = arith.constant 1 : i32
    %sub3A_227 = arith.subi %div3A_206, %sub3A_226 : i32
    %select_n3A_228 = arith.select %and3A_225, %sub3A_227, %div3A_206 : i32
    %mul3A_229 = arith.constant 8 : i32
    %mul3A_230 = arith.muli %select_n3A_228, %mul3A_229 : i32
    %min3A_231 = arith.constant 16760824 : i32
    %min3A_232 = arith.minsi %mul3A_230, %min3A_231 : i32
    %max3A_233 = arith.constant 0 : i32
    %max3A_234 = arith.maxsi %min3A_232, %max3A_233 : i32
    %multiple_of3A_235 = tpu.assume_multiple %max3A_234, 8 : i32
    %dma_start3A_236 = tpu.memref_slice %arg4[%multiple_of3A_235] : memref<16777216xf32, #tpu.memory_space<hbm>> -> memref<16392xf32, #tpu.memory_space<hbm>>
    %dma_start3A_237 = tpu.memref_slice %arg4[%multiple_of3A_235] : memref<16777216xf32, #tpu.memory_space<hbm>> -> memref<16392xf32, #tpu.memory_space<hbm>>
    tpu.enqueue_dma source(%dma_start3A_237 : memref<16392xf32, #tpu.memory_space<hbm>>) target(%arg12 : memref<16392xf32, #tpu.memory_space<vmem>>) target_semaphore(%arg16 : memref<!tpu.dma_semaphore, #tpu.memory_space<semaphore_mem>>)
    %sub3A_238 = arith.subi %reduce_sum3A_204, %multiple_of3A_235 : i32
    %scan3A_239 = arith.constant 0 : i32
    %scan3A_240 = arith.constant 16 : i32
    %scan3A_241 = arith.addi %scan3A_239, %scan3A_240 : i32
    %scan3A_242 = arith.constant 1 : i32
    %scan3A_243:2 = scf.for %scan3A_268 = %scan3A_239 to %scan3A_241 step %scan3A_242 iter_args(%scan3A_269 = %sub3A_116, %scan3A_270 = %sub3A_238) -> (i32, i32)  : i32 {
      %mul3A_271 = arith.constant 2 : i32
      %mul3A_272 = arith.muli %mul3A_271, %scan3A_268 : i32
      %dma_wait3A_273 = arith.constant 0 : i32
      %dma_wait3A_274 = tpu.memref_slice %arg2[%dma_wait3A_273] : memref<4194304xi32, #tpu.memory_space<hbm>> -> memref<4096xi32, #tpu.memory_space<hbm>>
      %dma_wait3A_275 = arith.constant 0 : i32
      %dma_wait3A_276 = tpu.memref_slice %arg2[%dma_wait3A_275] : memref<4194304xi32, #tpu.memory_space<hbm>> -> memref<4096xi32, #tpu.memory_space<hbm>>
      tpu.wait_dma2 semaphore(%arg15 : memref<!tpu.dma_semaphore, #tpu.memory_space<semaphore_mem>>) src(%dma_wait3A_276 : memref<4096xi32, #tpu.memory_space<hbm>>) dst(%arg7 : memref<4096xi32, #tpu.memory_space<vmem>>)
      %dma_wait3A_277 = arith.constant 0 : i32
      %dma_wait3A_278 = tpu.memref_slice %arg3[%dma_wait3A_277] : memref<16777216xf32, #tpu.memory_space<hbm>> -> memref<16384xf32, #tpu.memory_space<hbm>>
      %dma_wait3A_279 = arith.constant 0 : i32
      %dma_wait3A_280 = tpu.memref_slice %arg3[%dma_wait3A_279] : memref<16777216xf32, #tpu.memory_space<hbm>> -> memref<16384xf32, #tpu.memory_space<hbm>>
      tpu.wait_dma2 semaphore(%arg15 : memref<!tpu.dma_semaphore, #tpu.memory_space<semaphore_mem>>) src(%dma_wait3A_280 : memref<16384xf32, #tpu.memory_space<hbm>>) dst(%arg9 : memref<16384xf32, #tpu.memory_space<vmem>>)
      %dma_wait3A_281 = arith.constant 0 : i32
      %dma_wait3A_282 = tpu.memref_slice %arg4[%dma_wait3A_281] : memref<16777216xf32, #tpu.memory_space<hbm>> -> memref<16392xf32, #tpu.memory_space<hbm>>
      %dma_wait3A_283 = arith.constant 0 : i32
      %dma_wait3A_284 = tpu.memref_slice %arg4[%dma_wait3A_283] : memref<16777216xf32, #tpu.memory_space<hbm>> -> memref<16392xf32, #tpu.memory_space<hbm>>
      tpu.wait_dma2 semaphore(%arg15 : memref<!tpu.dma_semaphore, #tpu.memory_space<semaphore_mem>>) src(%dma_wait3A_284 : memref<16392xf32, #tpu.memory_space<hbm>>) dst(%arg11 : memref<16392xf32, #tpu.memory_space<vmem>>)
      %scan3A_285 = arith.constant 0 : i32
      %scan3A_286 = arith.constant 0 : i32
      %scan3A_287 = arith.constant 256 : i32
      %scan3A_288 = arith.addi %scan3A_286, %scan3A_287 : i32
      %scan3A_289 = arith.constant 4 : i32
      %scan3A_290 = scf.for %scan3A_579 = %scan3A_286 to %scan3A_288 step %scan3A_289 iter_args(%scan3A_580 = %scan3A_285) -> (i32)  : i32 {
        %mul3A_581 = arith.constant 16 : i32
        %mul3A_582 = arith.muli %scan3A_579, %mul3A_581 : i32
        %get3A_583 = arith.index_cast %mul3A_582 : i32 to index
        %get3A_584 = tpu.vector_load %arg7[%get3A_583] {strides = array<i32>} : memref<4096xi32, #tpu.memory_space<vmem>>, vector<16xi32>,
        %and3A_585 = arith.constant 255 : i32
        %and3A_586 = vector.broadcast %and3A_585 : i32 to vector<16xi32>
        %and3A_587 = arith.andi %get3A_584, %and3A_586 : vector<16xi32>
        %shift_right_logical3A = arith.constant 8 : i32
        %shift_right_logical3A_588 = vector.broadcast %shift_right_logical3A : i32 to vector<16xi32>
        %shift_right_logical3A_589 = arith.shrui %get3A_584, %shift_right_logical3A_588 : vector<16xi32>
        %and3A_590 = arith.constant 255 : i32
        %and3A_591 = vector.broadcast %and3A_590 : i32 to vector<16xi32>
        %and3A_592 = arith.andi %shift_right_logical3A_589, %and3A_591 : vector<16xi32>
        %shift_right_logical3A_593 = arith.constant 16 : i32
        %shift_right_logical3A_594 = vector.broadcast %shift_right_logical3A_593 : i32 to vector<16xi32>
        %shift_right_logical3A_595 = arith.shrui %get3A_584, %shift_right_logical3A_594 : vector<16xi32>
        %and3A_596 = arith.constant 255 : i32
        %and3A_597 = vector.broadcast %and3A_596 : i32 to vector<16xi32>
        %and3A_598 = arith.andi %shift_right_logical3A_595, %and3A_597 : vector<16xi32>
        %shift_right_logical3A_599 = arith.constant 24 : i32
        %shift_right_logical3A_600 = vector.broadcast %shift_right_logical3A_599 : i32 to vector<16xi32>
        %shift_right_logical3A_601 = arith.shrui %get3A_584, %shift_right_logical3A_600 : vector<16xi32>
        %and3A_602 = arith.constant 255 : i32
        %and3A_603 = vector.broadcast %and3A_602 : i32 to vector<16xi32>
        %and3A_604 = arith.andi %shift_right_logical3A_601, %and3A_603 : vector<16xi32>
        %add3A_605 = arith.addi %and3A_587, %and3A_592 : vector<16xi32>
        %add3A_606 = arith.addi %add3A_605, %and3A_598 : vector<16xi32>
        %add3A_607 = arith.addi %add3A_606, %and3A_604 : vector<16xi32>
        %broadcast_in_dim3A_608 = arith.constant true
        %broadcast_in_dim3A_609 = vector.broadcast %broadcast_in_dim3A_608 : i1 to vector<16xi1>
        %masked_cumsum3A = tpu.scan <sum>, %add3A_607 masked %broadcast_in_dim3A_609 : vector<16xi32>, vector<16xi1> -> vector<16xi32>
        %add3A_610 = arith.addi %scan3A_269, %scan3A_580 : i32
        %sub3A_611 = arith.constant 1 : i32
        %sub3A_612 = arith.subi %add3A_610, %sub3A_611 : i32
        %sub3A_613 = arith.subi %masked_cumsum3A, %add3A_607 : vector<16xi32>
        %add3A_614 = vector.broadcast %sub3A_612 : i32 to vector<16xi32>
        %add3A_615 = arith.addi %add3A_614, %sub3A_613 : vector<16xi32>
        %mul3A_616 = arith.constant 64 : i32
        %mul3A_617 = arith.muli %scan3A_579, %mul3A_616 : i32
        %add3A_618 = vector.broadcast %mul3A_617 : i32 to vector<16xi32>
        %add3A_619 = arith.addi %mul3A_5, %add3A_618 : vector<16xi32>
        %add3A_620 = arith.addi %add3A_615, %and3A_587 : vector<16xi32>
        %max3A_621 = arith.constant 0 : i32
        %max3A_622 = vector.broadcast %max3A_621 : i32 to vector<16xi32>
        %max3A_623 = arith.maxsi %add3A_620, %max3A_622 : vector<16xi32>
        %ne3A_624 = arith.constant 0 : i32
        %ne3A_625 = vector.broadcast %ne3A_624 : i32 to vector<16xi32>
        %ne3A_626 = arith.cmpi ne, %and3A_587, %ne3A_625 : vector<16xi32>
        %gather3A = tpu.vector_load_idx %arg11[%max3A_623] masked %ne3A_626 : memref<16392xf32, #tpu.memory_space<vmem>>[vector<16xi32>], vector<16xf32>, vector<16xi1>
        %add3A_627 = arith.constant 0 : i32
        %add3A_628 = vector.broadcast %add3A_627 : i32 to vector<16xi32>
        %add3A_629 = arith.addi %add3A_619, %add3A_628 : vector<16xi32>
        tpu.vector_store_idx %arg9[%add3A_629], %gather3A masked %ne3A_626 : memref<16384xf32, #tpu.memory_space<vmem>>[vector<16xi32>], vector<16xf32>, vector<16xi1>
        %add3A_630 = arith.addi %add3A_615, %and3A_587 : vector<16xi32>
        %add3A_631 = arith.addi %add3A_630, %and3A_592 : vector<16xi32>
        %max3A_632 = arith.constant 0 : i32
        %max3A_633 = vector.broadcast %max3A_632 : i32 to vector<16xi32>
        %max3A_634 = arith.maxsi %add3A_631, %max3A_633 : vector<16xi32>
        %ne3A_635 = arith.constant 0 : i32
        %ne3A_636 = vector.broadcast %ne3A_635 : i32 to vector<16xi32>
        %ne3A_637 = arith.cmpi ne, %and3A_592, %ne3A_636 : vector<16xi32>
        %gather3A_638 = tpu.vector_load_idx %arg11[%max3A_634] masked %ne3A_637 : memref<16392xf32, #tpu.memory_space<vmem>>[vector<16xi32>], vector<16xf32>, vector<16xi1>
        %add3A_639 = arith.constant 1 : i32
        %add3A_640 = vector.broadcast %add3A_639 : i32 to vector<16xi32>
        %add3A_641 = arith.addi %add3A_619, %add3A_640 : vector<16xi32>
        tpu.vector_store_idx %arg9[%add3A_641], %gather3A_638 masked %ne3A_637 : memref<16384xf32, #tpu.memory_space<vmem>>[vector<16xi32>], vector<16xf32>, vector<16xi1>
        %add3A_642 = arith.addi %add3A_630, %and3A_592 : vector<16xi32>
        %add3A_643 = arith.addi %add3A_642, %and3A_598 : vector<16xi32>
        %max3A_644 = arith.constant 0 : i32
        %max3A_645 = vector.broadcast %max3A_644 : i32 to vector<16xi32>
        %max3A_646 = arith.maxsi %add3A_643, %max3A_645 : vector<16xi32>
        %ne3A_647 = arith.constant 0 : i32
        %ne3A_648 = vector.broadcast %ne3A_647 : i32 to vector<16xi32>
        %ne3A_649 = arith.cmpi ne, %and3A_598, %ne3A_648 : vector<16xi32>
        %gather3A_650 = tpu.vector_load_idx %arg11[%max3A_646] masked %ne3A_649 : memref<16392xf32, #tpu.memory_space<vmem>>[vector<16xi32>], vector<16xf32>, vector<16xi1>
        %add3A_651 = arith.constant 2 : i32
        %add3A_652 = vector.broadcast %add3A_651 : i32 to vector<16xi32>
        %add3A_653 = arith.addi %add3A_619, %add3A_652 : vector<16xi32>
        tpu.vector_store_idx %arg9[%add3A_653], %gather3A_650 masked %ne3A_649 : memref<16384xf32, #tpu.memory_space<vmem>>[vector<16xi32>], vector<16xf32>, vector<16xi1>
        %add3A_654 = arith.addi %add3A_642, %and3A_598 : vector<16xi32>
        %add3A_655 = arith.addi %add3A_654, %and3A_604 : vector<16xi32>
        %max3A_656 = arith.constant 0 : i32
        %max3A_657 = vector.broadcast %max3A_656 : i32 to vector<16xi32>
        %max3A_658 = arith.maxsi %add3A_655, %max3A_657 : vector<16xi32>
        %ne3A_659 = arith.constant 0 : i32
        %ne3A_660 = vector.broadcast %ne3A_659 : i32 to vector<16xi32>
        %ne3A_661 = arith.cmpi ne, %and3A_604, %ne3A_660 : vector<16xi32>
        %gather3A_662 = tpu.vector_load_idx %arg11[%max3A_658] masked %ne3A_661 : memref<16392xf32, #tpu.memory_space<vmem>>[vector<16xi32>], vector<16xf32>, vector<16xi1>
        %add3A_663 = arith.constant 3 : i32
        %add3A_664 = vector.broadcast %add3A_663 : i32 to vector<16xi32>
        %add3A_665 = arith.addi %add3A_619, %add3A_664 : vector<16xi32>
        tpu.vector_store_idx %arg9[%add3A_665], %gather3A_662 masked %ne3A_661 : memref<16384xf32, #tpu.memory_space<vmem>>[vector<16xi32>], vector<16xf32>, vector<16xi1>
        %add3A_666 = arith.addi %add3A_654, %and3A_604 : vector<16xi32>
        %slice3A = vector.extract_strided_slice %masked_cumsum3A {offsets = [15], sizes = [1], strides = [1]} : vector<16xi32> to vector<1xi32>
        %squeeze3A = vector.extract %slice3A[0] : i32 from vector<1xi32>
        %add3A_667 = arith.addi %scan3A_580, %squeeze3A : i32
        %scan3A_668 = arith.constant 1 : i32
        %scan3A_669 = arith.addi %scan3A_579, %scan3A_668 : i32
        %mul3A_670 = arith.constant 16 : i32
        %mul3A_671 = arith.muli %scan3A_669, %mul3A_670 : i32
        %get3A_672 = arith.index_cast %mul3A_671 : i32 to index
        %get3A_673 = tpu.vector_load %arg7[%get3A_672] {strides = array<i32>} : memref<4096xi32, #tpu.memory_space<vmem>>, vector<16xi32>,
        %and3A_674 = arith.constant 255 : i32
        %and3A_675 = vector.broadcast %and3A_674 : i32 to vector<16xi32>
        %and3A_676 = arith.andi %get3A_673, %and3A_675 : vector<16xi32>
        %shift_right_logical3A_677 = arith.constant 8 : i32
        %shift_right_logical3A_678 = vector.broadcast %shift_right_logical3A_677 : i32 to vector<16xi32>
        %shift_right_logical3A_679 = arith.shrui %get3A_673, %shift_right_logical3A_678 : vector<16xi32>
        %and3A_680 = arith.constant 255 : i32
        %and3A_681 = vector.broadcast %and3A_680 : i32 to vector<16xi32>
        %and3A_682 = arith.andi %shift_right_logical3A_679, %and3A_681 : vector<16xi32>
        %shift_right_logical3A_683 = arith.constant 16 : i32
        %shift_right_logical3A_684 = vector.broadcast %shift_right_logical3A_683 : i32 to vector<16xi32>
        %shift_right_logical3A_685 = arith.shrui %get3A_673, %shift_right_logical3A_684 : vector<16xi32>
        %and3A_686 = arith.constant 255 : i32
        %and3A_687 = vector.broadcast %and3A_686 : i32 to vector<16xi32>
        %and3A_688 = arith.andi %shift_right_logical3A_685, %and3A_687 : vector<16xi32>
        %shift_right_logical3A_689 = arith.constant 24 : i32
        %shift_right_logical3A_690 = vector.broadcast %shift_right_logical3A_689 : i32 to vector<16xi32>
        %shift_right_logical3A_691 = arith.shrui %get3A_673, %shift_right_logical3A_690 : vector<16xi32>
        %and3A_692 = arith.constant 255 : i32
        %and3A_693 = vector.broadcast %and3A_692 : i32 to vector<16xi32>
        %and3A_694 = arith.andi %shift_right_logical3A_691, %and3A_693 : vector<16xi32>
        %add3A_695 = arith.addi %and3A_676, %and3A_682 : vector<16xi32>
        %add3A_696 = arith.addi %add3A_695, %and3A_688 : vector<16xi32>
        %add3A_697 = arith.addi %add3A_696, %and3A_694 : vector<16xi32>
        %broadcast_in_dim3A_698 = arith.constant true
        %broadcast_in_dim3A_699 = vector.broadcast %broadcast_in_dim3A_698 : i1 to vector<16xi1>
        %masked_cumsum3A_700 = tpu.scan <sum>, %add3A_697 masked %broadcast_in_dim3A_699 : vector<16xi32>, vector<16xi1> -> vector<16xi32>
        %add3A_701 = arith.addi %scan3A_269, %add3A_667 : i32
        %sub3A_702 = arith.constant 1 : i32
        %sub3A_703 = arith.subi %add3A_701, %sub3A_702 : i32
        %sub3A_704 = arith.subi %masked_cumsum3A_700, %add3A_697 : vector<16xi32>
        %add3A_705 = vector.broadcast %sub3A_703 : i32 to vector<16xi32>
        %add3A_706 = arith.addi %add3A_705, %sub3A_704 : vector<16xi32>
        %mul3A_707 = arith.constant 64 : i32
        %mul3A_708 = arith.muli %scan3A_669, %mul3A_707 : i32
        %add3A_709 = vector.broadcast %mul3A_708 : i32 to vector<16xi32>
        %add3A_710 = arith.addi %mul3A_5, %add3A_709 : vector<16xi32>
        %add3A_711 = arith.addi %add3A_706, %and3A_676 : vector<16xi32>
        %max3A_712 = arith.constant 0 : i32
        %max3A_713 = vector.broadcast %max3A_712 : i32 to vector<16xi32>
        %max3A_714 = arith.maxsi %add3A_711, %max3A_713 : vector<16xi32>
        %ne3A_715 = arith.constant 0 : i32
        %ne3A_716 = vector.broadcast %ne3A_715 : i32 to vector<16xi32>
        %ne3A_717 = arith.cmpi ne, %and3A_676, %ne3A_716 : vector<16xi32>
        %gather3A_718 = tpu.vector_load_idx %arg11[%max3A_714] masked %ne3A_717 : memref<16392xf32, #tpu.memory_space<vmem>>[vector<16xi32>], vector<16xf32>, vector<16xi1>
        %add3A_719 = arith.constant 0 : i32
        %add3A_720 = vector.broadcast %add3A_719 : i32 to vector<16xi32>
        %add3A_721 = arith.addi %add3A_710, %add3A_720 : vector<16xi32>
        tpu.vector_store_idx %arg9[%add3A_721], %gather3A_718 masked %ne3A_717 : memref<16384xf32, #tpu.memory_space<vmem>>[vector<16xi32>], vector<16xf32>, vector<16xi1>
        %add3A_722 = arith.addi %add3A_706, %and3A_676 : vector<16xi32>
        %add3A_723 = arith.addi %add3A_722, %and3A_682 : vector<16xi32>
        %max3A_724 = arith.constant 0 : i32
        %max3A_725 = vector.broadcast %max3A_724 : i32 to vector<16xi32>
        %max3A_726 = arith.maxsi %add3A_723, %max3A_725 : vector<16xi32>
        %ne3A_727 = arith.constant 0 : i32
        %ne3A_728 = vector.broadcast %ne3A_727 : i32 to vector<16xi32>
        %ne3A_729 = arith.cmpi ne, %and3A_682, %ne3A_728 : vector<16xi32>
        %gather3A_730 = tpu.vector_load_idx %arg11[%max3A_726] masked %ne3A_729 : memref<16392xf32, #tpu.memory_space<vmem>>[vector<16xi32>], vector<16xf32>, vector<16xi1>
        %add3A_731 = arith.constant 1 : i32
        %add3A_732 = vector.broadcast %add3A_731 : i32 to vector<16xi32>
        %add3A_733 = arith.addi %add3A_710, %add3A_732 : vector<16xi32>
        tpu.vector_store_idx %arg9[%add3A_733], %gather3A_730 masked %ne3A_729 : memref<16384xf32, #tpu.memory_space<vmem>>[vector<16xi32>], vector<16xf32>, vector<16xi1>
        %add3A_734 = arith.addi %add3A_722, %and3A_682 : vector<16xi32>
        %add3A_735 = arith.addi %add3A_734, %and3A_688 : vector<16xi32>
        %max3A_736 = arith.constant 0 : i32
        %max3A_737 = vector.broadcast %max3A_736 : i32 to vector<16xi32>
        %max3A_738 = arith.maxsi %add3A_735, %max3A_737 : vector<16xi32>
        %ne3A_739 = arith.constant 0 : i32
        %ne3A_740 = vector.broadcast %ne3A_739 : i32 to vector<16xi32>
        %ne3A_741 = arith.cmpi ne, %and3A_688, %ne3A_740 : vector<16xi32>
        %gather3A_742 = tpu.vector_load_idx %arg11[%max3A_738] masked %ne3A_741 : memref<16392xf32, #tpu.memory_space<vmem>>[vector<16xi32>], vector<16xf32>, vector<16xi1>
        %add3A_743 = arith.constant 2 : i32
        %add3A_744 = vector.broadcast %add3A_743 : i32 to vector<16xi32>
        %add3A_745 = arith.addi %add3A_710, %add3A_744 : vector<16xi32>
        tpu.vector_store_idx %arg9[%add3A_745], %gather3A_742 masked %ne3A_741 : memref<16384xf32, #tpu.memory_space<vmem>>[vector<16xi32>], vector<16xf32>, vector<16xi1>
        %add3A_746 = arith.addi %add3A_734, %and3A_688 : vector<16xi32>
        %add3A_747 = arith.addi %add3A_746, %and3A_694 : vector<16xi32>
        %max3A_748 = arith.constant 0 : i32
        %max3A_749 = vector.broadcast %max3A_748 : i32 to vector<16xi32>
        %max3A_750 = arith.maxsi %add3A_747, %max3A_749 : vector<16xi32>
        %ne3A_751 = arith.constant 0 : i32
        %ne3A_752 = vector.broadcast %ne3A_751 : i32 to vector<16xi32>
        %ne3A_753 = arith.cmpi ne, %and3A_694, %ne3A_752 : vector<16xi32>
        %gather3A_754 = tpu.vector_load_idx %arg11[%max3A_750] masked %ne3A_753 : memref<16392xf32, #tpu.memory_space<vmem>>[vector<16xi32>], vector<16xf32>, vector<16xi1>
        %add3A_755 = arith.constant 3 : i32
        %add3A_756 = vector.broadcast %add3A_755 : i32 to vector<16xi32>
        %add3A_757 = arith.addi %add3A_710, %add3A_756 : vector<16xi32>
        tpu.vector_store_idx %arg9[%add3A_757], %gather3A_754 masked %ne3A_753 : memref<16384xf32, #tpu.memory_space<vmem>>[vector<16xi32>], vector<16xf32>, vector<16xi1>
        %add3A_758 = arith.addi %add3A_746, %and3A_694 : vector<16xi32>
        %slice3A_759 = vector.extract_strided_slice %masked_cumsum3A_700 {offsets = [15], sizes = [1], strides = [1]} : vector<16xi32> to vector<1xi32>
        %squeeze3A_760 = vector.extract %slice3A_759[0] : i32 from vector<1xi32>
        %add3A_761 = arith.addi %add3A_667, %squeeze3A_760 : i32
        %scan3A_762 = arith.constant 2 : i32
        %scan3A_763 = arith.addi %scan3A_579, %scan3A_762 : i32
        %mul3A_764 = arith.constant 16 : i32
        %mul3A_765 = arith.muli %scan3A_763, %mul3A_764 : i32
        %get3A_766 = arith.index_cast %mul3A_765 : i32 to index
        %get3A_767 = tpu.vector_load %arg7[%get3A_766] {strides = array<i32>} : memref<4096xi32, #tpu.memory_space<vmem>>, vector<16xi32>,
        %and3A_768 = arith.constant 255 : i32
        %and3A_769 = vector.broadcast %and3A_768 : i32 to vector<16xi32>
        %and3A_770 = arith.andi %get3A_767, %and3A_769 : vector<16xi32>
        %shift_right_logical3A_771 = arith.constant 8 : i32
        %shift_right_logical3A_772 = vector.broadcast %shift_right_logical3A_771 : i32 to vector<16xi32>
        %shift_right_logical3A_773 = arith.shrui %get3A_767, %shift_right_logical3A_772 : vector<16xi32>
        %and3A_774 = arith.constant 255 : i32
        %and3A_775 = vector.broadcast %and3A_774 : i32 to vector<16xi32>
        %and3A_776 = arith.andi %shift_right_logical3A_773, %and3A_775 : vector<16xi32>
        %shift_right_logical3A_777 = arith.constant 16 : i32
        %shift_right_logical3A_778 = vector.broadcast %shift_right_logical3A_777 : i32 to vector<16xi32>
        %shift_right_logical3A_779 = arith.shrui %get3A_767, %shift_right_logical3A_778 : vector<16xi32>
        %and3A_780 = arith.constant 255 : i32
        %and3A_781 = vector.broadcast %and3A_780 : i32 to vector<16xi32>
        %and3A_782 = arith.andi %shift_right_logical3A_779, %and3A_781 : vector<16xi32>
        %shift_right_logical3A_783 = arith.constant 24 : i32
        %shift_right_logical3A_784 = vector.broadcast %shift_right_logical3A_783 : i32 to vector<16xi32>
        %shift_right_logical3A_785 = arith.shrui %get3A_767, %shift_right_logical3A_784 : vector<16xi32>
        %and3A_786 = arith.constant 255 : i32
        %and3A_787 = vector.broadcast %and3A_786 : i32 to vector<16xi32>
        %and3A_788 = arith.andi %shift_right_logical3A_785, %and3A_787 : vector<16xi32>
        %add3A_789 = arith.addi %and3A_770, %and3A_776 : vector<16xi32>
        %add3A_790 = arith.addi %add3A_789, %and3A_782 : vector<16xi32>
        %add3A_791 = arith.addi %add3A_790, %and3A_788 : vector<16xi32>
        %broadcast_in_dim3A_792 = arith.constant true
        %broadcast_in_dim3A_793 = vector.broadcast %broadcast_in_dim3A_792 : i1 to vector<16xi1>
        %masked_cumsum3A_794 = tpu.scan <sum>, %add3A_791 masked %broadcast_in_dim3A_793 : vector<16xi32>, vector<16xi1> -> vector<16xi32>
        %add3A_795 = arith.addi %scan3A_269, %add3A_761 : i32
        %sub3A_796 = arith.constant 1 : i32
        %sub3A_797 = arith.subi %add3A_795, %sub3A_796 : i32
        %sub3A_798 = arith.subi %masked_cumsum3A_794, %add3A_791 : vector<16xi32>
        %add3A_799 = vector.broadcast %sub3A_797 : i32 to vector<16xi32>
        %add3A_800 = arith.addi %add3A_799, %sub3A_798 : vector<16xi32>
        %mul3A_801 = arith.constant 64 : i32
        %mul3A_802 = arith.muli %scan3A_763, %mul3A_801 : i32
        %add3A_803 = vector.broadcast %mul3A_802 : i32 to vector<16xi32>
        %add3A_804 = arith.addi %mul3A_5, %add3A_803 : vector<16xi32>
        %add3A_805 = arith.addi %add3A_800, %and3A_770 : vector<16xi32>
        %max3A_806 = arith.constant 0 : i32
        %max3A_807 = vector.broadcast %max3A_806 : i32 to vector<16xi32>
        %max3A_808 = arith.maxsi %add3A_805, %max3A_807 : vector<16xi32>
        %ne3A_809 = arith.constant 0 : i32
        %ne3A_810 = vector.broadcast %ne3A_809 : i32 to vector<16xi32>
        %ne3A_811 = arith.cmpi ne, %and3A_770, %ne3A_810 : vector<16xi32>
        %gather3A_812 = tpu.vector_load_idx %arg11[%max3A_808] masked %ne3A_811 : memref<16392xf32, #tpu.memory_space<vmem>>[vector<16xi32>], vector<16xf32>, vector<16xi1>
        %add3A_813 = arith.constant 0 : i32
        %add3A_814 = vector.broadcast %add3A_813 : i32 to vector<16xi32>
        %add3A_815 = arith.addi %add3A_804, %add3A_814 : vector<16xi32>
        tpu.vector_store_idx %arg9[%add3A_815], %gather3A_812 masked %ne3A_811 : memref<16384xf32, #tpu.memory_space<vmem>>[vector<16xi32>], vector<16xf32>, vector<16xi1>
        %add3A_816 = arith.addi %add3A_800, %and3A_770 : vector<16xi32>
        %add3A_817 = arith.addi %add3A_816, %and3A_776 : vector<16xi32>
        %max3A_818 = arith.constant 0 : i32
        %max3A_819 = vector.broadcast %max3A_818 : i32 to vector<16xi32>
        %max3A_820 = arith.maxsi %add3A_817, %max3A_819 : vector<16xi32>
        %ne3A_821 = arith.constant 0 : i32
        %ne3A_822 = vector.broadcast %ne3A_821 : i32 to vector<16xi32>
        %ne3A_823 = arith.cmpi ne, %and3A_776, %ne3A_822 : vector<16xi32>
        %gather3A_824 = tpu.vector_load_idx %arg11[%max3A_820] masked %ne3A_823 : memref<16392xf32, #tpu.memory_space<vmem>>[vector<16xi32>], vector<16xf32>, vector<16xi1>
        %add3A_825 = arith.constant 1 : i32
        %add3A_826 = vector.broadcast %add3A_825 : i32 to vector<16xi32>
        %add3A_827 = arith.addi %add3A_804, %add3A_826 : vector<16xi32>
        tpu.vector_store_idx %arg9[%add3A_827], %gather3A_824 masked %ne3A_823 : memref<16384xf32, #tpu.memory_space<vmem>>[vector<16xi32>], vector<16xf32>, vector<16xi1>
        %add3A_828 = arith.addi %add3A_816, %and3A_776 : vector<16xi32>
        %add3A_829 = arith.addi %add3A_828, %and3A_782 : vector<16xi32>
        %max3A_830 = arith.constant 0 : i32
        %max3A_831 = vector.broadcast %max3A_830 : i32 to vector<16xi32>
        %max3A_832 = arith.maxsi %add3A_829, %max3A_831 : vector<16xi32>
        %ne3A_833 = arith.constant 0 : i32
        %ne3A_834 = vector.broadcast %ne3A_833 : i32 to vector<16xi32>
        %ne3A_835 = arith.cmpi ne, %and3A_782, %ne3A_834 : vector<16xi32>
        %gather3A_836 = tpu.vector_load_idx %arg11[%max3A_832] masked %ne3A_835 : memref<16392xf32, #tpu.memory_space<vmem>>[vector<16xi32>], vector<16xf32>, vector<16xi1>
        %add3A_837 = arith.constant 2 : i32
        %add3A_838 = vector.broadcast %add3A_837 : i32 to vector<16xi32>
        %add3A_839 = arith.addi %add3A_804, %add3A_838 : vector<16xi32>
        tpu.vector_store_idx %arg9[%add3A_839], %gather3A_836 masked %ne3A_835 : memref<16384xf32, #tpu.memory_space<vmem>>[vector<16xi32>], vector<16xf32>, vector<16xi1>
        %add3A_840 = arith.addi %add3A_828, %and3A_782 : vector<16xi32>
        %add3A_841 = arith.addi %add3A_840, %and3A_788 : vector<16xi32>
        %max3A_842 = arith.constant 0 : i32
        %max3A_843 = vector.broadcast %max3A_842 : i32 to vector<16xi32>
        %max3A_844 = arith.maxsi %add3A_841, %max3A_843 : vector<16xi32>
        %ne3A_845 = arith.constant 0 : i32
        %ne3A_846 = vector.broadcast %ne3A_845 : i32 to vector<16xi32>
        %ne3A_847 = arith.cmpi ne, %and3A_788, %ne3A_846 : vector<16xi32>
        %gather3A_848 = tpu.vector_load_idx %arg11[%max3A_844] masked %ne3A_847 : memref<16392xf32, #tpu.memory_space<vmem>>[vector<16xi32>], vector<16xf32>, vector<16xi1>
        %add3A_849 = arith.constant 3 : i32
        %add3A_850 = vector.broadcast %add3A_849 : i32 to vector<16xi32>
        %add3A_851 = arith.addi %add3A_804, %add3A_850 : vector<16xi32>
        tpu.vector_store_idx %arg9[%add3A_851], %gather3A_848 masked %ne3A_847 : memref<16384xf32, #tpu.memory_space<vmem>>[vector<16xi32>], vector<16xf32>, vector<16xi1>
        %add3A_852 = arith.addi %add3A_840, %and3A_788 : vector<16xi32>
        %slice3A_853 = vector.extract_strided_slice %masked_cumsum3A_794 {offsets = [15], sizes = [1], strides = [1]} : vector<16xi32> to vector<1xi32>
        %squeeze3A_854 = vector.extract %slice3A_853[0] : i32 from vector<1xi32>
        %add3A_855 = arith.addi %add3A_761, %squeeze3A_854 : i32
        %scan3A_856 = arith.constant 3 : i32
        %scan3A_857 = arith.addi %scan3A_579, %scan3A_856 : i32
        %mul3A_858 = arith.constant 16 : i32
        %mul3A_859 = arith.muli %scan3A_857, %mul3A_858 : i32
        %get3A_860 = arith.index_cast %mul3A_859 : i32 to index
        %get3A_861 = tpu.vector_load %arg7[%get3A_860] {strides = array<i32>} : memref<4096xi32, #tpu.memory_space<vmem>>, vector<16xi32>,
        %and3A_862 = arith.constant 255 : i32
        %and3A_863 = vector.broadcast %and3A_862 : i32 to vector<16xi32>
        %and3A_864 = arith.andi %get3A_861, %and3A_863 : vector<16xi32>
        %shift_right_logical3A_865 = arith.constant 8 : i32
        %shift_right_logical3A_866 = vector.broadcast %shift_right_logical3A_865 : i32 to vector<16xi32>
        %shift_right_logical3A_867 = arith.shrui %get3A_861, %shift_right_logical3A_866 : vector<16xi32>
        %and3A_868 = arith.constant 255 : i32
        %and3A_869 = vector.broadcast %and3A_868 : i32 to vector<16xi32>
        %and3A_870 = arith.andi %shift_right_logical3A_867, %and3A_869 : vector<16xi32>
        %shift_right_logical3A_871 = arith.constant 16 : i32
        %shift_right_logical3A_872 = vector.broadcast %shift_right_logical3A_871 : i32 to vector<16xi32>
        %shift_right_logical3A_873 = arith.shrui %get3A_861, %shift_right_logical3A_872 : vector<16xi32>
        %and3A_874 = arith.constant 255 : i32
        %and3A_875 = vector.broadcast %and3A_874 : i32 to vector<16xi32>
        %and3A_876 = arith.andi %shift_right_logical3A_873, %and3A_875 : vector<16xi32>
        %shift_right_logical3A_877 = arith.constant 24 : i32
        %shift_right_logical3A_878 = vector.broadcast %shift_right_logical3A_877 : i32 to vector<16xi32>
        %shift_right_logical3A_879 = arith.shrui %get3A_861, %shift_right_logical3A_878 : vector<16xi32>
        %and3A_880 = arith.constant 255 : i32
        %and3A_881 = vector.broadcast %and3A_880 : i32 to vector<16xi32>
        %and3A_882 = arith.andi %shift_right_logical3A_879, %and3A_881 : vector<16xi32>
        %add3A_883 = arith.addi %and3A_864, %and3A_870 : vector<16xi32>
        %add3A_884 = arith.addi %add3A_883, %and3A_876 : vector<16xi32>
        %add3A_885 = arith.addi %add3A_884, %and3A_882 : vector<16xi32>
        %broadcast_in_dim3A_886 = arith.constant true
        %broadcast_in_dim3A_887 = vector.broadcast %broadcast_in_dim3A_886 : i1 to vector<16xi1>
        %masked_cumsum3A_888 = tpu.scan <sum>, %add3A_885 masked %broadcast_in_dim3A_887 : vector<16xi32>, vector<16xi1> -> vector<16xi32>
        %add3A_889 = arith.addi %scan3A_269, %add3A_855 : i32
        %sub3A_890 = arith.constant 1 : i32
        %sub3A_891 = arith.subi %add3A_889, %sub3A_890 : i32
        %sub3A_892 = arith.subi %masked_cumsum3A_888, %add3A_885 : vector<16xi32>
        %add3A_893 = vector.broadcast %sub3A_891 : i32 to vector<16xi32>
        %add3A_894 = arith.addi %add3A_893, %sub3A_892 : vector<16xi32>
        %mul3A_895 = arith.constant 64 : i32
        %mul3A_896 = arith.muli %scan3A_857, %mul3A_895 : i32
        %add3A_897 = vector.broadcast %mul3A_896 : i32 to vector<16xi32>
        %add3A_898 = arith.addi %mul3A_5, %add3A_897 : vector<16xi32>
        %add3A_899 = arith.addi %add3A_894, %and3A_864 : vector<16xi32>
        %max3A_900 = arith.constant 0 : i32
        %max3A_901 = vector.broadcast %max3A_900 : i32 to vector<16xi32>
        %max3A_902 = arith.maxsi %add3A_899, %max3A_901 : vector<16xi32>
        %ne3A_903 = arith.constant 0 : i32
        %ne3A_904 = vector.broadcast %ne3A_903 : i32 to vector<16xi32>
        %ne3A_905 = arith.cmpi ne, %and3A_864, %ne3A_904 : vector<16xi32>
        %gather3A_906 = tpu.vector_load_idx %arg11[%max3A_902] masked %ne3A_905 : memref<16392xf32, #tpu.memory_space<vmem>>[vector<16xi32>], vector<16xf32>, vector<16xi1>
        %add3A_907 = arith.constant 0 : i32
        %add3A_908 = vector.broadcast %add3A_907 : i32 to vector<16xi32>
        %add3A_909 = arith.addi %add3A_898, %add3A_908 : vector<16xi32>
        tpu.vector_store_idx %arg9[%add3A_909], %gather3A_906 masked %ne3A_905 : memref<16384xf32, #tpu.memory_space<vmem>>[vector<16xi32>], vector<16xf32>, vector<16xi1>
        %add3A_910 = arith.addi %add3A_894, %and3A_864 : vector<16xi32>
        %add3A_911 = arith.addi %add3A_910, %and3A_870 : vector<16xi32>
        %max3A_912 = arith.constant 0 : i32
        %max3A_913 = vector.broadcast %max3A_912 : i32 to vector<16xi32>
        %max3A_914 = arith.maxsi %add3A_911, %max3A_913 : vector<16xi32>
        %ne3A_915 = arith.constant 0 : i32
        %ne3A_916 = vector.broadcast %ne3A_915 : i32 to vector<16xi32>
        %ne3A_917 = arith.cmpi ne, %and3A_870, %ne3A_916 : vector<16xi32>
        %gather3A_918 = tpu.vector_load_idx %arg11[%max3A_914] masked %ne3A_917 : memref<16392xf32, #tpu.memory_space<vmem>>[vector<16xi32>], vector<16xf32>, vector<16xi1>
        %add3A_919 = arith.constant 1 : i32
        %add3A_920 = vector.broadcast %add3A_919 : i32 to vector<16xi32>
        %add3A_921 = arith.addi %add3A_898, %add3A_920 : vector<16xi32>
        tpu.vector_store_idx %arg9[%add3A_921], %gather3A_918 masked %ne3A_917 : memref<16384xf32, #tpu.memory_space<vmem>>[vector<16xi32>], vector<16xf32>, vector<16xi1>
        %add3A_922 = arith.addi %add3A_910, %and3A_870 : vector<16xi32>
        %add3A_923 = arith.addi %add3A_922, %and3A_876 : vector<16xi32>
        %max3A_924 = arith.constant 0 : i32
        %max3A_925 = vector.broadcast %max3A_924 : i32 to vector<16xi32>
        %max3A_926 = arith.maxsi %add3A_923, %max3A_925 : vector<16xi32>
        %ne3A_927 = arith.constant 0 : i32
        %ne3A_928 = vector.broadcast %ne3A_927 : i32 to vector<16xi32>
        %ne3A_929 = arith.cmpi ne, %and3A_876, %ne3A_928 : vector<16xi32>
        %gather3A_930 = tpu.vector_load_idx %arg11[%max3A_926] masked %ne3A_929 : memref<16392xf32, #tpu.memory_space<vmem>>[vector<16xi32>], vector<16xf32>, vector<16xi1>
        %add3A_931 = arith.constant 2 : i32
        %add3A_932 = vector.broadcast %add3A_931 : i32 to vector<16xi32>
        %add3A_933 = arith.addi %add3A_898, %add3A_932 : vector<16xi32>
        tpu.vector_store_idx %arg9[%add3A_933], %gather3A_930 masked %ne3A_929 : memref<16384xf32, #tpu.memory_space<vmem>>[vector<16xi32>], vector<16xf32>, vector<16xi1>
        %add3A_934 = arith.addi %add3A_922, %and3A_876 : vector<16xi32>
        %add3A_935 = arith.addi %add3A_934, %and3A_882 : vector<16xi32>
        %max3A_936 = arith.constant 0 : i32
        %max3A_937 = vector.broadcast %max3A_936 : i32 to vector<16xi32>
        %max3A_938 = arith.maxsi %add3A_935, %max3A_937 : vector<16xi32>
        %ne3A_939 = arith.constant 0 : i32
        %ne3A_940 = vector.broadcast %ne3A_939 : i32 to vector<16xi32>
        %ne3A_941 = arith.cmpi ne, %and3A_882, %ne3A_940 : vector<16xi32>
        %gather3A_942 = tpu.vector_load_idx %arg11[%max3A_938] masked %ne3A_941 : memref<16392xf32, #tpu.memory_space<vmem>>[vector<16xi32>], vector<16xf32>, vector<16xi1>
        %add3A_943 = arith.constant 3 : i32
        %add3A_944 = vector.broadcast %add3A_943 : i32 to vector<16xi32>
        %add3A_945 = arith.addi %add3A_898, %add3A_944 : vector<16xi32>
        tpu.vector_store_idx %arg9[%add3A_945], %gather3A_942 masked %ne3A_941 : memref<16384xf32, #tpu.memory_space<vmem>>[vector<16xi32>], vector<16xf32>, vector<16xi1>
        %add3A_946 = arith.addi %add3A_934, %and3A_882 : vector<16xi32>
        %slice3A_947 = vector.extract_strided_slice %masked_cumsum3A_888 {offsets = [15], sizes = [1], strides = [1]} : vector<16xi32> to vector<1xi32>
        %squeeze3A_948 = vector.extract %slice3A_947[0] : i32 from vector<1xi32>
        %add3A_949 = arith.addi %add3A_855, %squeeze3A_948 : i32
        scf.yield %add3A_949 : i32
      }
      %scan3A_291 = arith.constant 256 : i32
      %mul3A_292 = arith.constant 16384 : i32
      %mul3A_293 = arith.muli %mul3A_272, %mul3A_292 : i32
      %add3A_294 = arith.addi %mul3A_2, %mul3A_293 : i32
      %dma_start3A_295 = tpu.memref_slice %arg6[%add3A_294] : memref<16777216xf32, #tpu.memory_space<hbm>> -> memref<16384xf32, #tpu.memory_space<hbm>>
      %dma_start3A_296 = tpu.memref_slice %arg6[%add3A_294] : memref<16777216xf32, #tpu.memory_space<hbm>> -> memref<16384xf32, #tpu.memory_space<hbm>>
      tpu.enqueue_dma source(%arg9 : memref<16384xf32, #tpu.memory_space<vmem>>) target(%dma_start3A_296 : memref<16384xf32, #tpu.memory_space<hbm>>) target_semaphore(%arg17 : memref<!tpu.dma_semaphore, #tpu.memory_space<semaphore_mem>>)
      %dma_wait3A_297 = arith.constant 0 : i32
      %dma_wait3A_298 = tpu.memref_slice %arg2[%dma_wait3A_297] : memref<4194304xi32, #tpu.memory_space<hbm>> -> memref<4096xi32, #tpu.memory_space<hbm>>
      %dma_wait3A_299 = arith.constant 0 : i32
      %dma_wait3A_300 = tpu.memref_slice %arg2[%dma_wait3A_299] : memref<4194304xi32, #tpu.memory_space<hbm>> -> memref<4096xi32, #tpu.memory_space<hbm>>
      tpu.wait_dma2 semaphore(%arg16 : memref<!tpu.dma_semaphore, #tpu.memory_space<semaphore_mem>>) src(%dma_wait3A_300 : memref<4096xi32, #tpu.memory_space<hbm>>) dst(%arg8 : memref<4096xi32, #tpu.memory_space<vmem>>)
      %dma_wait3A_301 = arith.constant 0 : i32
      %dma_wait3A_302 = tpu.memref_slice %arg3[%dma_wait3A_301] : memref<16777216xf32, #tpu.memory_space<hbm>> -> memref<16384xf32, #tpu.memory_space<hbm>>
      %dma_wait3A_303 = arith.constant 0 : i32
      %dma_wait3A_304 = tpu.memref_slice %arg3[%dma_wait3A_303] : memref<16777216xf32, #tpu.memory_space<hbm>> -> memref<16384xf32, #tpu.memory_space<hbm>>
      tpu.wait_dma2 semaphore(%arg16 : memref<!tpu.dma_semaphore, #tpu.memory_space<semaphore_mem>>) src(%dma_wait3A_304 : memref<16384xf32, #tpu.memory_space<hbm>>) dst(%arg10 : memref<16384xf32, #tpu.memory_space<vmem>>)
      %dma_wait3A_305 = arith.constant 0 : i32
      %dma_wait3A_306 = tpu.memref_slice %arg4[%dma_wait3A_305] : memref<16777216xf32, #tpu.memory_space<hbm>> -> memref<16392xf32, #tpu.memory_space<hbm>>
      %dma_wait3A_307 = arith.constant 0 : i32
      %dma_wait3A_308 = tpu.memref_slice %arg4[%dma_wait3A_307] : memref<16777216xf32, #tpu.memory_space<hbm>> -> memref<16392xf32, #tpu.memory_space<hbm>>
      tpu.wait_dma2 semaphore(%arg16 : memref<!tpu.dma_semaphore, #tpu.memory_space<semaphore_mem>>) src(%dma_wait3A_308 : memref<16392xf32, #tpu.memory_space<hbm>>) dst(%arg12 : memref<16392xf32, #tpu.memory_space<vmem>>)
      %scan3A_309 = arith.constant 0 : i32
      %scan3A_310 = arith.constant 0 : i32
      %scan3A_311 = arith.constant 256 : i32
      %scan3A_312 = arith.addi %scan3A_310, %scan3A_311 : i32
      %scan3A_313 = arith.constant 4 : i32
      %scan3A_314 = scf.for %scan3A_579 = %scan3A_310 to %scan3A_312 step %scan3A_313 iter_args(%scan3A_580 = %scan3A_309) -> (i32)  : i32 {
        %mul3A_581 = arith.constant 16 : i32
        %mul3A_582 = arith.muli %scan3A_579, %mul3A_581 : i32
        %get3A_583 = arith.index_cast %mul3A_582 : i32 to index
        %get3A_584 = tpu.vector_load %arg8[%get3A_583] {strides = array<i32>} : memref<4096xi32, #tpu.memory_space<vmem>>, vector<16xi32>,
        %and3A_585 = arith.constant 255 : i32
        %and3A_586 = vector.broadcast %and3A_585 : i32 to vector<16xi32>
        %and3A_587 = arith.andi %get3A_584, %and3A_586 : vector<16xi32>
        %shift_right_logical3A = arith.constant 8 : i32
        %shift_right_logical3A_588 = vector.broadcast %shift_right_logical3A : i32 to vector<16xi32>
        %shift_right_logical3A_589 = arith.shrui %get3A_584, %shift_right_logical3A_588 : vector<16xi32>
        %and3A_590 = arith.constant 255 : i32
        %and3A_591 = vector.broadcast %and3A_590 : i32 to vector<16xi32>
        %and3A_592 = arith.andi %shift_right_logical3A_589, %and3A_591 : vector<16xi32>
        %shift_right_logical3A_593 = arith.constant 16 : i32
        %shift_right_logical3A_594 = vector.broadcast %shift_right_logical3A_593 : i32 to vector<16xi32>
        %shift_right_logical3A_595 = arith.shrui %get3A_584, %shift_right_logical3A_594 : vector<16xi32>
        %and3A_596 = arith.constant 255 : i32
        %and3A_597 = vector.broadcast %and3A_596 : i32 to vector<16xi32>
        %and3A_598 = arith.andi %shift_right_logical3A_595, %and3A_597 : vector<16xi32>
        %shift_right_logical3A_599 = arith.constant 24 : i32
        %shift_right_logical3A_600 = vector.broadcast %shift_right_logical3A_599 : i32 to vector<16xi32>
        %shift_right_logical3A_601 = arith.shrui %get3A_584, %shift_right_logical3A_600 : vector<16xi32>
        %and3A_602 = arith.constant 255 : i32
        %and3A_603 = vector.broadcast %and3A_602 : i32 to vector<16xi32>
        %and3A_604 = arith.andi %shift_right_logical3A_601, %and3A_603 : vector<16xi32>
        %add3A_605 = arith.addi %and3A_587, %and3A_592 : vector<16xi32>
        %add3A_606 = arith.addi %add3A_605, %and3A_598 : vector<16xi32>
        %add3A_607 = arith.addi %add3A_606, %and3A_604 : vector<16xi32>
        %broadcast_in_dim3A_608 = arith.constant true
        %broadcast_in_dim3A_609 = vector.broadcast %broadcast_in_dim3A_608 : i1 to vector<16xi1>
        %masked_cumsum3A = tpu.scan <sum>, %add3A_607 masked %broadcast_in_dim3A_609 : vector<16xi32>, vector<16xi1> -> vector<16xi32>
        %add3A_610 = arith.addi %scan3A_270, %scan3A_580 : i32
        %sub3A_611 = arith.constant 1 : i32
        %sub3A_612 = arith.subi %add3A_610, %sub3A_611 : i32
        %sub3A_613 = arith.subi %masked_cumsum3A, %add3A_607 : vector<16xi32>
        %add3A_614 = vector.broadcast %sub3A_612 : i32 to vector<16xi32>
        %add3A_615 = arith.addi %add3A_614, %sub3A_613 : vector<16xi32>
        %mul3A_616 = arith.constant 64 : i32
        %mul3A_617 = arith.muli %scan3A_579, %mul3A_616 : i32
        %add3A_618 = vector.broadcast %mul3A_617 : i32 to vector<16xi32>
        %add3A_619 = arith.addi %mul3A_5, %add3A_618 : vector<16xi32>
        %add3A_620 = arith.addi %add3A_615, %and3A_587 : vector<16xi32>
        %max3A_621 = arith.constant 0 : i32
        %max3A_622 = vector.broadcast %max3A_621 : i32 to vector<16xi32>
        %max3A_623 = arith.maxsi %add3A_620, %max3A_622 : vector<16xi32>
        %ne3A_624 = arith.constant 0 : i32
        %ne3A_625 = vector.broadcast %ne3A_624 : i32 to vector<16xi32>
        %ne3A_626 = arith.cmpi ne, %and3A_587, %ne3A_625 : vector<16xi32>
        %gather3A = tpu.vector_load_idx %arg12[%max3A_623] masked %ne3A_626 : memref<16392xf32, #tpu.memory_space<vmem>>[vector<16xi32>], vector<16xf32>, vector<16xi1>
        %add3A_627 = arith.constant 0 : i32
        %add3A_628 = vector.broadcast %add3A_627 : i32 to vector<16xi32>
        %add3A_629 = arith.addi %add3A_619, %add3A_628 : vector<16xi32>
        tpu.vector_store_idx %arg10[%add3A_629], %gather3A masked %ne3A_626 : memref<16384xf32, #tpu.memory_space<vmem>>[vector<16xi32>], vector<16xf32>, vector<16xi1>
        %add3A_630 = arith.addi %add3A_615, %and3A_587 : vector<16xi32>
        %add3A_631 = arith.addi %add3A_630, %and3A_592 : vector<16xi32>
        %max3A_632 = arith.constant 0 : i32
        %max3A_633 = vector.broadcast %max3A_632 : i32 to vector<16xi32>
        %max3A_634 = arith.maxsi %add3A_631, %max3A_633 : vector<16xi32>
        %ne3A_635 = arith.constant 0 : i32
        %ne3A_636 = vector.broadcast %ne3A_635 : i32 to vector<16xi32>
        %ne3A_637 = arith.cmpi ne, %and3A_592, %ne3A_636 : vector<16xi32>
        %gather3A_638 = tpu.vector_load_idx %arg12[%max3A_634] masked %ne3A_637 : memref<16392xf32, #tpu.memory_space<vmem>>[vector<16xi32>], vector<16xf32>, vector<16xi1>
        %add3A_639 = arith.constant 1 : i32
        %add3A_640 = vector.broadcast %add3A_639 : i32 to vector<16xi32>
        %add3A_641 = arith.addi %add3A_619, %add3A_640 : vector<16xi32>
        tpu.vector_store_idx %arg10[%add3A_641], %gather3A_638 masked %ne3A_637 : memref<16384xf32, #tpu.memory_space<vmem>>[vector<16xi32>], vector<16xf32>, vector<16xi1>
        %add3A_642 = arith.addi %add3A_630, %and3A_592 : vector<16xi32>
        %add3A_643 = arith.addi %add3A_642, %and3A_598 : vector<16xi32>
        %max3A_644 = arith.constant 0 : i32
        %max3A_645 = vector.broadcast %max3A_644 : i32 to vector<16xi32>
        %max3A_646 = arith.maxsi %add3A_643, %max3A_645 : vector<16xi32>
        %ne3A_647 = arith.constant 0 : i32
        %ne3A_648 = vector.broadcast %ne3A_647 : i32 to vector<16xi32>
        %ne3A_649 = arith.cmpi ne, %and3A_598, %ne3A_648 : vector<16xi32>
        %gather3A_650 = tpu.vector_load_idx %arg12[%max3A_646] masked %ne3A_649 : memref<16392xf32, #tpu.memory_space<vmem>>[vector<16xi32>], vector<16xf32>, vector<16xi1>
        %add3A_651 = arith.constant 2 : i32
        %add3A_652 = vector.broadcast %add3A_651 : i32 to vector<16xi32>
        %add3A_653 = arith.addi %add3A_619, %add3A_652 : vector<16xi32>
        tpu.vector_store_idx %arg10[%add3A_653], %gather3A_650 masked %ne3A_649 : memref<16384xf32, #tpu.memory_space<vmem>>[vector<16xi32>], vector<16xf32>, vector<16xi1>
        %add3A_654 = arith.addi %add3A_642, %and3A_598 : vector<16xi32>
        %add3A_655 = arith.addi %add3A_654, %and3A_604 : vector<16xi32>
        %max3A_656 = arith.constant 0 : i32
        %max3A_657 = vector.broadcast %max3A_656 : i32 to vector<16xi32>
        %max3A_658 = arith.maxsi %add3A_655, %max3A_657 : vector<16xi32>
        %ne3A_659 = arith.constant 0 : i32
        %ne3A_660 = vector.broadcast %ne3A_659 : i32 to vector<16xi32>
        %ne3A_661 = arith.cmpi ne, %and3A_604, %ne3A_660 : vector<16xi32>
        %gather3A_662 = tpu.vector_load_idx %arg12[%max3A_658] masked %ne3A_661 : memref<16392xf32, #tpu.memory_space<vmem>>[vector<16xi32>], vector<16xf32>, vector<16xi1>
        %add3A_663 = arith.constant 3 : i32
        %add3A_664 = vector.broadcast %add3A_663 : i32 to vector<16xi32>
        %add3A_665 = arith.addi %add3A_619, %add3A_664 : vector<16xi32>
        tpu.vector_store_idx %arg10[%add3A_665], %gather3A_662 masked %ne3A_661 : memref<16384xf32, #tpu.memory_space<vmem>>[vector<16xi32>], vector<16xf32>, vector<16xi1>
        %add3A_666 = arith.addi %add3A_654, %and3A_604 : vector<16xi32>
        %slice3A = vector.extract_strided_slice %masked_cumsum3A {offsets = [15], sizes = [1], strides = [1]} : vector<16xi32> to vector<1xi32>
        %squeeze3A = vector.extract %slice3A[0] : i32 from vector<1xi32>
        %add3A_667 = arith.addi %scan3A_580, %squeeze3A : i32
        %scan3A_668 = arith.constant 1 : i32
        %scan3A_669 = arith.addi %scan3A_579, %scan3A_668 : i32
        %mul3A_670 = arith.constant 16 : i32
        %mul3A_671 = arith.muli %scan3A_669, %mul3A_670 : i32
        %get3A_672 = arith.index_cast %mul3A_671 : i32 to index
        %get3A_673 = tpu.vector_load %arg8[%get3A_672] {strides = array<i32>} : memref<4096xi32, #tpu.memory_space<vmem>>, vector<16xi32>,
        %and3A_674 = arith.constant 255 : i32
        %and3A_675 = vector.broadcast %and3A_674 : i32 to vector<16xi32>
        %and3A_676 = arith.andi %get3A_673, %and3A_675 : vector<16xi32>
        %shift_right_logical3A_677 = arith.constant 8 : i32
        %shift_right_logical3A_678 = vector.broadcast %shift_right_logical3A_677 : i32 to vector<16xi32>
        %shift_right_logical3A_679 = arith.shrui %get3A_673, %shift_right_logical3A_678 : vector<16xi32>
        %and3A_680 = arith.constant 255 : i32
        %and3A_681 = vector.broadcast %and3A_680 : i32 to vector<16xi32>
        %and3A_682 = arith.andi %shift_right_logical3A_679, %and3A_681 : vector<16xi32>
        %shift_right_logical3A_683 = arith.constant 16 : i32
        %shift_right_logical3A_684 = vector.broadcast %shift_right_logical3A_683 : i32 to vector<16xi32>
        %shift_right_logical3A_685 = arith.shrui %get3A_673, %shift_right_logical3A_684 : vector<16xi32>
        %and3A_686 = arith.constant 255 : i32
        %and3A_687 = vector.broadcast %and3A_686 : i32 to vector<16xi32>
        %and3A_688 = arith.andi %shift_right_logical3A_685, %and3A_687 : vector<16xi32>
        %shift_right_logical3A_689 = arith.constant 24 : i32
        %shift_right_logical3A_690 = vector.broadcast %shift_right_logical3A_689 : i32 to vector<16xi32>
        %shift_right_logical3A_691 = arith.shrui %get3A_673, %shift_right_logical3A_690 : vector<16xi32>
        %and3A_692 = arith.constant 255 : i32
        %and3A_693 = vector.broadcast %and3A_692 : i32 to vector<16xi32>
        %and3A_694 = arith.andi %shift_right_logical3A_691, %and3A_693 : vector<16xi32>
        %add3A_695 = arith.addi %and3A_676, %and3A_682 : vector<16xi32>
        %add3A_696 = arith.addi %add3A_695, %and3A_688 : vector<16xi32>
        %add3A_697 = arith.addi %add3A_696, %and3A_694 : vector<16xi32>
        %broadcast_in_dim3A_698 = arith.constant true
        %broadcast_in_dim3A_699 = vector.broadcast %broadcast_in_dim3A_698 : i1 to vector<16xi1>
        %masked_cumsum3A_700 = tpu.scan <sum>, %add3A_697 masked %broadcast_in_dim3A_699 : vector<16xi32>, vector<16xi1> -> vector<16xi32>
        %add3A_701 = arith.addi %scan3A_270, %add3A_667 : i32
        %sub3A_702 = arith.constant 1 : i32
        %sub3A_703 = arith.subi %add3A_701, %sub3A_702 : i32
        %sub3A_704 = arith.subi %masked_cumsum3A_700, %add3A_697 : vector<16xi32>
        %add3A_705 = vector.broadcast %sub3A_703 : i32 to vector<16xi32>
        %add3A_706 = arith.addi %add3A_705, %sub3A_704 : vector<16xi32>
        %mul3A_707 = arith.constant 64 : i32
        %mul3A_708 = arith.muli %scan3A_669, %mul3A_707 : i32
        %add3A_709 = vector.broadcast %mul3A_708 : i32 to vector<16xi32>
        %add3A_710 = arith.addi %mul3A_5, %add3A_709 : vector<16xi32>
        %add3A_711 = arith.addi %add3A_706, %and3A_676 : vector<16xi32>
        %max3A_712 = arith.constant 0 : i32
        %max3A_713 = vector.broadcast %max3A_712 : i32 to vector<16xi32>
        %max3A_714 = arith.maxsi %add3A_711, %max3A_713 : vector<16xi32>
        %ne3A_715 = arith.constant 0 : i32
        %ne3A_716 = vector.broadcast %ne3A_715 : i32 to vector<16xi32>
        %ne3A_717 = arith.cmpi ne, %and3A_676, %ne3A_716 : vector<16xi32>
        %gather3A_718 = tpu.vector_load_idx %arg12[%max3A_714] masked %ne3A_717 : memref<16392xf32, #tpu.memory_space<vmem>>[vector<16xi32>], vector<16xf32>, vector<16xi1>
        %add3A_719 = arith.constant 0 : i32
        %add3A_720 = vector.broadcast %add3A_719 : i32 to vector<16xi32>
        %add3A_721 = arith.addi %add3A_710, %add3A_720 : vector<16xi32>
        tpu.vector_store_idx %arg10[%add3A_721], %gather3A_718 masked %ne3A_717 : memref<16384xf32, #tpu.memory_space<vmem>>[vector<16xi32>], vector<16xf32>, vector<16xi1>
        %add3A_722 = arith.addi %add3A_706, %and3A_676 : vector<16xi32>
        %add3A_723 = arith.addi %add3A_722, %and3A_682 : vector<16xi32>
        %max3A_724 = arith.constant 0 : i32
        %max3A_725 = vector.broadcast %max3A_724 : i32 to vector<16xi32>
        %max3A_726 = arith.maxsi %add3A_723, %max3A_725 : vector<16xi32>
        %ne3A_727 = arith.constant 0 : i32
        %ne3A_728 = vector.broadcast %ne3A_727 : i32 to vector<16xi32>
        %ne3A_729 = arith.cmpi ne, %and3A_682, %ne3A_728 : vector<16xi32>
        %gather3A_730 = tpu.vector_load_idx %arg12[%max3A_726] masked %ne3A_729 : memref<16392xf32, #tpu.memory_space<vmem>>[vector<16xi32>], vector<16xf32>, vector<16xi1>
        %add3A_731 = arith.constant 1 : i32
        %add3A_732 = vector.broadcast %add3A_731 : i32 to vector<16xi32>
        %add3A_733 = arith.addi %add3A_710, %add3A_732 : vector<16xi32>
        tpu.vector_store_idx %arg10[%add3A_733], %gather3A_730 masked %ne3A_729 : memref<16384xf32, #tpu.memory_space<vmem>>[vector<16xi32>], vector<16xf32>, vector<16xi1>
        %add3A_734 = arith.addi %add3A_722, %and3A_682 : vector<16xi32>
        %add3A_735 = arith.addi %add3A_734, %and3A_688 : vector<16xi32>
        %max3A_736 = arith.constant 0 : i32
        %max3A_737 = vector.broadcast %max3A_736 : i32 to vector<16xi32>
        %max3A_738 = arith.maxsi %add3A_735, %max3A_737 : vector<16xi32>
        %ne3A_739 = arith.constant 0 : i32
        %ne3A_740 = vector.broadcast %ne3A_739 : i32 to vector<16xi32>
        %ne3A_741 = arith.cmpi ne, %and3A_688, %ne3A_740 : vector<16xi32>
        %gather3A_742 = tpu.vector_load_idx %arg12[%max3A_738] masked %ne3A_741 : memref<16392xf32, #tpu.memory_space<vmem>>[vector<16xi32>], vector<16xf32>, vector<16xi1>
        %add3A_743 = arith.constant 2 : i32
        %add3A_744 = vector.broadcast %add3A_743 : i32 to vector<16xi32>
        %add3A_745 = arith.addi %add3A_710, %add3A_744 : vector<16xi32>
        tpu.vector_store_idx %arg10[%add3A_745], %gather3A_742 masked %ne3A_741 : memref<16384xf32, #tpu.memory_space<vmem>>[vector<16xi32>], vector<16xf32>, vector<16xi1>
        %add3A_746 = arith.addi %add3A_734, %and3A_688 : vector<16xi32>
        %add3A_747 = arith.addi %add3A_746, %and3A_694 : vector<16xi32>
        %max3A_748 = arith.constant 0 : i32
        %max3A_749 = vector.broadcast %max3A_748 : i32 to vector<16xi32>
        %max3A_750 = arith.maxsi %add3A_747, %max3A_749 : vector<16xi32>
        %ne3A_751 = arith.constant 0 : i32
        %ne3A_752 = vector.broadcast %ne3A_751 : i32 to vector<16xi32>
        %ne3A_753 = arith.cmpi ne, %and3A_694, %ne3A_752 : vector<16xi32>
        %gather3A_754 = tpu.vector_load_idx %arg12[%max3A_750] masked %ne3A_753 : memref<16392xf32, #tpu.memory_space<vmem>>[vector<16xi32>], vector<16xf32>, vector<16xi1>
        %add3A_755 = arith.constant 3 : i32
        %add3A_756 = vector.broadcast %add3A_755 : i32 to vector<16xi32>
        %add3A_757 = arith.addi %add3A_710, %add3A_756 : vector<16xi32>
        tpu.vector_store_idx %arg10[%add3A_757], %gather3A_754 masked %ne3A_753 : memref<16384xf32, #tpu.memory_space<vmem>>[vector<16xi32>], vector<16xf32>, vector<16xi1>
        %add3A_758 = arith.addi %add3A_746, %and3A_694 : vector<16xi32>
        %slice3A_759 = vector.extract_strided_slice %masked_cumsum3A_700 {offsets = [15], sizes = [1], strides = [1]} : vector<16xi32> to vector<1xi32>
        %squeeze3A_760 = vector.extract %slice3A_759[0] : i32 from vector<1xi32>
        %add3A_761 = arith.addi %add3A_667, %squeeze3A_760 : i32
        %scan3A_762 = arith.constant 2 : i32
        %scan3A_763 = arith.addi %scan3A_579, %scan3A_762 : i32
        %mul3A_764 = arith.constant 16 : i32
        %mul3A_765 = arith.muli %scan3A_763, %mul3A_764 : i32
        %get3A_766 = arith.index_cast %mul3A_765 : i32 to index
        %get3A_767 = tpu.vector_load %arg8[%get3A_766] {strides = array<i32>} : memref<4096xi32, #tpu.memory_space<vmem>>, vector<16xi32>,
        %and3A_768 = arith.constant 255 : i32
        %and3A_769 = vector.broadcast %and3A_768 : i32 to vector<16xi32>
        %and3A_770 = arith.andi %get3A_767, %and3A_769 : vector<16xi32>
        %shift_right_logical3A_771 = arith.constant 8 : i32
        %shift_right_logical3A_772 = vector.broadcast %shift_right_logical3A_771 : i32 to vector<16xi32>
        %shift_right_logical3A_773 = arith.shrui %get3A_767, %shift_right_logical3A_772 : vector<16xi32>
        %and3A_774 = arith.constant 255 : i32
        %and3A_775 = vector.broadcast %and3A_774 : i32 to vector<16xi32>
        %and3A_776 = arith.andi %shift_right_logical3A_773, %and3A_775 : vector<16xi32>
        %shift_right_logical3A_777 = arith.constant 16 : i32
        %shift_right_logical3A_778 = vector.broadcast %shift_right_logical3A_777 : i32 to vector<16xi32>
        %shift_right_logical3A_779 = arith.shrui %get3A_767, %shift_right_logical3A_778 : vector<16xi32>
        %and3A_780 = arith.constant 255 : i32
        %and3A_781 = vector.broadcast %and3A_780 : i32 to vector<16xi32>
        %and3A_782 = arith.andi %shift_right_logical3A_779, %and3A_781 : vector<16xi32>
        %shift_right_logical3A_783 = arith.constant 24 : i32
        %shift_right_logical3A_784 = vector.broadcast %shift_right_logical3A_783 : i32 to vector<16xi32>
        %shift_right_logical3A_785 = arith.shrui %get3A_767, %shift_right_logical3A_784 : vector<16xi32>
        %and3A_786 = arith.constant 255 : i32
        %and3A_787 = vector.broadcast %and3A_786 : i32 to vector<16xi32>
        %and3A_788 = arith.andi %shift_right_logical3A_785, %and3A_787 : vector<16xi32>
        %add3A_789 = arith.addi %and3A_770, %and3A_776 : vector<16xi32>
        %add3A_790 = arith.addi %add3A_789, %and3A_782 : vector<16xi32>
        %add3A_791 = arith.addi %add3A_790, %and3A_788 : vector<16xi32>
        %broadcast_in_dim3A_792 = arith.constant true
        %broadcast_in_dim3A_793 = vector.broadcast %broadcast_in_dim3A_792 : i1 to vector<16xi1>
        %masked_cumsum3A_794 = tpu.scan <sum>, %add3A_791 masked %broadcast_in_dim3A_793 : vector<16xi32>, vector<16xi1> -> vector<16xi32>
        %add3A_795 = arith.addi %scan3A_270, %add3A_761 : i32
        %sub3A_796 = arith.constant 1 : i32
        %sub3A_797 = arith.subi %add3A_795, %sub3A_796 : i32
        %sub3A_798 = arith.subi %masked_cumsum3A_794, %add3A_791 : vector<16xi32>
        %add3A_799 = vector.broadcast %sub3A_797 : i32 to vector<16xi32>
        %add3A_800 = arith.addi %add3A_799, %sub3A_798 : vector<16xi32>
        %mul3A_801 = arith.constant 64 : i32
        %mul3A_802 = arith.muli %scan3A_763, %mul3A_801 : i32
        %add3A_803 = vector.broadcast %mul3A_802 : i32 to vector<16xi32>
        %add3A_804 = arith.addi %mul3A_5, %add3A_803 : vector<16xi32>
        %add3A_805 = arith.addi %add3A_800, %and3A_770 : vector<16xi32>
        %max3A_806 = arith.constant 0 : i32
        %max3A_807 = vector.broadcast %max3A_806 : i32 to vector<16xi32>
        %max3A_808 = arith.maxsi %add3A_805, %max3A_807 : vector<16xi32>
        %ne3A_809 = arith.constant 0 : i32
        %ne3A_810 = vector.broadcast %ne3A_809 : i32 to vector<16xi32>
        %ne3A_811 = arith.cmpi ne, %and3A_770, %ne3A_810 : vector<16xi32>
        %gather3A_812 = tpu.vector_load_idx %arg12[%max3A_808] masked %ne3A_811 : memref<16392xf32, #tpu.memory_space<vmem>>[vector<16xi32>], vector<16xf32>, vector<16xi1>
        %add3A_813 = arith.constant 0 : i32
        %add3A_814 = vector.broadcast %add3A_813 : i32 to vector<16xi32>
        %add3A_815 = arith.addi %add3A_804, %add3A_814 : vector<16xi32>
        tpu.vector_store_idx %arg10[%add3A_815], %gather3A_812 masked %ne3A_811 : memref<16384xf32, #tpu.memory_space<vmem>>[vector<16xi32>], vector<16xf32>, vector<16xi1>
        %add3A_816 = arith.addi %add3A_800, %and3A_770 : vector<16xi32>
        %add3A_817 = arith.addi %add3A_816, %and3A_776 : vector<16xi32>
        %max3A_818 = arith.constant 0 : i32
        %max3A_819 = vector.broadcast %max3A_818 : i32 to vector<16xi32>
        %max3A_820 = arith.maxsi %add3A_817, %max3A_819 : vector<16xi32>
        %ne3A_821 = arith.constant 0 : i32
        %ne3A_822 = vector.broadcast %ne3A_821 : i32 to vector<16xi32>
        %ne3A_823 = arith.cmpi ne, %and3A_776, %ne3A_822 : vector<16xi32>
        %gather3A_824 = tpu.vector_load_idx %arg12[%max3A_820] masked %ne3A_823 : memref<16392xf32, #tpu.memory_space<vmem>>[vector<16xi32>], vector<16xf32>, vector<16xi1>
        %add3A_825 = arith.constant 1 : i32
        %add3A_826 = vector.broadcast %add3A_825 : i32 to vector<16xi32>
        %add3A_827 = arith.addi %add3A_804, %add3A_826 : vector<16xi32>
        tpu.vector_store_idx %arg10[%add3A_827], %gather3A_824 masked %ne3A_823 : memref<16384xf32, #tpu.memory_space<vmem>>[vector<16xi32>], vector<16xf32>, vector<16xi1>
        %add3A_828 = arith.addi %add3A_816, %and3A_776 : vector<16xi32>
        %add3A_829 = arith.addi %add3A_828, %and3A_782 : vector<16xi32>
        %max3A_830 = arith.constant 0 : i32
        %max3A_831 = vector.broadcast %max3A_830 : i32 to vector<16xi32>
        %max3A_832 = arith.maxsi %add3A_829, %max3A_831 : vector<16xi32>
        %ne3A_833 = arith.constant 0 : i32
        %ne3A_834 = vector.broadcast %ne3A_833 : i32 to vector<16xi32>
        %ne3A_835 = arith.cmpi ne, %and3A_782, %ne3A_834 : vector<16xi32>
        %gather3A_836 = tpu.vector_load_idx %arg12[%max3A_832] masked %ne3A_835 : memref<16392xf32, #tpu.memory_space<vmem>>[vector<16xi32>], vector<16xf32>, vector<16xi1>
        %add3A_837 = arith.constant 2 : i32
        %add3A_838 = vector.broadcast %add3A_837 : i32 to vector<16xi32>
        %add3A_839 = arith.addi %add3A_804, %add3A_838 : vector<16xi32>
        tpu.vector_store_idx %arg10[%add3A_839], %gather3A_836 masked %ne3A_835 : memref<16384xf32, #tpu.memory_space<vmem>>[vector<16xi32>], vector<16xf32>, vector<16xi1>
        %add3A_840 = arith.addi %add3A_828, %and3A_782 : vector<16xi32>
        %add3A_841 = arith.addi %add3A_840, %and3A_788 : vector<16xi32>
        %max3A_842 = arith.constant 0 : i32
        %max3A_843 = vector.broadcast %max3A_842 : i32 to vector<16xi32>
        %max3A_844 = arith.maxsi %add3A_841, %max3A_843 : vector<16xi32>
        %ne3A_845 = arith.constant 0 : i32
        %ne3A_846 = vector.broadcast %ne3A_845 : i32 to vector<16xi32>
        %ne3A_847 = arith.cmpi ne, %and3A_788, %ne3A_846 : vector<16xi32>
        %gather3A_848 = tpu.vector_load_idx %arg12[%max3A_844] masked %ne3A_847 : memref<16392xf32, #tpu.memory_space<vmem>>[vector<16xi32>], vector<16xf32>, vector<16xi1>
        %add3A_849 = arith.constant 3 : i32
        %add3A_850 = vector.broadcast %add3A_849 : i32 to vector<16xi32>
        %add3A_851 = arith.addi %add3A_804, %add3A_850 : vector<16xi32>
        tpu.vector_store_idx %arg10[%add3A_851], %gather3A_848 masked %ne3A_847 : memref<16384xf32, #tpu.memory_space<vmem>>[vector<16xi32>], vector<16xf32>, vector<16xi1>
        %add3A_852 = arith.addi %add3A_840, %and3A_788 : vector<16xi32>
        %slice3A_853 = vector.extract_strided_slice %masked_cumsum3A_794 {offsets = [15], sizes = [1], strides = [1]} : vector<16xi32> to vector<1xi32>
        %squeeze3A_854 = vector.extract %slice3A_853[0] : i32 from vector<1xi32>
        %add3A_855 = arith.addi %add3A_761, %squeeze3A_854 : i32
        %scan3A_856 = arith.constant 3 : i32
        %scan3A_857 = arith.addi %scan3A_579, %scan3A_856 : i32
        %mul3A_858 = arith.constant 16 : i32
        %mul3A_859 = arith.muli %scan3A_857, %mul3A_858 : i32
        %get3A_860 = arith.index_cast %mul3A_859 : i32 to index
        %get3A_861 = tpu.vector_load %arg8[%get3A_860] {strides = array<i32>} : memref<4096xi32, #tpu.memory_space<vmem>>, vector<16xi32>,
        %and3A_862 = arith.constant 255 : i32
        %and3A_863 = vector.broadcast %and3A_862 : i32 to vector<16xi32>
        %and3A_864 = arith.andi %get3A_861, %and3A_863 : vector<16xi32>
        %shift_right_logical3A_865 = arith.constant 8 : i32
        %shift_right_logical3A_866 = vector.broadcast %shift_right_logical3A_865 : i32 to vector<16xi32>
        %shift_right_logical3A_867 = arith.shrui %get3A_861, %shift_right_logical3A_866 : vector<16xi32>
        %and3A_868 = arith.constant 255 : i32
        %and3A_869 = vector.broadcast %and3A_868 : i32 to vector<16xi32>
        %and3A_870 = arith.andi %shift_right_logical3A_867, %and3A_869 : vector<16xi32>
        %shift_right_logical3A_871 = arith.constant 16 : i32
        %shift_right_logical3A_872 = vector.broadcast %shift_right_logical3A_871 : i32 to vector<16xi32>
        %shift_right_logical3A_873 = arith.shrui %get3A_861, %shift_right_logical3A_872 : vector<16xi32>
        %and3A_874 = arith.constant 255 : i32
        %and3A_875 = vector.broadcast %and3A_874 : i32 to vector<16xi32>
        %and3A_876 = arith.andi %shift_right_logical3A_873, %and3A_875 : vector<16xi32>
        %shift_right_logical3A_877 = arith.constant 24 : i32
        %shift_right_logical3A_878 = vector.broadcast %shift_right_logical3A_877 : i32 to vector<16xi32>
        %shift_right_logical3A_879 = arith.shrui %get3A_861, %shift_right_logical3A_878 : vector<16xi32>
        %and3A_880 = arith.constant 255 : i32
        %and3A_881 = vector.broadcast %and3A_880 : i32 to vector<16xi32>
        %and3A_882 = arith.andi %shift_right_logical3A_879, %and3A_881 : vector<16xi32>
        %add3A_883 = arith.addi %and3A_864, %and3A_870 : vector<16xi32>
        %add3A_884 = arith.addi %add3A_883, %and3A_876 : vector<16xi32>
        %add3A_885 = arith.addi %add3A_884, %and3A_882 : vector<16xi32>
        %broadcast_in_dim3A_886 = arith.constant true
        %broadcast_in_dim3A_887 = vector.broadcast %broadcast_in_dim3A_886 : i1 to vector<16xi1>
        %masked_cumsum3A_888 = tpu.scan <sum>, %add3A_885 masked %broadcast_in_dim3A_887 : vector<16xi32>, vector<16xi1> -> vector<16xi32>
        %add3A_889 = arith.addi %scan3A_270, %add3A_855 : i32
        %sub3A_890 = arith.constant 1 : i32
        %sub3A_891 = arith.subi %add3A_889, %sub3A_890 : i32
        %sub3A_892 = arith.subi %masked_cumsum3A_888, %add3A_885 : vector<16xi32>
        %add3A_893 = vector.broadcast %sub3A_891 : i32 to vector<16xi32>
        %add3A_894 = arith.addi %add3A_893, %sub3A_892 : vector<16xi32>
        %mul3A_895 = arith.constant 64 : i32
        %mul3A_896 = arith.muli %scan3A_857, %mul3A_895 : i32
        %add3A_897 = vector.broadcast %mul3A_896 : i32 to vector<16xi32>
        %add3A_898 = arith.addi %mul3A_5, %add3A_897 : vector<16xi32>
        %add3A_899 = arith.addi %add3A_894, %and3A_864 : vector<16xi32>
        %max3A_900 = arith.constant 0 : i32
        %max3A_901 = vector.broadcast %max3A_900 : i32 to vector<16xi32>
        %max3A_902 = arith.maxsi %add3A_899, %max3A_901 : vector<16xi32>
        %ne3A_903 = arith.constant 0 : i32
        %ne3A_904 = vector.broadcast %ne3A_903 : i32 to vector<16xi32>
        %ne3A_905 = arith.cmpi ne, %and3A_864, %ne3A_904 : vector<16xi32>
        %gather3A_906 = tpu.vector_load_idx %arg12[%max3A_902] masked %ne3A_905 : memref<16392xf32, #tpu.memory_space<vmem>>[vector<16xi32>], vector<16xf32>, vector<16xi1>
        %add3A_907 = arith.constant 0 : i32
        %add3A_908 = vector.broadcast %add3A_907 : i32 to vector<16xi32>
        %add3A_909 = arith.addi %add3A_898, %add3A_908 : vector<16xi32>
        tpu.vector_store_idx %arg10[%add3A_909], %gather3A_906 masked %ne3A_905 : memref<16384xf32, #tpu.memory_space<vmem>>[vector<16xi32>], vector<16xf32>, vector<16xi1>
        %add3A_910 = arith.addi %add3A_894, %and3A_864 : vector<16xi32>
        %add3A_911 = arith.addi %add3A_910, %and3A_870 : vector<16xi32>
        %max3A_912 = arith.constant 0 : i32
        %max3A_913 = vector.broadcast %max3A_912 : i32 to vector<16xi32>
        %max3A_914 = arith.maxsi %add3A_911, %max3A_913 : vector<16xi32>
        %ne3A_915 = arith.constant 0 : i32
        %ne3A_916 = vector.broadcast %ne3A_915 : i32 to vector<16xi32>
        %ne3A_917 = arith.cmpi ne, %and3A_870, %ne3A_916 : vector<16xi32>
        %gather3A_918 = tpu.vector_load_idx %arg12[%max3A_914] masked %ne3A_917 : memref<16392xf32, #tpu.memory_space<vmem>>[vector<16xi32>], vector<16xf32>, vector<16xi1>
        %add3A_919 = arith.constant 1 : i32
        %add3A_920 = vector.broadcast %add3A_919 : i32 to vector<16xi32>
        %add3A_921 = arith.addi %add3A_898, %add3A_920 : vector<16xi32>
        tpu.vector_store_idx %arg10[%add3A_921], %gather3A_918 masked %ne3A_917 : memref<16384xf32, #tpu.memory_space<vmem>>[vector<16xi32>], vector<16xf32>, vector<16xi1>
        %add3A_922 = arith.addi %add3A_910, %and3A_870 : vector<16xi32>
        %add3A_923 = arith.addi %add3A_922, %and3A_876 : vector<16xi32>
        %max3A_924 = arith.constant 0 : i32
        %max3A_925 = vector.broadcast %max3A_924 : i32 to vector<16xi32>
        %max3A_926 = arith.maxsi %add3A_923, %max3A_925 : vector<16xi32>
        %ne3A_927 = arith.constant 0 : i32
        %ne3A_928 = vector.broadcast %ne3A_927 : i32 to vector<16xi32>
        %ne3A_929 = arith.cmpi ne, %and3A_876, %ne3A_928 : vector<16xi32>
        %gather3A_930 = tpu.vector_load_idx %arg12[%max3A_926] masked %ne3A_929 : memref<16392xf32, #tpu.memory_space<vmem>>[vector<16xi32>], vector<16xf32>, vector<16xi1>
        %add3A_931 = arith.constant 2 : i32
        %add3A_932 = vector.broadcast %add3A_931 : i32 to vector<16xi32>
        %add3A_933 = arith.addi %add3A_898, %add3A_932 : vector<16xi32>
        tpu.vector_store_idx %arg10[%add3A_933], %gather3A_930 masked %ne3A_929 : memref<16384xf32, #tpu.memory_space<vmem>>[vector<16xi32>], vector<16xf32>, vector<16xi1>
        %add3A_934 = arith.addi %add3A_922, %and3A_876 : vector<16xi32>
        %add3A_935 = arith.addi %add3A_934, %and3A_882 : vector<16xi32>
        %max3A_936 = arith.constant 0 : i32
        %max3A_937 = vector.broadcast %max3A_936 : i32 to vector<16xi32>
        %max3A_938 = arith.maxsi %add3A_935, %max3A_937 : vector<16xi32>
        %ne3A_939 = arith.constant 0 : i32
        %ne3A_940 = vector.broadcast %ne3A_939 : i32 to vector<16xi32>
        %ne3A_941 = arith.cmpi ne, %and3A_882, %ne3A_940 : vector<16xi32>
        %gather3A_942 = tpu.vector_load_idx %arg12[%max3A_938] masked %ne3A_941 : memref<16392xf32, #tpu.memory_space<vmem>>[vector<16xi32>], vector<16xf32>, vector<16xi1>
        %add3A_943 = arith.constant 3 : i32
        %add3A_944 = vector.broadcast %add3A_943 : i32 to vector<16xi32>
        %add3A_945 = arith.addi %add3A_898, %add3A_944 : vector<16xi32>
        tpu.vector_store_idx %arg10[%add3A_945], %gather3A_942 masked %ne3A_941 : memref<16384xf32, #tpu.memory_space<vmem>>[vector<16xi32>], vector<16xf32>, vector<16xi1>
        %add3A_946 = arith.addi %add3A_934, %and3A_882 : vector<16xi32>
        %slice3A_947 = vector.extract_strided_slice %masked_cumsum3A_888 {offsets = [15], sizes = [1], strides = [1]} : vector<16xi32> to vector<1xi32>
        %squeeze3A_948 = vector.extract %slice3A_947[0] : i32 from vector<1xi32>
        %add3A_949 = arith.addi %add3A_855, %squeeze3A_948 : i32
        scf.yield %add3A_949 : i32
      }
      %scan3A_315 = arith.constant 256 : i32
      %add3A_316 = arith.constant 1 : i32
      %add3A_317 = arith.addi %mul3A_272, %add3A_316 : i32
      %mul3A_318 = arith.constant 16384 : i32
      %mul3A_319 = arith.muli %add3A_317, %mul3A_318 : i32
      %add3A_320 = arith.addi %mul3A_2, %mul3A_319 : i32
      %dma_start3A_321 = tpu.memref_slice %arg6[%add3A_320] : memref<16777216xf32, #tpu.memory_space<hbm>> -> memref<16384xf32, #tpu.memory_space<hbm>>
      %dma_start3A_322 = tpu.memref_slice %arg6[%add3A_320] : memref<16777216xf32, #tpu.memory_space<hbm>> -> memref<16384xf32, #tpu.memory_space<hbm>>
      tpu.enqueue_dma source(%arg10 : memref<16384xf32, #tpu.memory_space<vmem>>) target(%dma_start3A_322 : memref<16384xf32, #tpu.memory_space<hbm>>) target_semaphore(%arg18 : memref<!tpu.dma_semaphore, #tpu.memory_space<semaphore_mem>>)
      %dma_wait3A_323 = tpu.memref_slice %arg6[%mul3A_2] : memref<16777216xf32, #tpu.memory_space<hbm>> -> memref<16384xf32, #tpu.memory_space<hbm>>
      %dma_wait3A_324 = tpu.memref_slice %arg6[%mul3A_2] : memref<16777216xf32, #tpu.memory_space<hbm>> -> memref<16384xf32, #tpu.memory_space<hbm>>
      tpu.wait_dma2 semaphore(%arg17 : memref<!tpu.dma_semaphore, #tpu.memory_space<semaphore_mem>>) src(%arg9 : memref<16384xf32, #tpu.memory_space<vmem>>) dst(%dma_wait3A_324 : memref<16384xf32, #tpu.memory_space<hbm>>)
      %add3A_325 = arith.constant 2 : i32
      %add3A_326 = arith.addi %mul3A_272, %add3A_325 : i32
      %min3A_327 = arith.constant 31 : i32
      %min3A_328 = arith.minsi %add3A_326, %min3A_327 : i32
      %mul3A_329 = arith.constant 16384 : i32
      %mul3A_330 = arith.muli %min3A_328, %mul3A_329 : i32
      %add3A_331 = arith.addi %mul3A_2, %mul3A_330 : i32
      %jit3A_332 = arith.constant 4 : i32
      %div3A_333 = arith.divsi %add3A_331, %jit3A_332 : i32
      %sign3A_334 = arith.constant 0 : i32
      %sign3A_335 = arith.cmpi sgt, %add3A_331, %sign3A_334 : i32
      %sign3A_336 = arith.extui %sign3A_335 : i1 to i32
      %sign3A_337 = arith.constant 0 : i32
      %sign3A_338 = arith.cmpi slt, %add3A_331, %sign3A_337 : i32
      %sign3A_339 = arith.extui %sign3A_338 : i1 to i32
      %sign3A_340 = arith.subi %sign3A_336, %sign3A_339 : i32
      %sign3A_341 = arith.constant 0 : i32
      %sign3A_342 = arith.cmpi sgt, %jit3A_332, %sign3A_341 : i32
      %sign3A_343 = arith.extui %sign3A_342 : i1 to i32
      %sign3A_344 = arith.constant 0 : i32
      %sign3A_345 = arith.cmpi slt, %jit3A_332, %sign3A_344 : i32
      %sign3A_346 = arith.extui %sign3A_345 : i1 to i32
      %sign3A_347 = arith.subi %sign3A_343, %sign3A_346 : i32
      %ne3A_348 = arith.cmpi ne, %sign3A_340, %sign3A_347 : i32
      %rem3A_349 = arith.remsi %add3A_331, %jit3A_332 : i32
      %ne3A_350 = arith.constant 0 : i32
      %ne3A_351 = arith.cmpi ne, %rem3A_349, %ne3A_350 : i32
      %and3A_352 = arith.andi %ne3A_348, %ne3A_351 : i1
      %sub3A_353 = arith.constant 1 : i32
      %sub3A_354 = arith.subi %div3A_333, %sub3A_353 : i32
      %select_n3A_355 = arith.select %and3A_352, %sub3A_354, %div3A_333 : i32
      %multiple_of3A_356 = tpu.assume_multiple %select_n3A_355, 8 : i32
      %dma_start3A_357 = tpu.memref_slice %arg2[%multiple_of3A_356] : memref<4194304xi32, #tpu.memory_space<hbm>> -> memref<4096xi32, #tpu.memory_space<hbm>>
      %dma_start3A_358 = tpu.memref_slice %arg2[%multiple_of3A_356] : memref<4194304xi32, #tpu.memory_space<hbm>> -> memref<4096xi32, #tpu.memory_space<hbm>>
      tpu.enqueue_dma source(%dma_start3A_358 : memref<4096xi32, #tpu.memory_space<hbm>>) target(%arg7 : memref<4096xi32, #tpu.memory_space<vmem>>) target_semaphore(%arg15 : memref<!tpu.dma_semaphore, #tpu.memory_space<semaphore_mem>>)
      %dma_start3A_359 = tpu.memref_slice %arg3[%add3A_331] : memref<16777216xf32, #tpu.memory_space<hbm>> -> memref<16384xf32, #tpu.memory_space<hbm>>
      %dma_start3A_360 = tpu.memref_slice %arg3[%add3A_331] : memref<16777216xf32, #tpu.memory_space<hbm>> -> memref<16384xf32, #tpu.memory_space<hbm>>
      tpu.enqueue_dma source(%dma_start3A_360 : memref<16384xf32, #tpu.memory_space<hbm>>) target(%arg9 : memref<16384xf32, #tpu.memory_space<vmem>>) target_semaphore(%arg15 : memref<!tpu.dma_semaphore, #tpu.memory_space<semaphore_mem>>)
      %mul3A_361 = arith.constant 32 : i32
      %mul3A_362 = arith.muli %add3A, %mul3A_361 : i32
      %add3A_363 = arith.addi %mul3A_362, %min3A_328 : i32
      %jit3A_364 = arith.constant 16 : i32
      %div3A_365 = arith.divsi %add3A_363, %jit3A_364 : i32
      %sign3A_366 = arith.constant 0 : i32
      %sign3A_367 = arith.cmpi sgt, %add3A_363, %sign3A_366 : i32
      %sign3A_368 = arith.extui %sign3A_367 : i1 to i32
      %sign3A_369 = arith.constant 0 : i32
      %sign3A_370 = arith.cmpi slt, %add3A_363, %sign3A_369 : i32
      %sign3A_371 = arith.extui %sign3A_370 : i1 to i32
      %sign3A_372 = arith.subi %sign3A_368, %sign3A_371 : i32
      %sign3A_373 = arith.constant 0 : i32
      %sign3A_374 = arith.cmpi sgt, %jit3A_364, %sign3A_373 : i32
      %sign3A_375 = arith.extui %sign3A_374 : i1 to i32
      %sign3A_376 = arith.constant 0 : i32
      %sign3A_377 = arith.cmpi slt, %jit3A_364, %sign3A_376 : i32
      %sign3A_378 = arith.extui %sign3A_377 : i1 to i32
      %sign3A_379 = arith.subi %sign3A_375, %sign3A_378 : i32
      %ne3A_380 = arith.cmpi ne, %sign3A_372, %sign3A_379 : i32
      %rem3A_381 = arith.remsi %add3A_363, %jit3A_364 : i32
      %ne3A_382 = arith.constant 0 : i32
      %ne3A_383 = arith.cmpi ne, %rem3A_381, %ne3A_382 : i32
      %and3A_384 = arith.andi %ne3A_380, %ne3A_383 : i1
      %sub3A_385 = arith.constant 1 : i32
      %sub3A_386 = arith.subi %div3A_365, %sub3A_385 : i32
      %select_n3A_387 = arith.select %and3A_384, %sub3A_386, %div3A_365 : i32
      %mul3A_388 = arith.constant 16 : i32
      %mul3A_389 = arith.muli %select_n3A_387, %mul3A_388 : i32
      %get3A_390 = arith.index_cast %mul3A_389 : i32 to index
      %get3A_391 = tpu.vector_load %arg14[%get3A_390] {strides = array<i32>} : memref<1024xi32, #tpu.memory_space<vmem>>, vector<16xi32>,
      %jit3A_392 = arith.constant 16 : i32
      %eq3A_393 = arith.constant 0 : i32
      %eq3A_394 = arith.cmpi eq, %jit3A_392, %eq3A_393 : i32
      %jit3A_395 = arith.constant 1 : i32
      %select_n3A_396 = arith.select %eq3A_394, %jit3A_395, %jit3A_392 : i32
      %rem3A_397 = arith.remsi %add3A_363, %select_n3A_396 : i32
      %ne3A_398 = arith.constant 0 : i32
      %ne3A_399 = arith.cmpi ne, %rem3A_397, %ne3A_398 : i32
      %lt3A_400 = arith.constant 0 : i32
      %lt3A_401 = arith.cmpi slt, %rem3A_397, %lt3A_400 : i32
      %lt3A_402 = arith.constant 0 : i32
      %lt3A_403 = arith.cmpi slt, %select_n3A_396, %lt3A_402 : i32
      %ne3A_404 = arith.xori %lt3A_401, %lt3A_403 : i1
      %and3A_405 = arith.andi %ne3A_404, %ne3A_399 : i1
      %add3A_406 = arith.addi %rem3A_397, %select_n3A_396 : i32
      %select_n3A_407 = arith.select %and3A_405, %add3A_406, %rem3A_397 : i32
      %eq3A_408 = vector.broadcast %select_n3A_407 : i32 to vector<16xi32>
      %eq3A_409 = arith.cmpi eq, %iota3A, %eq3A_408 : vector<16xi32>
      %jit3A_410 = arith.constant 0 : i32
      %broadcast_in_dim3A_411 = vector.broadcast %jit3A_410 : i32 to vector<16xi32>
      %select_n3A_412 = arith.select %eq3A_409, %get3A_391, %broadcast_in_dim3A_411 : vector<16xi1>, vector<16xi32>
      %reduce_sum3A_413 = arith.constant true
      %reduce_sum3A_414 = vector.broadcast %reduce_sum3A_413 : i1 to vector<16xi1>
      %reduce_sum3A_415 = tpu.scan <sum>, %select_n3A_412 masked %reduce_sum3A_414 : vector<16xi32>, vector<16xi1> -> vector<16xi32>
      %reduce_sum3A_416 = vector.extract %reduce_sum3A_415[15] : i32 from vector<16xi32>
      %jit3A_417 = arith.constant 8 : i32
      %div3A_418 = arith.divsi %reduce_sum3A_416, %jit3A_417 : i32
      %sign3A_419 = arith.constant 0 : i32
      %sign3A_420 = arith.cmpi sgt, %reduce_sum3A_416, %sign3A_419 : i32
      %sign3A_421 = arith.extui %sign3A_420 : i1 to i32
      %sign3A_422 = arith.constant 0 : i32
      %sign3A_423 = arith.cmpi slt, %reduce_sum3A_416, %sign3A_422 : i32
      %sign3A_424 = arith.extui %sign3A_423 : i1 to i32
      %sign3A_425 = arith.subi %sign3A_421, %sign3A_424 : i32
      %sign3A_426 = arith.constant 0 : i32
      %sign3A_427 = arith.cmpi sgt, %jit3A_417, %sign3A_426 : i32
      %sign3A_428 = arith.extui %sign3A_427 : i1 to i32
      %sign3A_429 = arith.constant 0 : i32
      %sign3A_430 = arith.cmpi slt, %jit3A_417, %sign3A_429 : i32
      %sign3A_431 = arith.extui %sign3A_430 : i1 to i32
      %sign3A_432 = arith.subi %sign3A_428, %sign3A_431 : i32
      %ne3A_433 = arith.cmpi ne, %sign3A_425, %sign3A_432 : i32
      %rem3A_434 = arith.remsi %reduce_sum3A_416, %jit3A_417 : i32
      %ne3A_435 = arith.constant 0 : i32
      %ne3A_436 = arith.cmpi ne, %rem3A_434, %ne3A_435 : i32
      %and3A_437 = arith.andi %ne3A_433, %ne3A_436 : i1
      %sub3A_438 = arith.constant 1 : i32
      %sub3A_439 = arith.subi %div3A_418, %sub3A_438 : i32
      %select_n3A_440 = arith.select %and3A_437, %sub3A_439, %div3A_418 : i32
      %mul3A_441 = arith.constant 8 : i32
      %mul3A_442 = arith.muli %select_n3A_440, %mul3A_441 : i32
      %min3A_443 = arith.constant 16760824 : i32
      %min3A_444 = arith.minsi %mul3A_442, %min3A_443 : i32
      %max3A_445 = arith.constant 0 : i32
      %max3A_446 = arith.maxsi %min3A_444, %max3A_445 : i32
      %multiple_of3A_447 = tpu.assume_multiple %max3A_446, 8 : i32
      %dma_start3A_448 = tpu.memref_slice %arg4[%multiple_of3A_447] : memref<16777216xf32, #tpu.memory_space<hbm>> -> memref<16392xf32, #tpu.memory_space<hbm>>
      %dma_start3A_449 = tpu.memref_slice %arg4[%multiple_of3A_447] : memref<16777216xf32, #tpu.memory_space<hbm>> -> memref<16392xf32, #tpu.memory_space<hbm>>
      tpu.enqueue_dma source(%dma_start3A_449 : memref<16392xf32, #tpu.memory_space<hbm>>) target(%arg11 : memref<16392xf32, #tpu.memory_space<vmem>>) target_semaphore(%arg15 : memref<!tpu.dma_semaphore, #tpu.memory_space<semaphore_mem>>)
      %sub3A_450 = arith.subi %reduce_sum3A_416, %multiple_of3A_447 : i32
      %dma_wait3A_451 = tpu.memref_slice %arg6[%mul3A_2] : memref<16777216xf32, #tpu.memory_space<hbm>> -> memref<16384xf32, #tpu.memory_space<hbm>>
      %dma_wait3A_452 = tpu.memref_slice %arg6[%mul3A_2] : memref<16777216xf32, #tpu.memory_space<hbm>> -> memref<16384xf32, #tpu.memory_space<hbm>>
      tpu.wait_dma2 semaphore(%arg18 : memref<!tpu.dma_semaphore, #tpu.memory_space<semaphore_mem>>) src(%arg10 : memref<16384xf32, #tpu.memory_space<vmem>>) dst(%dma_wait3A_452 : memref<16384xf32, #tpu.memory_space<hbm>>)
      %add3A_453 = arith.constant 3 : i32
      %add3A_454 = arith.addi %mul3A_272, %add3A_453 : i32
      %min3A_455 = arith.constant 31 : i32
      %min3A_456 = arith.minsi %add3A_454, %min3A_455 : i32
      %mul3A_457 = arith.constant 16384 : i32
      %mul3A_458 = arith.muli %min3A_456, %mul3A_457 : i32
      %add3A_459 = arith.addi %mul3A_2, %mul3A_458 : i32
      %jit3A_460 = arith.constant 4 : i32
      %div3A_461 = arith.divsi %add3A_459, %jit3A_460 : i32
      %sign3A_462 = arith.constant 0 : i32
      %sign3A_463 = arith.cmpi sgt, %add3A_459, %sign3A_462 : i32
      %sign3A_464 = arith.extui %sign3A_463 : i1 to i32
      %sign3A_465 = arith.constant 0 : i32
      %sign3A_466 = arith.cmpi slt, %add3A_459, %sign3A_465 : i32
      %sign3A_467 = arith.extui %sign3A_466 : i1 to i32
      %sign3A_468 = arith.subi %sign3A_464, %sign3A_467 : i32
      %sign3A_469 = arith.constant 0 : i32
      %sign3A_470 = arith.cmpi sgt, %jit3A_460, %sign3A_469 : i32
      %sign3A_471 = arith.extui %sign3A_470 : i1 to i32
      %sign3A_472 = arith.constant 0 : i32
      %sign3A_473 = arith.cmpi slt, %jit3A_460, %sign3A_472 : i32
      %sign3A_474 = arith.extui %sign3A_473 : i1 to i32
      %sign3A_475 = arith.subi %sign3A_471, %sign3A_474 : i32
      %ne3A_476 = arith.cmpi ne, %sign3A_468, %sign3A_475 : i32
      %rem3A_477 = arith.remsi %add3A_459, %jit3A_460 : i32
      %ne3A_478 = arith.constant 0 : i32
      %ne3A_479 = arith.cmpi ne, %rem3A_477, %ne3A_478 : i32
      %and3A_480 = arith.andi %ne3A_476, %ne3A_479 : i1
      %sub3A_481 = arith.constant 1 : i32
      %sub3A_482 = arith.subi %div3A_461, %sub3A_481 : i32
      %select_n3A_483 = arith.select %and3A_480, %sub3A_482, %div3A_461 : i32
      %multiple_of3A_484 = tpu.assume_multiple %select_n3A_483, 8 : i32
      %dma_start3A_485 = tpu.memref_slice %arg2[%multiple_of3A_484] : memref<4194304xi32, #tpu.memory_space<hbm>> -> memref<4096xi32, #tpu.memory_space<hbm>>
      %dma_start3A_486 = tpu.memref_slice %arg2[%multiple_of3A_484] : memref<4194304xi32, #tpu.memory_space<hbm>> -> memref<4096xi32, #tpu.memory_space<hbm>>
      tpu.enqueue_dma source(%dma_start3A_486 : memref<4096xi32, #tpu.memory_space<hbm>>) target(%arg8 : memref<4096xi32, #tpu.memory_space<vmem>>) target_semaphore(%arg16 : memref<!tpu.dma_semaphore, #tpu.memory_space<semaphore_mem>>)
      %dma_start3A_487 = tpu.memref_slice %arg3[%add3A_459] : memref<16777216xf32, #tpu.memory_space<hbm>> -> memref<16384xf32, #tpu.memory_space<hbm>>
      %dma_start3A_488 = tpu.memref_slice %arg3[%add3A_459] : memref<16777216xf32, #tpu.memory_space<hbm>> -> memref<16384xf32, #tpu.memory_space<hbm>>
      tpu.enqueue_dma source(%dma_start3A_488 : memref<16384xf32, #tpu.memory_space<hbm>>) target(%arg10 : memref<16384xf32, #tpu.memory_space<vmem>>) target_semaphore(%arg16 : memref<!tpu.dma_semaphore, #tpu.memory_space<semaphore_mem>>)
      %mul3A_489 = arith.constant 32 : i32
      %mul3A_490 = arith.muli %add3A, %mul3A_489 : i32
      %add3A_491 = arith.addi %mul3A_490, %min3A_456 : i32
      %jit3A_492 = arith.constant 16 : i32
      %div3A_493 = arith.divsi %add3A_491, %jit3A_492 : i32
      %sign3A_494 = arith.constant 0 : i32
      %sign3A_495 = arith.cmpi sgt, %add3A_491, %sign3A_494 : i32
      %sign3A_496 = arith.extui %sign3A_495 : i1 to i32
      %sign3A_497 = arith.constant 0 : i32
      %sign3A_498 = arith.cmpi slt, %add3A_491, %sign3A_497 : i32
      %sign3A_499 = arith.extui %sign3A_498 : i1 to i32
      %sign3A_500 = arith.subi %sign3A_496, %sign3A_499 : i32
      %sign3A_501 = arith.constant 0 : i32
      %sign3A_502 = arith.cmpi sgt, %jit3A_492, %sign3A_501 : i32
      %sign3A_503 = arith.extui %sign3A_502 : i1 to i32
      %sign3A_504 = arith.constant 0 : i32
      %sign3A_505 = arith.cmpi slt, %jit3A_492, %sign3A_504 : i32
      %sign3A_506 = arith.extui %sign3A_505 : i1 to i32
      %sign3A_507 = arith.subi %sign3A_503, %sign3A_506 : i32
      %ne3A_508 = arith.cmpi ne, %sign3A_500, %sign3A_507 : i32
      %rem3A_509 = arith.remsi %add3A_491, %jit3A_492 : i32
      %ne3A_510 = arith.constant 0 : i32
      %ne3A_511 = arith.cmpi ne, %rem3A_509, %ne3A_510 : i32
      %and3A_512 = arith.andi %ne3A_508, %ne3A_511 : i1
      %sub3A_513 = arith.constant 1 : i32
      %sub3A_514 = arith.subi %div3A_493, %sub3A_513 : i32
      %select_n3A_515 = arith.select %and3A_512, %sub3A_514, %div3A_493 : i32
      %mul3A_516 = arith.constant 16 : i32
      %mul3A_517 = arith.muli %select_n3A_515, %mul3A_516 : i32
      %get3A_518 = arith.index_cast %mul3A_517 : i32 to index
      %get3A_519 = tpu.vector_load %arg14[%get3A_518] {strides = array<i32>} : memref<1024xi32, #tpu.memory_space<vmem>>, vector<16xi32>,
      %jit3A_520 = arith.constant 16 : i32
      %eq3A_521 = arith.constant 0 : i32
      %eq3A_522 = arith.cmpi eq, %jit3A_520, %eq3A_521 : i32
      %jit3A_523 = arith.constant 1 : i32
      %select_n3A_524 = arith.select %eq3A_522, %jit3A_523, %jit3A_520 : i32
      %rem3A_525 = arith.remsi %add3A_491, %select_n3A_524 : i32
      %ne3A_526 = arith.constant 0 : i32
      %ne3A_527 = arith.cmpi ne, %rem3A_525, %ne3A_526 : i32
      %lt3A_528 = arith.constant 0 : i32
      %lt3A_529 = arith.cmpi slt, %rem3A_525, %lt3A_528 : i32
      %lt3A_530 = arith.constant 0 : i32
      %lt3A_531 = arith.cmpi slt, %select_n3A_524, %lt3A_530 : i32
      %ne3A_532 = arith.xori %lt3A_529, %lt3A_531 : i1
      %and3A_533 = arith.andi %ne3A_532, %ne3A_527 : i1
      %add3A_534 = arith.addi %rem3A_525, %select_n3A_524 : i32
      %select_n3A_535 = arith.select %and3A_533, %add3A_534, %rem3A_525 : i32
      %eq3A_536 = vector.broadcast %select_n3A_535 : i32 to vector<16xi32>
      %eq3A_537 = arith.cmpi eq, %iota3A, %eq3A_536 : vector<16xi32>
      %jit3A_538 = arith.constant 0 : i32
      %broadcast_in_dim3A_539 = vector.broadcast %jit3A_538 : i32 to vector<16xi32>
      %select_n3A_540 = arith.select %eq3A_537, %get3A_519, %broadcast_in_dim3A_539 : vector<16xi1>, vector<16xi32>
      %reduce_sum3A_541 = arith.constant true
      %reduce_sum3A_542 = vector.broadcast %reduce_sum3A_541 : i1 to vector<16xi1>
      %reduce_sum3A_543 = tpu.scan <sum>, %select_n3A_540 masked %reduce_sum3A_542 : vector<16xi32>, vector<16xi1> -> vector<16xi32>
      %reduce_sum3A_544 = vector.extract %reduce_sum3A_543[15] : i32 from vector<16xi32>
      %jit3A_545 = arith.constant 8 : i32
      %div3A_546 = arith.divsi %reduce_sum3A_544, %jit3A_545 : i32
      %sign3A_547 = arith.constant 0 : i32
      %sign3A_548 = arith.cmpi sgt, %reduce_sum3A_544, %sign3A_547 : i32
      %sign3A_549 = arith.extui %sign3A_548 : i1 to i32
      %sign3A_550 = arith.constant 0 : i32
      %sign3A_551 = arith.cmpi slt, %reduce_sum3A_544, %sign3A_550 : i32
      %sign3A_552 = arith.extui %sign3A_551 : i1 to i32
      %sign3A_553 = arith.subi %sign3A_549, %sign3A_552 : i32
      %sign3A_554 = arith.constant 0 : i32
      %sign3A_555 = arith.cmpi sgt, %jit3A_545, %sign3A_554 : i32
      %sign3A_556 = arith.extui %sign3A_555 : i1 to i32
      %sign3A_557 = arith.constant 0 : i32
      %sign3A_558 = arith.cmpi slt, %jit3A_545, %sign3A_557 : i32
      %sign3A_559 = arith.extui %sign3A_558 : i1 to i32
      %sign3A_560 = arith.subi %sign3A_556, %sign3A_559 : i32
      %ne3A_561 = arith.cmpi ne, %sign3A_553, %sign3A_560 : i32
      %rem3A_562 = arith.remsi %reduce_sum3A_544, %jit3A_545 : i32
      %ne3A_563 = arith.constant 0 : i32
      %ne3A_564 = arith.cmpi ne, %rem3A_562, %ne3A_563 : i32
      %and3A_565 = arith.andi %ne3A_561, %ne3A_564 : i1
      %sub3A_566 = arith.constant 1 : i32
      %sub3A_567 = arith.subi %div3A_546, %sub3A_566 : i32
      %select_n3A_568 = arith.select %and3A_565, %sub3A_567, %div3A_546 : i32
      %mul3A_569 = arith.constant 8 : i32
      %mul3A_570 = arith.muli %select_n3A_568, %mul3A_569 : i32
      %min3A_571 = arith.constant 16760824 : i32
      %min3A_572 = arith.minsi %mul3A_570, %min3A_571 : i32
      %max3A_573 = arith.constant 0 : i32
      %max3A_574 = arith.maxsi %min3A_572, %max3A_573 : i32
      %multiple_of3A_575 = tpu.assume_multiple %max3A_574, 8 : i32
      %dma_start3A_576 = tpu.memref_slice %arg4[%multiple_of3A_575] : memref<16777216xf32, #tpu.memory_space<hbm>> -> memref<16392xf32, #tpu.memory_space<hbm>>
      %dma_start3A_577 = tpu.memref_slice %arg4[%multiple_of3A_575] : memref<16777216xf32, #tpu.memory_space<hbm>> -> memref<16392xf32, #tpu.memory_space<hbm>>
      tpu.enqueue_dma source(%dma_start3A_577 : memref<16392xf32, #tpu.memory_space<hbm>>) target(%arg12 : memref<16392xf32, #tpu.memory_space<vmem>>) target_semaphore(%arg16 : memref<!tpu.dma_semaphore, #tpu.memory_space<semaphore_mem>>)
      %sub3A_578 = arith.subi %reduce_sum3A_544, %multiple_of3A_575 : i32
      scf.yield %sub3A_450, %sub3A_578 : i32, i32
    }
    %scan3A_244 = arith.constant 16 : i32
    %dma_wait3A = arith.constant 0 : i32
    %dma_wait3A_245 = tpu.memref_slice %arg2[%dma_wait3A] : memref<4194304xi32, #tpu.memory_space<hbm>> -> memref<4096xi32, #tpu.memory_space<hbm>>
    %dma_wait3A_246 = arith.constant 0 : i32
    %dma_wait3A_247 = tpu.memref_slice %arg2[%dma_wait3A_246] : memref<4194304xi32, #tpu.memory_space<hbm>> -> memref<4096xi32, #tpu.memory_space<hbm>>
    tpu.wait_dma2 semaphore(%arg15 : memref<!tpu.dma_semaphore, #tpu.memory_space<semaphore_mem>>) src(%dma_wait3A_247 : memref<4096xi32, #tpu.memory_space<hbm>>) dst(%arg7 : memref<4096xi32, #tpu.memory_space<vmem>>)
    %dma_wait3A_248 = arith.constant 0 : i32
    %dma_wait3A_249 = tpu.memref_slice %arg3[%dma_wait3A_248] : memref<16777216xf32, #tpu.memory_space<hbm>> -> memref<16384xf32, #tpu.memory_space<hbm>>
    %dma_wait3A_250 = arith.constant 0 : i32
    %dma_wait3A_251 = tpu.memref_slice %arg3[%dma_wait3A_250] : memref<16777216xf32, #tpu.memory_space<hbm>> -> memref<16384xf32, #tpu.memory_space<hbm>>
    tpu.wait_dma2 semaphore(%arg15 : memref<!tpu.dma_semaphore, #tpu.memory_space<semaphore_mem>>) src(%dma_wait3A_251 : memref<16384xf32, #tpu.memory_space<hbm>>) dst(%arg9 : memref<16384xf32, #tpu.memory_space<vmem>>)
    %dma_wait3A_252 = arith.constant 0 : i32
    %dma_wait3A_253 = tpu.memref_slice %arg4[%dma_wait3A_252] : memref<16777216xf32, #tpu.memory_space<hbm>> -> memref<16392xf32, #tpu.memory_space<hbm>>
    %dma_wait3A_254 = arith.constant 0 : i32
    %dma_wait3A_255 = tpu.memref_slice %arg4[%dma_wait3A_254] : memref<16777216xf32, #tpu.memory_space<hbm>> -> memref<16392xf32, #tpu.memory_space<hbm>>
    tpu.wait_dma2 semaphore(%arg15 : memref<!tpu.dma_semaphore, #tpu.memory_space<semaphore_mem>>) src(%dma_wait3A_255 : memref<16392xf32, #tpu.memory_space<hbm>>) dst(%arg11 : memref<16392xf32, #tpu.memory_space<vmem>>)
    %dma_wait3A_256 = arith.constant 0 : i32
    %dma_wait3A_257 = tpu.memref_slice %arg2[%dma_wait3A_256] : memref<4194304xi32, #tpu.memory_space<hbm>> -> memref<4096xi32, #tpu.memory_space<hbm>>
    %dma_wait3A_258 = arith.constant 0 : i32
    %dma_wait3A_259 = tpu.memref_slice %arg2[%dma_wait3A_258] : memref<4194304xi32, #tpu.memory_space<hbm>> -> memref<4096xi32, #tpu.memory_space<hbm>>
    tpu.wait_dma2 semaphore(%arg16 : memref<!tpu.dma_semaphore, #tpu.memory_space<semaphore_mem>>) src(%dma_wait3A_259 : memref<4096xi32, #tpu.memory_space<hbm>>) dst(%arg8 : memref<4096xi32, #tpu.memory_space<vmem>>)
    %dma_wait3A_260 = arith.constant 0 : i32
    %dma_wait3A_261 = tpu.memref_slice %arg3[%dma_wait3A_260] : memref<16777216xf32, #tpu.memory_space<hbm>> -> memref<16384xf32, #tpu.memory_space<hbm>>
    %dma_wait3A_262 = arith.constant 0 : i32
    %dma_wait3A_263 = tpu.memref_slice %arg3[%dma_wait3A_262] : memref<16777216xf32, #tpu.memory_space<hbm>> -> memref<16384xf32, #tpu.memory_space<hbm>>
    tpu.wait_dma2 semaphore(%arg16 : memref<!tpu.dma_semaphore, #tpu.memory_space<semaphore_mem>>) src(%dma_wait3A_263 : memref<16384xf32, #tpu.memory_space<hbm>>) dst(%arg10 : memref<16384xf32, #tpu.memory_space<vmem>>)
    %dma_wait3A_264 = arith.constant 0 : i32
    %dma_wait3A_265 = tpu.memref_slice %arg4[%dma_wait3A_264] : memref<16777216xf32, #tpu.memory_space<hbm>> -> memref<16392xf32, #tpu.memory_space<hbm>>
    %dma_wait3A_266 = arith.constant 0 : i32
    %dma_wait3A_267 = tpu.memref_slice %arg4[%dma_wait3A_266] : memref<16777216xf32, #tpu.memory_space<hbm>> -> memref<16392xf32, #tpu.memory_space<hbm>>
    tpu.wait_dma2 semaphore(%arg16 : memref<!tpu.dma_semaphore, #tpu.memory_space<semaphore_mem>>) src(%dma_wait3A_267 : memref<16392xf32, #tpu.memory_space<hbm>>) dst(%arg12 : memref<16392xf32, #tpu.memory_space<vmem>>)
    return
  }
}

</mosaic_0001>

<sc_bundles>
// kernel: kernel.4.cloned.1.call-start
scs
__scs_entry_jumppad:
0x0: {  	(pc) =	sbr.rel $0x88, $3  }
0x1: {  	(tag) =	ssettag $0x0;
	lr =	simm.s32 $0x1  }
0x2: {  	[smem:$0x3F9E] =	sst lr;
	_ =	strace $0xD0000000  }
0x3: {  	_ = 	snop  }
0x4: {  	_ = 	snop  }
0x5: {  	_ = 	snop  }
0x6: {  	_ = 	snop  }
0x7: {  	_ = 	snop  }
__scs_overlays_trampoline_lowered:
0x8: {  	[smem:$0x3FAD] =	sst s0  }
0x9: {  	[smem:$0x3FAE] =	sst s1  }
0xa: {  	[smem:$0x3FAF] =	sst s2  }
0xb: {  	[smem:$0x3FB0] =	sst s3  }
0xc: {  	[smem:$0x3FB1] =	sst s4  }
0xd: {  	[smem:$0x3FB2] =	sst s5  }
0xe: {  	[smem:$0x3FB3] =	sst s6  }
0xf: {  	[smem:$0x3FB4] =	sst s7  }
0x10: {  	[smem:$0x3FB5] =	sst s8  }
0x11: {  	[smem:$0x3FB6] =	sst s9;
	s0 =	simm.s32 @!p0 $0x0  }
0x12: {  	s1 =	sld [smem:$0x3F9C];
	s0 =	simm.s32 @p0 $0x1  }
0x13: {  	[smem:$0x3FB7] =	sst s0;
	s0 =	simm.s32 @!p1 $0x0  }
0x14: {  	s2 =	sld [smem:$0x3F9B];
	s0 =	simm.s32 @p1 $0x1  }
0x15: {  	[smem:$0x3FB8] =	sst s0;
	s0 =	simm.s32 @!p2 $0x0  }
0x16: {  	s3 =	sld [smem:$0x3FDB];
	s0 =	simm.s32 @p2 $0x1  }
0x17: {  	s4 =	simm.s32 $0x1BF5;
	[smem:$0x3FBA] =	sst s0  }
0x18: {  	s0 =	sld [smem:$0x3F9D];
	_ =	swait.ge [sflag:s4], $0x0  }
0x19: {  	s7 =	sld [smem:$0x3F9E]  }
0x1a: {  	s8 =	sadd.s32 $0xFFFFE003, lr  }
0x1b: {  	s9 =	sadd.s32 $0xFFFFFEF7, lr;
	s5 =	simm.s32 $0xFFFFFFFF;
	p2 =	slt.u32 s8, $0xFFFFF086  }
0x1c: {  	p1 =	slt.u32 s9, $0xF7A;
	s5 =	simm.s32 @!p2 $0x0  }
0x1d: {  	s5 =	simm.s32 @p1 $0x1;
	p0 =	seq.s32 s7, s2  }
0x1e: {  	s7 =	smul.u32 @!p0 $0xF7A, s2;
	p2 =	seq.s32 @!p0 s5, $0x0  }
0x1f: {  	s9 =	smul.u32 $0xF7A, s1;
	s8 =	simm.s32 @!p0 $0x1BF5;
	p2 =	por !p2, p0  }
0x20: {  	[sflag:s8] =	ssyncset.s32 @!p0 $0xFFFFF086;
	s6 =	sadd.s32 @!p0 s3, s7;
	s7 =	simm.s32 @!p0 $0x108  }
0x21: {  	s3 =	sadd.s32 s3, s9;
	s6 =	sadd.s32 @!p0 $0x88, s6;
	s7 =	simm.s32 @p2 $0x1082  }
0x22: {  	[simem:s7], [sflag:s8] =	dma.local @!p0 [hbm:s6], $0xF7A  }
0x23: {  	s9 =	sor.u32 $0xD0000000, s2;
	s6 =	simm.s32 $0x108;
	_ =	swait.ge @!p0 [sflag:s8], $0x0  }
0x24: {  	s3 =	sadd.s32 $0x88, s3;
	s6 =	simm.s32 @!p1 $0x1082;
	[sflag:s4] =	ssyncset.s32 $0xFFFFF086  }
0x25: {  	[simem:s6], [sflag:s4] =	dma.local [hbm:s3], $0xF7A  }
0x26: {  	[smem:$0x3F9E] =	sst s1;
	(tag) =	ssettag s2;
	_ =	strace s9  }
0x27: {  	s1 =	sld [smem:$0x3FAE]  }
0x28: {  	s2 =	sld [smem:$0x3FAF]  }
0x29: {  	s4 =	sld [smem:$0x3FB1]  }
0x2a: {  	p0 =	seq.s32 s5, $0x0;
	s5 =	sld [smem:$0x3FB2]  }
0x2b: {  	s6 =	sld [smem:$0x3FB3]  }
0x2c: {  	s7 =	sld [smem:$0x3FB4]  }
0x2d: {  	s3 =	simm.s32 $0x108;
	s8 =	sld [smem:$0x3FB5]  }
0x2e: {  	s3 =	simm.s32 @!p0 $0x1082;
	s9 =	sld [smem:$0x3FB6]  }
0x2f: {  	lr =	sadd.s32 s0, s3;
	s0 =	sld [smem:$0x3FAD]  }
0x30: {  	s3 =	sld [smem:$0x3FB0]  }
0x31: {  	[smem:$0x3FB9] =	sst s10  }
0x32: {  	s10 =	sld [smem:$0x3FB7];
	_ =	sdelay $0x3  }
0x33: {  	p0 =	seq.s32 s10, $0x1;
	s10 =	sld [smem:$0x3FB9];
	_ =	sdelay $0x3  }
0x34: {  	[smem:$0x3FB9] =	sst s10  }
0x35: {  	s10 =	sld [smem:$0x3FB8];
	_ =	sdelay $0x3  }
0x36: {  	p1 =	seq.s32 s10, $0x1;
	s10 =	sld [smem:$0x3FB9];
	_ =	sdelay $0x3  }
0x37: {  	[smem:$0x3FB9] =	sst s10  }
0x38: {  	s10 =	sld [smem:$0x3FBA]  }
0x39: {  	_ = 	snop;
	(pc) =	sbr.ind lr, $3  }
0x3a: {  	_ = 	snop  }
0x3b: {  	_ = 	snop  }
0x3c: {  	p2 =	seq.s32 s10, $0x1;
	s10 =	sld [smem:$0x3FB9]  }
0x3d: {  	_ =	shalt  }
0x3e: {  	_ =	shalt  }
0x3f: {  	_ =	shalt  }
0x40: {  	_ =	shalt  }
0x41: {  	_ =	shalt  }
0x42: {  	_ =	shalt  }
0x43: {  	_ =	shalt  }
0x44: {  	_ =	shalt  }
0x45: {  	_ =	shalt  }
0x46: {  	_ =	shalt  }
0x47: {  	_ =	shalt  }
0x48: {  	_ =	shalt  }
0x49: {  	_ =	shalt  }
0x4a: {  	_ =	shalt  }
0x4b: {  	_ =	shalt  }
0x4c: {  	_ =	shalt  }
0x4d: {  	_ =	shalt  }
0x4e: {  	_ =	shalt  }
0x4f: {  	_ =	shalt  }
0x50: {  	_ =	shalt  }
0x51: {  	_ =	shalt  }
0x52: {  	_ =	shalt  }
0x53: {  	_ =	shalt  }
0x54: {  	_ =	shalt  }
0x55: {  	_ =	shalt  }
0x56: {  	_ =	shalt  }
0x57: {  	_ =	shalt  }
0x58: {  	_ =	shalt  }
0x59: {  	_ =	shalt  }
0x5a: {  	_ =	shalt  }
0x5b: {  	_ =	shalt  }
0x5c: {  	_ =	shalt  }
0x5d: {  	_ =	shalt  }
0x5e: {  	_ =	shalt  }
0x5f: {  	_ =	shalt  }
0x60: {  	_ =	shalt  }
0x61: {  	_ =	shalt  }
0x62: {  	_ =	shalt  }
0x63: {  	_ =	shalt  }
0x64: {  	_ =	shalt  }
0x65: {  	_ =	shalt  }
0x66: {  	_ =	shalt  }
0x67: {  	_ =	shalt  }
0x68: {  	_ =	shalt  }
0x69: {  	_ =	shalt  }
0x6a: {  	_ =	shalt  }
0x6b: {  	_ =	shalt  }
0x6c: {  	_ =	shalt  }
0x6d: {  	_ =	shalt  }
0x6e: {  	_ =	shalt  }
0x6f: {  	_ =	shalt  }
0x70: {  	_ =	shalt  }
0x71: {  	_ =	shalt  }
0x72: {  	_ =	shalt  }
0x73: {  	_ =	shalt  }
0x74: {  	_ =	shalt  }
0x75: {  	_ =	shalt  }
0x76: {  	_ =	shalt  }
0x77: {  	_ =	shalt  }
0x78: {  	_ =	shalt  }
0x79: {  	_ =	shalt  }
0x7a: {  	_ =	shalt  }
0x7b: {  	_ =	shalt  }
0x7c: {  	_ =	shalt  }
0x7d: {  	_ =	shalt  }
0x7e: {  	_ =	shalt  }
0x7f: {  	_ =	shalt  }
0x80: {  	_ =	shalt  }
0x81: {  	_ =	shalt  }
0x82: {  	_ =	shalt  }
0x83: {  	_ =	shalt  }
0x84: {  	_ =	shalt  }
0x85: {  	_ =	shalt  }
0x86: {  	_ =	shalt  }
0x87: {  	_ =	shalt  }
.Lfunc_end0:
.L_simem_size_0:
called_computation.3_lowered:
.L_overlay_start_0:
0x88: {  	s2 =	sld [smem:$0x3FD9]  }
0x89: {  	s3 =	sld [smem:$0x3FFE];
	_ =	sdelay $0x1  }
0x8a: {  	s1 =	srdreg.scid  }
0x8b: {  	s0 =	sand.u32 $0x1, s1  }
0x8c: {  	s17 =	sshll.u32 s0, $0xA;
	s2 =	sadd.s32 s3, s2  }
0x8d: {  	s2 =	sadd.s32 s2, s17  }
0x8e: {  	[smem:$0x3FC5] =	sst s2  }
0x8f: {  	_ = 	snop  }
0x90: {  	s18 =	sld [smem:$0x3FD0];
	(tm) =	ssettm $0x1  }
0x91: {  	s19 =	sld [smem:$0x3FFB];
	_ =	sdelay $0x3  }
0x92: {  	_ =	strace s19  }
0x93: {  	s2 =	sld [smem:$0x3FFC];
	_ =	sdelay $0x3  }
0x94: {  	_ =	strace s2  }
0x95: {  	s2 =	sld [smem:$0x3FFD];
	_ =	sdelay $0x3  }
0x96: {  	_ =	strace s2  }
0x97: {  	_ =	strace $0x8FFFFFFF  }
0x98: {  	s20 =	sld [smem:$0x3FDB];
	_ =	sdelay $0x1  }
0x99: {  	s4 =	simm.s32 $_scs_section_size  }
0x9a: {  	s5 =	simm.s32 $_size__tile_overlayer_lowered;
	s6 =	simm.s32 $_tile_overlayer_lowered  }
0x9b: {  	s7 =	simm.s32 $0x1BFF;
	s21 =	sshll.u32 s6, $0x1;
	s4 =	sadd.s32 s4, s20  }
0x9c: {  	s22 =	simm.s32 $0x0;
	s5 =	sshll.u32 s5, $0x1;
	s6 =	sadd.s32 s21, s4  }
0x9d: {  	[timem:s22], [sflag:s7] =	dma.local [hbm:s6], s5  }
0x9e: {  	_ =	swait.ge [sflag:s7], s5  }
0x9f: {  	s5 =	ssub.s32 $0x0, s5;
	[sflag:s7] =	ssyncset.done $0x0  }
0xa0: {  	[sflag:s7] =	ssyncadd.s32 s5;
	_ =	sdelay $0x1  }
0xa1: {  	s23 =	simm.s32 $0x1B8B  }
0xa2: {  	_ =	swait.ge [sflag:s23], $0x1  }
0xa3: {  	[sflag:s23] =	ssyncset.done $0x0  }
0xa4: {  	[sflag:s23] =	ssyncadd.s32 $0xFFFFFFFF  }
0xa5: {  	s5 =	sld [smem:$0x0]  }
0xa6: {  	s6 =	sand.u32 $0xFFFFFFFE, s1  }
0xa7: {  	p0 =	sne.s32 s1, s6  }
0xa8: {  	s6 =	sshll.u32 @p0 s6, $0xE  }
0xa9: {  	s6 =	sadd.s32 @p0 $0x11B8D, s6;
	s7 =	sshll.u32 @p0 s5, $0x11  }
0xaa: {  	s6 =	sor.u32 @p0 s7, s6  }
0xab: {  	[sflag:s6] =	ssyncadd.remote.s32 @p0 $0x1;
	_ =	sdelay $0x1  }
0xac: {  	s6 =	simm.s32 @p0 $0x1B8D  }
0xad: {  	_ =	swait.eq @p0 [sflag:s6], $0x1  }
0xae: {  	[sflag:s6] =	ssyncadd.s32 @p0 $0xFFFFFFFF  }
0xaf: {  	s7 =	sshll.u32 @!p0 s1, $0xE  }
0xb0: {  	s7 =	sor.u32 @!p0 $0x4000, s7;
	s6 =	simm.s32 @!p0 $0x1B8D  }
0xb1: {  	s5 =	sshll.u32 @!p0 s5, $0x11;
	s7 =	sadd.s32 @!p0 $0x11B8D, s7;
	_ =	swait.eq @!p0 [sflag:s6], $0x1  }
0xb2: {  	s5 =	sor.u32 @!p0 s5, s7;
	[sflag:s6] =	ssyncadd.s32 @!p0 $0xFFFFFFFF  }
0xb3: {  	s25 =	simm.s32 $0x1B8E;
	s24 =	sld [smem:$0x3FFE];
	[sflag:s5] =	ssyncadd.remote.s32 @!p0 $0x1  }
0xb4: {  	s26 =	simm.s32 $execute0_lowered;
	[smem:$0x3FD2] =	sst s25  }
0xb5: {  	s6 =	sshll.u32 s26, $0x1;
	_ =	strace $0x8000004F;
	[dreg:$0x1] =	wrdreg $0xFFFFFFFF  }
0xb6: {  	s28 =	simm.s32 $_size_execute0_lowered;
	s4 =	sadd.s32 s4, s6;
	[dreg:$0x0] =	wrdreg $0x0  }
0xb7: {  	s6 =	sshll.u32 s28, $0x1;
	[dreg:$0x2] =	wrdreg s4  }
0xb8: {  	[dreg:$0x3] =	wrdreg s6  }
0xb9: {  	[dreg:$0x4] =	wrdreg $0xC0  }
0xba: {  	_ =	task [dreg:s22], $0x5FFFF  }
0xbb: {  	[dreg:$0x1] =	wrdreg $0xFFFFFFFF  }
0xbc: {  	[dreg:$0x0] =	wrdreg $0x60  }
0xbd: {  	[dreg:$0x2] =	wrdreg s18  }
0xbe: {  	[dreg:$0x3] =	wrdreg s24  }
0xbf: {  	[dreg:$0x4] =	wrdreg $0xB  }
0xc0: {  	_ =	task.clear_ibuf [dreg:s22], $0x5FFFF;
	_ =	strace $0x9000004F  }
0xc1: {  	s29 =	simm.s32 $0xB;
	_ =	strace $0x80000051  }
0xc2: {  	_ =	swait.ge [sflag:s29], $0x1  }
0xc3: {  	[sflag:s29] =	ssyncadd.s32 $0xFFFFFFFF  }
0xc4: {  	_ =	strace $0x90000051  }
0xc5: {  	_ =	sfence  }
0xc6: {  	s30 =	sld [smem:$0x0];
	_ =	sdelay $0x2  }
0xc7: {  	s31 =	sshll.u32 s1, $0xD;
	s1 =	sshrl.u32 s1, $0x2  }
0xc8: {  	s4 =	sand.u32 $0x4000, s31;
	s1 =	sadd.s32 s1, s30  }
0xc9: {  	s0 =	sor.u32 s4, s0;
	s1 =	sshll.u32 s1, $0x11  }
0xca: {  	s0 =	sor.u32 s1, s0  }
0xcb: {  	s0 =	sadd.s32 $0x8F2B, s0  }
0xcc: {  	[sflag:s0] =	ssyncadd.remote.s32 $0x1  }
0xcd: {  	_ =	sfence.sel $0xFFFF  }
0xce: {  	[dreg:$0x0] =	wrdreg $0xFFFFFFFF;
	(pc) =	sbr.abs _section_cstart, $3  }
0xcf: {  	[dreg:$0x1] =	wrdreg $0xFFFFFFFF  }
0xd0: {  	_ =	task.clear_ibuf [dreg:s22], $0x2FFFF;
	_ =	strace $0x9FFFFFFF  }
0xd1: {  	(tm) =	ssettm $0x7FFFFFFF  }
tec
execute0_lowered:
.L_overlay_start_1:
0x0: {  	(tag) =	ssettag $0x1  }
0x1: {  	s2 =	rddreg [dreg:$0x0]  }
0x2: {  	s4 =	rddreg [dreg:$0x1]  }
0x3: {  	s0 =	rddreg [dreg:$0x2];
	s5 =	srdreg.scid  }
0x4: {  	s1 =	stileid.u32;
	s3 =	simm.s32 $0x0;
	s10 =	simm.s32 $0x1  }
0x5: {  	s11 =	simm.s32 $0x2;
	s12 =	simm.s32 $0x2000;
	s13 =	simm.s32 $0x3  }
0x6: {  	s14 =	simm.s32 $0x0;
	s5 =	sand.u32 $0x1, s5;
	s6 =	sshll.u32 s1, $0x1  }
0x7: {  	[smem:$0x7FF] =	sst s3;
	s6 =	sor.u32 s5, s6;
	s5 =	ssub.s32 $0x2, s5  }
0x8: {  	_ =	strace $0x80000050;
	s7 =	sshll.u32 s6, $0x2;
	s31 =	sshrl.u32 s5, $0x1  }
0x9: {  	s8 =	sshll.u32 s6, $0xE;
	s7 =	sadd.s32 s7, s4;
	s4 =	sshll.u32 s6, $0x11  }
0xa: {  	s9 =	ssub.s32 s5, s31;
	s5 =	sadd.s32 s2, s8;
	s6 =	sor.u32 $0x2000, s4  }
0xb: {  	v0 =	vlaneseq.u32;
	vm0 =	vmxor vm0, vm0;
	s7 =	sadd.s32 $0x1000, s7;
	s8 =	smax.u32 s9, $0x1;
	s9 =	simm.s32 $0x1000  }
.LBB2_1:
0xc: {  	[tilespmem:s3], [sflag:$0x1] =	stream.linear.gather [hbm4b:s5+s3], $0x1000, $0x38;
	[tilespmem:$0x2080] =	vst v63  }
0xd: {  	v1 =	vimm.s32 $0x0;
	v2 =	vimm.s32 $0x0;
	s15 =	simm.s32 $0x0  }
.LBB2_2:
0xe: {  	s16 =	sshllo.u32 s15, $0x1  }
0xf: {  	s17 =	sshll.u32 s16, $0xC  }
0x10: {  	s17 =	sadd.s32 s4, s17  }
0x11: {  	s17 =	sshrl.u32 s17, $0x3  }
0x12: {  	s18 =	simm.s32 $0x0;
	s17 =	sadd.s32 s2, s17  }
0x13: {  	[tilespmem:s9], [sflag:$0x2] =	stream.linear.gather [hbm4b:s17+s18], $0x1000, $0x38;
	[tilespmem:$0x2080] =	vst v63  }
0x14: {  	_ =	swait.ge [sflag:s10], $0x1000  }
0x15: {  	[sflag:s10] =	ssyncset.done $0x0  }
0x16: {  	s18 =	simm.s32 $0x0;
	[sflag:s10] =	ssyncadd.s32 $0xFFFFF000  }
0x17: {  	s19 =	simm.s32 $0x40;
	v3 =	vimm.s32 $0x0;
	s17 =	sshll.u32 s15, $0x1;
	v4 =	vld [tilespmem:s18+$0x0]  }
.LBB2_3:
0x18: {  	p0 =	sne.s32 s19, $0x1FC0  }
.Ltmp0:
0x19: {  	_ = 	snop;
	(pc) =	sbr.rel @p0 .LBB2_3-.Ltmp0, $3  }
0x1a: {  	_ =	sdelay $0x1  }
0x1b: {  	s20 =	sshra.s32 s19, $0x2;
	s19 =	sadd.s32 $0x40, s19;
	v3 =	vadd.s32 v3, v4  }
0x1c: {  	v4 =	vld [tilespmem:s20+$0x0]  }
0x1d: {  	_ =	sdelay $0x3  }
0x1e: {  	s19 =	simm.s32 $0x40;
	v5 =	vld [tilespmem:s18+$0x800];
	v3 =	vadd.s32 v3, v4;
	v4 =	vimm.s32 $0x0  }
.LBB2_5:
0x1f: {  	p0 =	sne.s32 s19, $0x1FC0  }
.Ltmp1:
0x20: {  	_ = 	snop;
	(pc) =	sbr.rel @p0 .LBB2_5-.Ltmp1, $3  }
0x21: {  	_ =	sdelay $0x1  }
0x22: {  	s18 =	sshra.s32 s19, $0x2;
	s19 =	sadd.s32 $0x40, s19;
	v4 =	vadd.s32 v4, v5  }
0x23: {  	v5 =	vld [tilespmem:s18+$0x800]  }
0x24: {  	s18 =	smin.u32 s17, $0x1D  }
0x25: {  	s18 =	sshll.u32 s18, $0xC  }
0x26: {  	s18 =	sadd.s32 s18, s6  }
0x27: {  	s18 =	sshrl.u32 s18, $0x3  }
0x28: {  	s19 =	simm.s32 $0x0;
	s18 =	sadd.s32 s2, s18  }
0x29: {  	[tilespmem:s19], [sflag:$0x1] =	stream.linear.gather [hbm4b:s18+s19], $0x1000, $0x38;
	[tilespmem:$0x2080] =	vst v63  }
0x2a: {  	_ =	swait.ge [sflag:s11], $0x1000  }
0x2b: {  	[sflag:s11] =	ssyncset.done $0x0  }
0x2c: {  	s18 =	simm.s32 $0x0;
	[sflag:s11] =	ssyncadd.s32 $0xFFFFF000  }
0x2d: {  	v6 =	vimm.s32 $0x0;
	v4 =	vadd.s32 v4, v5;
	v5 =	vimm.s32 $0x0;
	s19 =	simm.s32 $0x40;
	v7 =	vld [tilespmem:s18+$0x1000]  }
.LBB2_7:
0x2e: {  	p0 =	sne.s32 s19, $0x1FC0  }
.Ltmp2:
0x2f: {  	_ = 	snop;
	(pc) =	sbr.rel @p0 .LBB2_7-.Ltmp2, $3  }
0x30: {  	_ =	sdelay $0x1  }
0x31: {  	s20 =	sshra.s32 s19, $0x2;
	s19 =	sadd.s32 $0x40, s19;
	v5 =	vadd.s32 v5, v7  }
0x32: {  	v7 =	vld [tilespmem:s20+$0x1000]  }
0x33: {  	_ =	sdelay $0x3  }
0x34: {  	s19 =	simm.s32 $0x40;
	v5 =	vadd.s32 v5, v7;
	v7 =	vld [tilespmem:s18+$0x1800]  }
.LBB2_9:
0x35: {  	p0 =	sne.s32 s19, $0x1FC0  }
.Ltmp3:
0x36: {  	_ = 	snop;
	(pc) =	sbr.rel @p0 .LBB2_9-.Ltmp3, $3  }
0x37: {  	_ =	sdelay $0x1  }
0x38: {  	s18 =	sshra.s32 s19, $0x2;
	s19 =	sadd.s32 $0x40, s19;
	v6 =	vadd.s32 v6, v7  }
0x39: {  	v7 =	vld [tilespmem:s18+$0x1800]  }
0x3a: {  	v8 =	vand.u32 $0xFF, v3;
	v9 =	vshrl.u32 v3, $0x8;
	v10 =	vshrl.u32 v3, $0x18  }
0x3b: {  	v3 =	vshrl.u32 v3, $0x10;
	v48 =	vand.u32 $0xFF, v4;
	v49 =	vshrl.u32 v4, $0x8  }
0x3c: {  	v50 =	vshrl.u32 v4, $0x10;
	v51 =	vshrl.u32 v4, $0x18;
	v53 =	vand.u32 $0xFF, v5  }
0x3d: {  	v54 =	vshrl.u32 v5, $0x8;
	v55 =	vshrl.u32 v5, $0x18;
	v56 =	vshrl.u32 v5, $0x10  }
0x3e: {  	v9 =	vand.u32 $0xFF, v9;
	v8 =	vadd.s32 v8, v10;
	v3 =	vand.u32 $0xFF, v3  }
0x3f: {  	v52 =	vand.u32 $0xFF, v49;
	v4 =	vadd.s32 v53, v55;
	v47 =	vadd.s32 v9, v8  }
0x40: {  	v5 =	vand.u32 $0xFF, v56;
	v9 =	vand.u32 $0xFF, v54;
	v3 =	vadd.s32 v3, v47  }
0x41: {  	v4 =	vadd.s32 v9, v4;
	v6 =	vadd.s32 v6, v7;
	v3 =	vadd.s32 v48, v3  }
0x42: {  	v7 =	vand.u32 $0xFF, v50;
	v4 =	vadd.s32 v5, v4;
	v3 =	vadd.s32 v51, v3  }
0x43: {  	v57 =	vand.u32 $0xFF, v6;
	v58 =	vshrl.u32 v6, $0x8;
	v3 =	vadd.s32 v52, v3  }
0x44: {  	v59 =	vshrl.u32 v6, $0x18;
	v4 =	vadd.s32 v57, v4;
	v3 =	vadd.s32 v7, v3  }
0x45: {  	v60 =	vshrl.u32 v6, $0x10;
	v4 =	vadd.s32 v59, v4;
	(xrf0) =	vadd.scan.msk.s32 $0xffff, v3;
	v3 =	vand.u32 $0xFF, v58  }
0x46: {  	v5 =	vand.u32 $0xFF, v60;
	v3 =	vadd.s32 v3, v4  }
0x47: {  	v3 =	vadd.s32 v5, v3  }
0x48: {  	(xrf0) =	vadd.scan.msk.s32 $0xffff, v3;
	_ =	sdelay $0x1  }
0x49: {  	p0 =	slt.u32 s15, $0x8;
	vm1 =	vmmov vm0  }
0x4a: {  	s17 =	sand.u32 $0xE, s17;
	vm4 =	vmmov vm0;
	vm1 =	vmneg @p0 vm1;
	p0 =	sgt.u32 s15, $0x7;
	s15 =	sadd.s32 $0x1, s15  }
0x4b: {  	v61 =	vmov s17;
	vm4 =	vmneg @p0 vm4;
	p0 =	sne.s32 s15, $0x10;
	v3, _, _ =	vpop (xrf0)  }
.Ltmp4:
0x4c: {  	s16 =	sand.u32 $0xF, s16;
	vm2 =	veq.s32 v61, v0;
	v3 =	vbroadcast v3, $0xF;
	(pc) =	sbr.rel @p0 .LBB2_2-.Ltmp4, $4  }
0x4d: {  	v63 =	vmov s16;
	vm3 =	vmand vm1, vm2;
	vm2 =	vmand vm4, vm2;
	v62, _, _ =	vpop (xrf0)  }
0x4e: {  	v2 =	vsel vm3, v3, v2;
	vm3 =	veq.s32 v63, v0;
	v4 =	vbroadcast v62, $0xF  }
0x4f: {  	v1 =	vsel vm2, v3, v1;
	vm1 =	vmand vm1, vm3;
	vm2 =	vmand vm4, vm3  }
0x50: {  	v2 =	vsel vm1, v4, v2;
	v1 =	vsel vm2, v4, v1  }
0x51: {  	_ =	swait.ge [sflag:s10], $0x1000  }
0x52: {  	[sflag:s10] =	ssyncset.done $0x0  }
0x53: {  	s14 =	sadd.s32 $0x1, s14;
	[sflag:s10] =	ssyncadd.s32 $0xFFFFF000  }
0x54: {  	p0 =	sne.s32 s14, s8;
	[tilespmem:$0x2000] =	vst v2  }
.Ltmp5:
0x55: {  	[tilespmem:$0x2010] =	vst v1;
	(pc) =	sbr.rel @p0 .LBB2_1-.Ltmp5, $4  }
0x56: {  	[hbm4b:s7+s3] =	stream.linear.scatter [tilespmem:s12], [sflag:$0x3], $0x20, $0x38;
	[tilespmem:$0x2080] =	vst v63  }
0x57: {  	_ =	swait.ge [sflag:s13], $0x20  }
0x58: {  	[sflag:s13] =	ssyncset.done $0x0  }
0x59: {  	[sflag:s13] =	ssyncadd.s32 $0xFFFFFFE0  }
0x5a: {  	_ =	sfence.sel $0x180000  }
0x5b: {  	[bflag:$0x0] =	sbarrier.arrive $0xFFFF  }
0x5c: {  	p0 =	sne.s32 s1, $0x0;
	_ =	strace $0x90000050  }
0x5d: {  	s0 =	sadd.s32 @!p0 $0x100000, s0;
	[bflag:$0x2] =	sbarrier.arrive $0xFFFF  }
0x5e: {  	[sflag:s0] =	ssyncadd.tile.s32 @!p0 $0x1;
	_ =	shalt  }
.Lfunc_end2:
_tile_overlayer_lowered:
.L_overlay_start_2:
0x5f: {  	(tag) =	ssettag $0x2  }
0x60: {  	s0 =	rddreg [dreg:$0x0];
	s2 =	stileid.u32  }
0x61: {  	s1 =	rddreg [dreg:$0x1];
	p0 =	sne.s32 s2, $0x0  }
0x62: {  	s3 =	rddreg [dreg:$0x2];
	[bflag:$0x3] =	sbarrier.arrive $0xFFFF;
	s2 =	simm.s32 @!p0 $0x1C03  }
0x63: {  	[timem:s3], [sflag:s2] =	dma.local @!p0 [hbm:s0], s1  }
0x64: {  	s0 =	simm.s32 @!p0 $0x3  }
0x65: {  	_ =	swait.ge @!p0 [sflag:s0], s1  }
0x66: {  	s1 =	ssub.s32 @!p0 $0x0, s1;
	[sflag:s0] =	ssyncset.done @!p0 $0x0  }
0x67: {  	[sflag:s0] =	ssyncadd.s32 @!p0 s1  }
0x68: {  	[bflag:$0x3] =	sbarrier.arrive $0xFFFF  }
0x69: {  	_ =	shalt  }

// kernel: kernel.7.cloned.1.call-start
scs
__scs_entry_jumppad:
0x0: {  	(pc) =	sbr.rel $0x88, $3  }
0x1: {  	(tag) =	ssettag $0x0;
	lr =	simm.s32 $0x1  }
0x2: {  	[smem:$0x3F9E] =	sst lr;
	_ =	strace $0xD0000000  }
0x3: {  	_ = 	snop  }
0x4: {  	_ = 	snop  }
0x5: {  	_ = 	snop  }
0x6: {  	_ = 	snop  }
0x7: {  	_ = 	snop  }
__scs_overlays_trampoline_lowered:
0x8: {  	[smem:$0x3FAD] =	sst s0  }
0x9: {  	[smem:$0x3FAE] =	sst s1  }
0xa: {  	[smem:$0x3FAF] =	sst s2  }
0xb: {  	[smem:$0x3FB0] =	sst s3  }
0xc: {  	[smem:$0x3FB1] =	sst s4  }
0xd: {  	[smem:$0x3FB2] =	sst s5  }
0xe: {  	[smem:$0x3FB3] =	sst s6  }
0xf: {  	[smem:$0x3FB4] =	sst s7  }
0x10: {  	[smem:$0x3FB5] =	sst s8  }
0x11: {  	[smem:$0x3FB6] =	sst s9;
	s0 =	simm.s32 @!p0 $0x0  }
0x12: {  	s1 =	sld [smem:$0x3F9C];
	s0 =	simm.s32 @p0 $0x1  }
0x13: {  	[smem:$0x3FB7] =	sst s0;
	s0 =	simm.s32 @!p1 $0x0  }
0x14: {  	s2 =	sld [smem:$0x3F9B];
	s0 =	simm.s32 @p1 $0x1  }
0x15: {  	[smem:$0x3FB8] =	sst s0;
	s0 =	simm.s32 @!p2 $0x0  }
0x16: {  	s3 =	sld [smem:$0x3FDB];
	s0 =	simm.s32 @p2 $0x1  }
0x17: {  	s4 =	simm.s32 $0x1BF5;
	[smem:$0x3FBA] =	sst s0  }
0x18: {  	s0 =	sld [smem:$0x3F9D];
	_ =	swait.ge [sflag:s4], $0x0  }
0x19: {  	s7 =	sld [smem:$0x3F9E]  }
0x1a: {  	s8 =	sadd.s32 $0xFFFFE003, lr  }
0x1b: {  	s9 =	sadd.s32 $0xFFFFFEF7, lr;
	s5 =	simm.s32 $0xFFFFFFFF;
	p2 =	slt.u32 s8, $0xFFFFF086  }
0x1c: {  	p1 =	slt.u32 s9, $0xF7A;
	s5 =	simm.s32 @!p2 $0x0  }
0x1d: {  	s5 =	simm.s32 @p1 $0x1;
	p0 =	seq.s32 s7, s2  }
0x1e: {  	s7 =	smul.u32 @!p0 $0xF7A, s2;
	p2 =	seq.s32 @!p0 s5, $0x0  }
0x1f: {  	s9 =	smul.u32 $0xF7A, s1;
	s8 =	simm.s32 @!p0 $0x1BF5;
	p2 =	por !p2, p0  }
0x20: {  	[sflag:s8] =	ssyncset.s32 @!p0 $0xFFFFF086;
	s6 =	sadd.s32 @!p0 s3, s7;
	s7 =	simm.s32 @!p0 $0x108  }
0x21: {  	s3 =	sadd.s32 s3, s9;
	s6 =	sadd.s32 @!p0 $0x88, s6;
	s7 =	simm.s32 @p2 $0x1082  }
0x22: {  	[simem:s7], [sflag:s8] =	dma.local @!p0 [hbm:s6], $0xF7A  }
0x23: {  	s9 =	sor.u32 $0xD0000000, s2;
	s6 =	simm.s32 $0x108;
	_ =	swait.ge @!p0 [sflag:s8], $0x0  }
0x24: {  	s3 =	sadd.s32 $0x88, s3;
	s6 =	simm.s32 @!p1 $0x1082;
	[sflag:s4] =	ssyncset.s32 $0xFFFFF086  }
0x25: {  	[simem:s6], [sflag:s4] =	dma.local [hbm:s3], $0xF7A  }
0x26: {  	[smem:$0x3F9E] =	sst s1;
	(tag) =	ssettag s2;
	_ =	strace s9  }
0x27: {  	s1 =	sld [smem:$0x3FAE]  }
0x28: {  	s2 =	sld [smem:$0x3FAF]  }
0x29: {  	s4 =	sld [smem:$0x3FB1]  }
0x2a: {  	p0 =	seq.s32 s5, $0x0;
	s5 =	sld [smem:$0x3FB2]  }
0x2b: {  	s6 =	sld [smem:$0x3FB3]  }
0x2c: {  	s7 =	sld [smem:$0x3FB4]  }
0x2d: {  	s3 =	simm.s32 $0x108;
	s8 =	sld [smem:$0x3FB5]  }
0x2e: {  	s3 =	simm.s32 @!p0 $0x1082;
	s9 =	sld [smem:$0x3FB6]  }
0x2f: {  	lr =	sadd.s32 s0, s3;
	s0 =	sld [smem:$0x3FAD]  }
0x30: {  	s3 =	sld [smem:$0x3FB0]  }
0x31: {  	[smem:$0x3FB9] =	sst s10  }
0x32: {  	s10 =	sld [smem:$0x3FB7];
	_ =	sdelay $0x3  }
0x33: {  	p0 =	seq.s32 s10, $0x1;
	s10 =	sld [smem:$0x3FB9];
	_ =	sdelay $0x3  }
0x34: {  	[smem:$0x3FB9] =	sst s10  }
0x35: {  	s10 =	sld [smem:$0x3FB8];
	_ =	sdelay $0x3  }
0x36: {  	p1 =	seq.s32 s10, $0x1;
	s10 =	sld [smem:$0x3FB9];
	_ =	sdelay $0x3  }
0x37: {  	[smem:$0x3FB9] =	sst s10  }
0x38: {  	s10 =	sld [smem:$0x3FBA]  }
0x39: {  	_ = 	snop;
	(pc) =	sbr.ind lr, $3  }
0x3a: {  	_ = 	snop  }
0x3b: {  	_ = 	snop  }
0x3c: {  	p2 =	seq.s32 s10, $0x1;
	s10 =	sld [smem:$0x3FB9]  }
0x3d: {  	_ =	shalt  }
0x3e: {  	_ =	shalt  }
0x3f: {  	_ =	shalt  }
0x40: {  	_ =	shalt  }
0x41: {  	_ =	shalt  }
0x42: {  	_ =	shalt  }
0x43: {  	_ =	shalt  }
0x44: {  	_ =	shalt  }
0x45: {  	_ =	shalt  }
0x46: {  	_ =	shalt  }
0x47: {  	_ =	shalt  }
0x48: {  	_ =	shalt  }
0x49: {  	_ =	shalt  }
0x4a: {  	_ =	shalt  }
0x4b: {  	_ =	shalt  }
0x4c: {  	_ =	shalt  }
0x4d: {  	_ =	shalt  }
0x4e: {  	_ =	shalt  }
0x4f: {  	_ =	shalt  }
0x50: {  	_ =	shalt  }
0x51: {  	_ =	shalt  }
0x52: {  	_ =	shalt  }
0x53: {  	_ =	shalt  }
0x54: {  	_ =	shalt  }
0x55: {  	_ =	shalt  }
0x56: {  	_ =	shalt  }
0x57: {  	_ =	shalt  }
0x58: {  	_ =	shalt  }
0x59: {  	_ =	shalt  }
0x5a: {  	_ =	shalt  }
0x5b: {  	_ =	shalt  }
0x5c: {  	_ =	shalt  }
0x5d: {  	_ =	shalt  }
0x5e: {  	_ =	shalt  }
0x5f: {  	_ =	shalt  }
0x60: {  	_ =	shalt  }
0x61: {  	_ =	shalt  }
0x62: {  	_ =	shalt  }
0x63: {  	_ =	shalt  }
0x64: {  	_ =	shalt  }
0x65: {  	_ =	shalt  }
0x66: {  	_ =	shalt  }
0x67: {  	_ =	shalt  }
0x68: {  	_ =	shalt  }
0x69: {  	_ =	shalt  }
0x6a: {  	_ =	shalt  }
0x6b: {  	_ =	shalt  }
0x6c: {  	_ =	shalt  }
0x6d: {  	_ =	shalt  }
0x6e: {  	_ =	shalt  }
0x6f: {  	_ =	shalt  }
0x70: {  	_ =	shalt  }
0x71: {  	_ =	shalt  }
0x72: {  	_ =	shalt  }
0x73: {  	_ =	shalt  }
0x74: {  	_ =	shalt  }
0x75: {  	_ =	shalt  }
0x76: {  	_ =	shalt  }
0x77: {  	_ =	shalt  }
0x78: {  	_ =	shalt  }
0x79: {  	_ =	shalt  }
0x7a: {  	_ =	shalt  }
0x7b: {  	_ =	shalt  }
0x7c: {  	_ =	shalt  }
0x7d: {  	_ =	shalt  }
0x7e: {  	_ =	shalt  }
0x7f: {  	_ =	shalt  }
0x80: {  	_ =	shalt  }
0x81: {  	_ =	shalt  }
0x82: {  	_ =	shalt  }
0x83: {  	_ =	shalt  }
0x84: {  	_ =	shalt  }
0x85: {  	_ =	shalt  }
0x86: {  	_ =	shalt  }
0x87: {  	_ =	shalt  }
.Lfunc_end0:
.L_simem_size_0:
called_computation.4_lowered:
.L_overlay_start_0:
0x88: {  	s2 =	sld [smem:$0x3FD9]  }
0x89: {  	s3 =	sld [smem:$0x3FFE];
	_ =	sdelay $0x1  }
0x8a: {  	s1 =	srdreg.scid  }
0x8b: {  	s0 =	sand.u32 $0x1, s1  }
0x8c: {  	s17 =	sshll.u32 s0, $0xA;
	s2 =	sadd.s32 s3, s2  }
0x8d: {  	s2 =	sadd.s32 s2, s17  }
0x8e: {  	[smem:$0x3FC5] =	sst s2  }
0x8f: {  	_ = 	snop  }
0x90: {  	s2 =	sld [smem:$0x3FD0];
	(tm) =	ssettm $0x1  }
0x91: {  	s18 =	sld [smem:$0x3FFB];
	_ =	sdelay $0x3  }
0x92: {  	_ =	strace s18  }
0x93: {  	s3 =	sld [smem:$0x3FFC];
	_ =	sdelay $0x3  }
0x94: {  	_ =	strace s3  }
0x95: {  	s3 =	sld [smem:$0x3FFD];
	_ =	sdelay $0x3  }
0x96: {  	_ =	strace s3  }
0x97: {  	_ =	strace $0x8FFFFFFF  }
0x98: {  	s19 =	sld [smem:$0x3FDB];
	_ =	sdelay $0x1  }
0x99: {  	s4 =	simm.s32 $_scs_section_size  }
0x9a: {  	s5 =	simm.s32 $_size__tile_overlayer_lowered;
	s6 =	simm.s32 $_tile_overlayer_lowered  }
0x9b: {  	s22 =	simm.s32 $0x1BFF;
	s21 =	sshll.u32 s6, $0x1;
	s3 =	sadd.s32 s4, s19  }
0x9c: {  	s7 =	simm.s32 $0x0;
	s20 =	sshll.u32 s5, $0x1;
	s5 =	sadd.s32 s21, s3  }
0x9d: {  	[timem:s7], [sflag:s22] =	dma.local [hbm:s5], s20  }
0x9e: {  	_ =	swait.ge [sflag:s22], s20  }
0x9f: {  	s4 =	ssub.s32 $0x0, s20;
	[sflag:s22] =	ssyncset.done $0x0  }
0xa0: {  	[sflag:s22] =	ssyncadd.s32 s4;
	_ =	sdelay $0x1  }
0xa1: {  	s23 =	simm.s32 $0x1B8B  }
0xa2: {  	_ =	swait.ge [sflag:s23], $0x1  }
0xa3: {  	[sflag:s23] =	ssyncset.done $0x0  }
0xa4: {  	s25 =	simm.s32 $0x1B8E;
	s24 =	sld [smem:$0x3FFE];
	[sflag:s23] =	ssyncadd.s32 $0xFFFFFFFF  }
0xa5: {  	s26 =	simm.s32 $execute0_lowered;
	[smem:$0x3FD2] =	sst s25  }
0xa6: {  	s5 =	sshll.u32 s26, $0x1;
	_ =	strace $0x80000052;
	[dreg:$0x1] =	wrdreg $0xFFFFFFFF  }
0xa7: {  	s28 =	simm.s32 $_size_execute0_lowered;
	s3 =	sadd.s32 s3, s5;
	[dreg:$0x0] =	wrdreg $0x0  }
0xa8: {  	s5 =	sshll.u32 s28, $0x1;
	[dreg:$0x2] =	wrdreg s3  }
0xa9: {  	[dreg:$0x3] =	wrdreg s5  }
0xaa: {  	[dreg:$0x4] =	wrdreg $0xC0  }
0xab: {  	_ =	task [dreg:s7], $0x5FFFF  }
0xac: {  	[dreg:$0x1] =	wrdreg $0xFFFFFFFF  }
0xad: {  	[dreg:$0x0] =	wrdreg $0x60  }
0xae: {  	[dreg:$0x2] =	wrdreg s2  }
0xaf: {  	[dreg:$0x3] =	wrdreg s24  }
0xb0: {  	[dreg:$0x4] =	wrdreg $0x9  }
0xb1: {  	_ =	task.clear_ibuf [dreg:s7], $0x5FFFF;
	_ =	strace $0x90000052  }
0xb2: {  	s29 =	simm.s32 $0x9;
	_ =	strace $0x80000054  }
0xb3: {  	_ =	swait.ge [sflag:s29], $0x1  }
0xb4: {  	[sflag:s29] =	ssyncadd.s32 $0xFFFFFFFF  }
0xb5: {  	_ =	strace $0x90000054  }
0xb6: {  	_ =	sfence  }
0xb7: {  	s30 =	sld [smem:$0x0];
	_ =	sdelay $0x2  }
0xb8: {  	s31 =	sshll.u32 s1, $0xD;
	s1 =	sshrl.u32 s1, $0x2  }
0xb9: {  	s3 =	sand.u32 $0x4000, s31;
	s1 =	sadd.s32 s1, s30  }
0xba: {  	s0 =	sor.u32 s3, s0;
	s1 =	sshll.u32 s1, $0x11  }
0xbb: {  	s0 =	sor.u32 s1, s0  }
0xbc: {  	s0 =	sadd.s32 $0x8F2B, s0  }
0xbd: {  	[sflag:s0] =	ssyncadd.remote.s32 $0x1  }
0xbe: {  	_ =	sfence.sel $0xFFFF  }
0xbf: {  	[dreg:$0x0] =	wrdreg $0xFFFFFFFF;
	(pc) =	sbr.abs _section_cstart, $3  }
0xc0: {  	[dreg:$0x1] =	wrdreg $0xFFFFFFFF  }
0xc1: {  	_ =	task.clear_ibuf [dreg:s7], $0x2FFFF;
	_ =	strace $0x9FFFFFFF  }
0xc2: {  	(tm) =	ssettm $0x7FFFFFFF  }
0xc3: {  	_ =	shalt  }
tec
execute0_lowered:
.L_overlay_start_1:
0x0: {  	(tag) =	ssettag $0x1  }
0x1: {  	s1 =	rddreg [dreg:$0x0]  }
0x2: {  	s0 =	rddreg [dreg:$0x1]  }
0x3: {  	s2 =	simm.s32 $0x0;
	s3 =	srdreg.scid;
	s7 =	stileid.u32  }
0x4: {  	s16 =	simm.s32 $0x5;
	s17 =	simm.s32 $0x2000;
	s18 =	simm.s32 $0x1  }
0x5: {  	s19 =	simm.s32 $0xA000;
	s20 =	simm.s32 $0x1000;
	s21 =	simm.s32 $0x6000  }
0x6: {  	s23 =	simm.s32 $0xE080;
	s24 =	simm.s32 $0x2;
	s28 =	simm.s32 $0x0  }
0x7: {  	[smem:$0x7FF] =	sst s2;
	s4 =	sadd.s32 $0x201000, s0;
	s5 =	sadd.s32 $0x401000, s0  }
0x8: {  	s3 =	sand.u32 $0x1, s3;
	s6 =	sadd.s32 $0x1000, s0;
	s8 =	sshll.u32 s7, $0x1  }
0x9: {  	s7 =	sadd.s32 $0x601000, s0;
	_ =	strace $0x80000053;
	s25 =	ssub.s32 $0x2, s3  }
0xa: {  	[dreg:$0x3] =	wrdreg s6;
	s3 =	sor.u32 s3, s8;
	s26 =	sshrl.u32 s25, $0x1  }
0xb: {  	s8 =	sshll.u32 s3, $0x13;
	s29 =	sshll.u32 s3, $0xE;
	s30 =	sshll.u32 s3, $0x10  }
0xc: {  	v0 =	vlaneseq.u32;
	s0 =	ssub.s32 s25, s26;
	s6 =	sadd.s32 s1, s29;
	s11 =	sor.u32 $0x4000, s8  }
0xd: {  	v1 =	vmul.u32 $0x4, v0;
	s10 =	sadd.s32 s4, s30;
	s25 =	simm.s32 $0x3;
	s26 =	simm.s32 $0x4  }
0xe: {  	vm0 =	vmmov $0x1;
	vm1 =	vcmask $0x308;
	[dreg:$0x4] =	wrdreg s6;
	s31 =	sshrl.u32 s11, $0x5;
	s13 =	sshrl.u32 s11, $0x3  }
0xf: {  	v2 =	vor.u32 $0x1, v1;
	v3 =	vor.u32 $0x2, v1;
	v4 =	vor.u32 $0x3, v1;
	s11 =	sshll.u32 s3, $0x5;
	s3 =	sshll.u32 s3, $0x7;
	s14 =	smax.u32 s0, $0x1  }
0x10: {  	v5 =	vor.u32 $0x41, v1;
	v6 =	vor.u32 $0x42, v1;
	v7 =	vor.u32 $0x43, v1;
	s12 =	sadd.s32 s1, s31;
	s13 =	sadd.s32 s4, s13;
	s22 =	sshrl.u32 s3, $0x2  }
.LBB2_1:
0x11: {  	s0 =	rddreg [dreg:$0x3];
	s3 =	simm.s32 $0x12100  }
0x12: {  	[tilespmem:s3], [sflag:$0x5] =	stream.linear.gather [hbm4b:s0+s2], $0x400, $0x38;
	[tilespmem:$0x12900] =	vst v63  }
0x13: {  	_ =	swait.ge [sflag:s16], $0x400  }
0x14: {  	[sflag:s16] =	ssyncset.done $0x0  }
0x15: {  	s6 =	simm.s32 $0x0;
	[sflag:s16] =	ssyncadd.s32 $0xFFFFFC00  }
0x16: {  	s0 =	simm.s32 $0x10;
	v10 =	vld [tilespmem:s6+$0x12100]  }
0x17: {  	v8 =	vld [tilespmem:s0+$0x12100];
	_ =	sdelay $0x3  }
0x18: {  	(xrf0) =	vadd.scan.msk.s32 $0xffff, v10  }
0x19: {  	(xrf0) =	vadd.scan.msk.s32 $0xffff, v8;
	_ =	sdelay $0x4  }
0x1a: {  	s3 =	simm.s32 $0x20;
	v13, _, _ =	vpop (xrf0)  }
0x1b: {  	v11 =	vld [tilespmem:s3+$0x12100];
	(v2sf) =	vpush v13, $0xF;
	v12, _, _ =	vpop (xrf0)  }
0x1c: {  	(v2sf) =	vpush v12, $0xF;
	_ =	sdelay $0x3  }
0x1d: {  	s15 =	simm.s32 $0x30;
	(xrf0) =	vadd.scan.msk.s32 $0xffff, v11  }
0x1e: {  	v9 =	vld [tilespmem:s15+$0x12100];
	_ =	sdelay $0x3  }
0x1f: {  	s30 =	simm.s32 $0x100;
	s29 =	simm.s32 $0x0  }
.LBB2_2:
0x20: {  	s31 =	sshra.s32 s30, $0x2;
	p0 =	sne.s32 s30, $0xFC0;
	s30 =	sadd.s32 $0x40, s30;
	(xrf0) =	vadd.scan.msk.s32 $0xffff, v9;
	v14, _, _ =	vpop (xrf0);
	v15 =	vsub.s32 s29, v10;
	v10 =	vmov v8;
	v8 =	vmov v11  }
.Ltmp0:
0x21: {  	v11 =	vmovc v9;
	(v2sf) =	vpush v14, $0xF;
	v15 =	vadd.s32 v13, v15;
	v13 =	vmovc v12;
	v12 =	vmov v14;
	v9 =	vld [tilespmem:s31+$0x12100];
	(pc) =	sbr.rel @p0 .LBB2_2-.Ltmp0, $4  }
0x22: {  	[tilespmem:s6+$0x12500] =	vst v15;
	s6 =	smov.u32 s0;
	s0 =	smov.u32 s3;
	s3 =	smov.u32 s15  }
0x23: {  	s15 =	smov.u32 s31  }
0x24: {  	s31 =	spop (v2sf)  }
0x25: {  	s29 =	sadd.s32 s29, s31  }
0x26: {  	v14, _, _ =	vpop (xrf0)  }
0x27: {  	(v2sf) =	vpush v14, $0xF;
	_ =	sdelay $0xa  }
0x28: {  	(xrf0) =	vadd.scan.msk.s32 $0xffff, v9;
	_ =	sdelay $0x1  }
0x29: {  	s30 =	spop (v2sf)  }
0x2a: {  	v10 =	vsub.s32 s29, v10;
	s29 =	sadd.s32 s29, s30;
	s30 =	spop (v2sf)  }
0x2b: {  	v10 =	vadd.s32 v13, v10;
	v8 =	vsub.s32 s29, v8;
	s29 =	sadd.s32 s29, s30;
	s30 =	spop (v2sf)  }
0x2c: {  	[tilespmem:s6+$0x12500] =	vst v10;
	v8 =	vadd.s32 v12, v8;
	v61 =	vsub.s32 s29, v11;
	s9 =	sadd.s32 s29, s30  }
0x2d: {  	[tilespmem:s0+$0x12500] =	vst v8;
	v62, _, _ =	vpop (xrf0);
	v8 =	vadd.s32 v14, v61;
	v63 =	vsub.s32 s9, v9  }
0x2e: {  	[tilespmem:s3+$0x12500] =	vst v8;
	v8 =	vadd.s32 v62, v63  }
0x2f: {  	s31 =	rddreg [dreg:$0x4];
	s29 =	simm.s32 $0x0;
	[tilespmem:s15+$0x12500] =	vst v8  }
0x30: {  	[tilespmem:s29], [sflag:$0x1] =	stream.linear.gather [hbm4b:s31+s29], $0x1000, $0x38;
	[tilespmem:$0x12900] =	vst v63  }
0x31: {  	_ = 	snop  }
0x32: {  	[tilespmem:s17], [sflag:$0x1] =	stream.linear.gather [hbm4b:s10+s29], $0x4000, $0x38;
	[tilespmem:$0x12900] =	vst v63  }
0x33: {  	v8 =	vld [tilespmem:s11+$0x12500];
	_ =	sdelay $0x4  }
0x34: {  	v8 =	vnsel vm0, $0x0, v8  }
0x35: {  	(xrf0) =	vadd.scan.msk.s32 $0xffff, v8;
	_ =	sdelay $0x5  }
0x36: {  	(v2sf) =	vpush v62, $0xF;
	v8, _, _ =	vpop (xrf0)  }
0x37: {  	(v2sf) =	vpush v8, $0xF;
	_ =	sdelay $0xd  }
0x38: {  	s3 =	spop (v2sf)  }
0x39: {  	s0 =	spop (v2sf)  }
0x3a: {  	s6 =	sand.u32 $0x7, s0  }
0x3b: {  	s9 =	sshra.s32 s0, $0x1F;
	p0 =	slt.s32 s0, $0x1;
	p1 =	sne.s32 s6, $0x0  }
0x3c: {  	s15 =	sshrl.u32 s9, $0x1D;
	p0 =	por !p0, !p1  }
0x3d: {  	s6 =	simm.s32 $0x1;
	s3 =	sadd.s32 s15, s0;
	p0 =	por !p0, !p0  }
0x3e: {  	s3 =	sshrl.u32 s3, $0x3;
	s6 =	simm.s32 @!p0 $0x0  }
0x3f: {  	s3 =	ssub.s32 s3, s6  }
0x40: {  	s3 =	sshll.u32 s3, $0x3  }
0x41: {  	p0 =	sgt.s32 s3, $0x0  }
0x42: {  	s3 =	simm.s32 @!p0 $0x0  }
0x43: {  	s3 =	smin.u32 s3, $0xFFBFF8  }
0x44: {  	s31 =	sshrl.u32 s3, $0x3  }
0x45: {  	s6 =	sadd.s32 s5, s31  }
0x46: {  	[tilespmem:s19], [sflag:$0x1] =	stream.linear.gather [hbm4b:s6+s29], $0x4008, $0x38;
	[tilespmem:$0x12900] =	vst v63  }
0x47: {  	_ = 	snop  }
0x48: {  	[tilespmem:s20], [sflag:$0x2] =	stream.linear.gather [hbm4b:s12+s29], $0x1000, $0x38;
	[tilespmem:$0x12900] =	vst v63  }
0x49: {  	_ = 	snop  }
0x4a: {  	[tilespmem:s21], [sflag:$0x2] =	stream.linear.gather [hbm4b:s13+s29], $0x4000, $0x38;
	[tilespmem:$0x12900] =	vst v63  }
0x4b: {  	v8 =	vld [tilespmem:s22+$0x12500];
	_ =	sdelay $0x4  }
0x4c: {  	v8 =	vsel vm1, $0x0, v8  }
0x4d: {  	(xrf0) =	vadd.scan.msk.s32 $0xffff, v8;
	_ =	sdelay $0x5  }
0x4e: {  	v8, _, _ =	vpop (xrf0)  }
0x4f: {  	(v2sf) =	vpush v8, $0xF;
	_ =	sdelay $0xe  }
0x50: {  	s6 =	spop (v2sf)  }
0x51: {  	s9 =	sand.u32 $0x7, s6  }
0x52: {  	s30 =	sshra.s32 s6, $0x1F;
	p5 =	slt.s32 s6, $0x1;
	p6 =	sne.s32 s9, $0x0  }
0x53: {  	s31 =	sshrl.u32 s30, $0x1D;
	p0 =	por !p5, !p6  }
0x54: {  	s30 =	simm.s32 $0x1;
	s15 =	sadd.s32 s31, s6;
	p0 =	por !p0, !p0  }
0x55: {  	s15 =	sshrl.u32 s15, $0x3;
	s30 =	simm.s32 @!p0 $0x0  }
0x56: {  	s15 =	ssub.s32 s15, s30  }
0x57: {  	s15 =	sshll.u32 s15, $0x3  }
0x58: {  	p0 =	sgt.s32 s15, $0x0  }
0x59: {  	s15 =	simm.s32 @!p0 $0x0  }
0x5a: {  	s15 =	smin.u32 s15, $0xFFBFF8  }
0x5b: {  	s30 =	sshrl.u32 s15, $0x3  }
0x5c: {  	s30 =	sadd.s32 s5, s30  }
0x5d: {  	[tilespmem:s23], [sflag:$0x2] =	stream.linear.gather [hbm4b:s30+s29], $0x4008, $0x38;
	[tilespmem:$0x12900] =	vst v63  }
0x5e: {  	s0 =	ssub.s32 s0, s3;
	s30 =	ssub.s32 s6, s15  }
.LBB2_4:
0x5f: {  	_ =	swait.ge [sflag:s18], $0x1000  }
0x60: {  	[sflag:s18] =	ssyncset.done $0x0  }
0x61: {  	[sflag:s18] =	ssyncadd.s32 $0xFFFFF000  }
0x62: {  	_ =	swait.ge [sflag:s18], $0x4000  }
0x63: {  	[sflag:s18] =	ssyncset.done $0x0  }
0x64: {  	[sflag:s18] =	ssyncadd.s32 $0xFFFFC000  }
0x65: {  	_ =	swait.ge [sflag:s18], $0x4008  }
0x66: {  	s0 =	sadd.s32 $0xFFFFFFFF, s0;
	s31 =	simm.s32 $0xFFFFFFFC;
	[sflag:s18] =	ssyncset.done $0x0  }
0x67: {  	s3 =	simm.s32 $0x0;
	s6 =	simm.s32 $0x0;
	[sflag:s18] =	ssyncadd.s32 $0xFFFFBFF8  }
.LBB2_5:
0x68: {  	s15 =	sshra.s32 s3, $0x2  }
0x69: {  	v8 =	vld [tilespmem:s15+$0x0];
	_ =	sdelay $0x4  }
0x6a: {  	v9 =	vand.u32 $0xFF, v8;
	v10 =	vshrl.u32 v8, $0x8;
	v11 =	vshrl.u32 v8, $0x18  }
0x6b: {  	v8 =	vshrl.u32 v8, $0x10;
	v10 =	vand.u32 $0xFF, v10;
	v12 =	vadd.s32 v9, v11  }
0x6c: {  	v8 =	vand.u32 $0xFF, v8;
	v12 =	vadd.s32 v10, v12  }
0x6d: {  	v12 =	vadd.s32 v8, v12  }
0x6e: {  	(xrf0) =	vadd.scan.msk.s32 $0xffff, v12;
	_ =	sdelay $0x3  }
0x6f: {  	s9 =	sadd.s32 s6, s0  }
0x70: {  	v13 =	vadd.s32 s9, v9  }
0x71: {  	v12 =	vsub.s32 v13, v12;
	v14, _, _ =	vpop (xrf0)  }
0x72: {  	v12 =	vadd.s32 v14, v12  }
0x73: {  	vm3 =	vne.s32 v9, $0x0;
	vm2 =	vgt.s32 v12, $0x0  }
0x74: {  	v18 =	vnsel vm2, $0x0, v12;
	_ =	sdelay $0x3  }
0x75: {  	v12 =	vadd.s32 v10, v12  }
0x76: {  	v19 =	vor.u32 s3, v1;
	vm4 =	vne.s32 v10, $0x0;
	vm2 =	vgt.s32 v12, $0x0;
	v9 =	vld.idx.msk [tilespmem:v18+s19+$0x0], vm3  }
0x77: {  	v20 =	vnsel vm2, $0x0, v12;
	_ =	sdelay $0x3  }
0x78: {  	v21 =	vadd.s32 v8, v12;
	[tilespmem:v19+s17+$0x0] =	vst.idx.msk vm3, v9  }
0x79: {  	v22 =	vor.u32 s3, v2;
	vm2 =	vgt.s32 v21, $0x0;
	vm3 =	vne.s32 v8, $0x0;
	v10 =	vld.idx.msk [tilespmem:v20+s19+$0x0], vm4  }
0x7a: {  	v8 =	vnsel vm2, $0x0, v21;
	_ =	sdelay $0x3  }
0x7b: {  	v9 =	vadd.s32 v11, v21;
	[tilespmem:v22+s17+$0x0] =	vst.idx.msk vm4, v10  }
0x7c: {  	v23 =	vor.u32 s3, v3;
	vm9 =	vne.s32 v11, $0x0;
	vm2 =	vgt.s32 v9, $0x0;
	v8 =	vld.idx.msk [tilespmem:v8+s19+$0x0], vm3  }
0x7d: {  	v9 =	vnsel vm2, $0x0, v9;
	_ =	sdelay $0x3  }
0x7e: {  	[tilespmem:v23+s17+$0x0] =	vst.idx.msk vm3, v8  }
0x7f: {  	v24 =	vor.u32 s3, v4;
	v8 =	vld.idx.msk [tilespmem:v9+s19+$0x0], vm9;
	_ =	sdelay $0x1  }
0x80: {  	(v2sf) =	vpush v14, $0xF;
	_ =	sdelay $0x2  }
0x81: {  	[tilespmem:v24+s17+$0x0] =	vst.idx.msk vm9, v8  }
0x82: {  	v8 =	vld [tilespmem:s15+$0x10];
	_ =	sdelay $0x4  }
0x83: {  	v25 =	vand.u32 $0xFF, v8;
	v26 =	vshrl.u32 v8, $0x8;
	v27 =	vshrl.u32 v8, $0x18  }
0x84: {  	v8 =	vshrl.u32 v8, $0x10;
	v10 =	vand.u32 $0xFF, v26;
	v28 =	vadd.s32 v25, v27  }
0x85: {  	v8 =	vand.u32 $0xFF, v8;
	v12 =	vadd.s32 v10, v28  }
0x86: {  	v12 =	vadd.s32 v8, v12  }
0x87: {  	(xrf0) =	vadd.scan.msk.s32 $0xffff, v12;
	_ =	sdelay $0x1  }
0x88: {  	s9 =	spop (v2sf)  }
0x89: {  	s6 =	sadd.s32 s6, s9  }
0x8a: {  	s9 =	sadd.s32 s6, s0  }
0x8b: {  	v29 =	vadd.s32 s9, v25  }
0x8c: {  	v12 =	vsub.s32 v29, v12;
	v30, _, _ =	vpop (xrf0)  }
0x8d: {  	v12 =	vadd.s32 v30, v12  }
0x8e: {  	vm3 =	vne.s32 v25, $0x0;
	vm2 =	vgt.s32 v12, $0x0  }
0x8f: {  	v31 =	vnsel vm2, $0x0, v12;
	_ =	sdelay $0x3  }
0x90: {  	s9 =	sadd.s32 $0x40, s3;
	v12 =	vadd.s32 v10, v12  }
0x91: {  	v32 =	vor.u32 s9, v1;
	vm10 =	vne.s32 v10, $0x0;
	vm2 =	vgt.s32 v12, $0x0;
	v9 =	vld.idx.msk [tilespmem:v31+s19+$0x0], vm3  }
0x92: {  	v33 =	vnsel vm2, $0x0, v12;
	_ =	sdelay $0x3  }
0x93: {  	v34 =	vadd.s32 v8, v12;
	[tilespmem:v32+s17+$0x0] =	vst.idx.msk vm3, v9  }
0x94: {  	v35 =	vor.u32 s9, v5;
	vm2 =	vgt.s32 v34, $0x0;
	vm3 =	vne.s32 v8, $0x0;
	v10 =	vld.idx.msk [tilespmem:v33+s19+$0x0], vm10  }
0x95: {  	v8 =	vnsel vm2, $0x0, v34;
	_ =	sdelay $0x3  }
0x96: {  	v9 =	vadd.s32 v27, v34;
	[tilespmem:v35+s17+$0x0] =	vst.idx.msk vm10, v10  }
0x97: {  	vm11 =	vne.s32 v27, $0x0;
	v36 =	vor.u32 s9, v6;
	vm2 =	vgt.s32 v9, $0x0;
	v8 =	vld.idx.msk [tilespmem:v8+s19+$0x0], vm3  }
0x98: {  	v9 =	vnsel vm2, $0x0, v9;
	_ =	sdelay $0x3  }
0x99: {  	[tilespmem:v36+s17+$0x0] =	vst.idx.msk vm3, v8  }
0x9a: {  	v37 =	vor.u32 s9, v7;
	v8 =	vld.idx.msk [tilespmem:v9+s19+$0x0], vm11;
	_ =	sdelay $0x1  }
0x9b: {  	(v2sf) =	vpush v30, $0xF;
	_ =	sdelay $0x2  }
0x9c: {  	[tilespmem:v37+s17+$0x0] =	vst.idx.msk vm11, v8  }
0x9d: {  	v8 =	vld [tilespmem:s15+$0x20];
	_ =	sdelay $0x4  }
0x9e: {  	v38 =	vand.u32 $0xFF, v8;
	v39 =	vshrl.u32 v8, $0x8;
	v40 =	vshrl.u32 v8, $0x18  }
0x9f: {  	v8 =	vshrl.u32 v8, $0x10;
	v10 =	vand.u32 $0xFF, v39;
	v41 =	vadd.s32 v38, v40  }
0xa0: {  	v8 =	vand.u32 $0xFF, v8;
	v12 =	vadd.s32 v10, v41  }
0xa1: {  	v12 =	vadd.s32 v8, v12  }
0xa2: {  	(xrf0) =	vadd.scan.msk.s32 $0xffff, v12;
	_ =	sdelay $0x1  }
0xa3: {  	s9 =	spop (v2sf)  }
0xa4: {  	s6 =	sadd.s32 s6, s9  }
0xa5: {  	s9 =	sadd.s32 s6, s0  }
0xa6: {  	v42 =	vadd.s32 s9, v38  }
0xa7: {  	v12 =	vsub.s32 v42, v12;
	v43, _, _ =	vpop (xrf0)  }
0xa8: {  	v12 =	vadd.s32 v43, v12  }
0xa9: {  	vm3 =	vne.s32 v38, $0x0;
	vm2 =	vgt.s32 v12, $0x0  }
0xaa: {  	v44 =	vnsel vm2, $0x0, v12;
	_ =	sdelay $0x3  }
0xab: {  	s9 =	sadd.s32 $0x80, s3;
	v12 =	vadd.s32 v10, v12  }
0xac: {  	v45 =	vor.u32 s9, v1;
	vm12 =	vne.s32 v10, $0x0;
	vm2 =	vgt.s32 v12, $0x0;
	v9 =	vld.idx.msk [tilespmem:v44+s19+$0x0], vm3  }
0xad: {  	v46 =	vnsel vm2, $0x0, v12;
	_ =	sdelay $0x3  }
0xae: {  	v47 =	vadd.s32 v8, v12;
	[tilespmem:v45+s17+$0x0] =	vst.idx.msk vm3, v9  }
0xaf: {  	v48 =	vor.u32 s9, v2;
	vm2 =	vgt.s32 v47, $0x0;
	vm3 =	vne.s32 v8, $0x0;
	v10 =	vld.idx.msk [tilespmem:v46+s19+$0x0], vm12  }
0xb0: {  	v8 =	vnsel vm2, $0x0, v47;
	_ =	sdelay $0x3  }
0xb1: {  	v9 =	vadd.s32 v40, v47;
	[tilespmem:v48+s17+$0x0] =	vst.idx.msk vm12, v10  }
0xb2: {  	vm13 =	vne.s32 v40, $0x0;
	v49 =	vor.u32 s9, v3;
	vm2 =	vgt.s32 v9, $0x0;
	v8 =	vld.idx.msk [tilespmem:v8+s19+$0x0], vm3  }
0xb3: {  	v9 =	vnsel vm2, $0x0, v9;
	_ =	sdelay $0x3  }
0xb4: {  	[tilespmem:v49+s17+$0x0] =	vst.idx.msk vm3, v8  }
0xb5: {  	v50 =	vor.u32 s9, v4;
	v8 =	vld.idx.msk [tilespmem:v9+s19+$0x0], vm13;
	_ =	sdelay $0x1  }
0xb6: {  	(v2sf) =	vpush v43, $0xF;
	_ =	sdelay $0x2  }
0xb7: {  	[tilespmem:v50+s17+$0x0] =	vst.idx.msk vm13, v8  }
0xb8: {  	v8 =	vld [tilespmem:s15+$0x30];
	_ =	sdelay $0x4  }
0xb9: {  	v51 =	vand.u32 $0xFF, v8;
	v52 =	vshrl.u32 v8, $0x8;
	v53 =	vshrl.u32 v8, $0x18  }
0xba: {  	v8 =	vshrl.u32 v8, $0x10;
	v10 =	vand.u32 $0xFF, v52;
	v54 =	vadd.s32 v51, v53  }
0xbb: {  	v8 =	vand.u32 $0xFF, v8;
	v12 =	vadd.s32 v10, v54  }
0xbc: {  	v12 =	vadd.s32 v8, v12  }
0xbd: {  	(xrf0) =	vadd.scan.msk.s32 $0xffff, v12;
	_ =	sdelay $0x1  }
0xbe: {  	s15 =	spop (v2sf)  }
0xbf: {  	s6 =	sadd.s32 s6, s15  }
0xc0: {  	s9 =	sadd.s32 s6, s0  }
0xc1: {  	v55 =	vadd.s32 s9, v51  }
0xc2: {  	v12 =	vsub.s32 v55, v12;
	v56, _, _ =	vpop (xrf0)  }
0xc3: {  	v12 =	vadd.s32 v56, v12  }
0xc4: {  	vm3 =	vne.s32 v51, $0x0;
	vm2 =	vgt.s32 v12, $0x0  }
0xc5: {  	v57 =	vnsel vm2, $0x0, v12;
	_ =	sdelay $0x3  }
0xc6: {  	s15 =	sadd.s32 $0xC0, s3;
	v12 =	vadd.s32 v10, v12  }
0xc7: {  	v58 =	vor.u32 s15, v1;
	vm14 =	vne.s32 v10, $0x0;
	vm2 =	vgt.s32 v12, $0x0;
	v9 =	vld.idx.msk [tilespmem:v57+s19+$0x0], vm3  }
0xc8: {  	v59 =	vnsel vm2, $0x0, v12;
	_ =	sdelay $0x3  }
0xc9: {  	v60 =	vadd.s32 v8, v12;
	[tilespmem:v58+s17+$0x0] =	vst.idx.msk vm3, v9  }
0xca: {  	v61 =	vor.u32 s15, v5;
	vm2 =	vgt.s32 v60, $0x0;
	vm3 =	vne.s32 v8, $0x0;
	v10 =	vld.idx.msk [tilespmem:v59+s19+$0x0], vm14  }
0xcb: {  	(v2sf) =	vpush v56, $0xF;
	v8 =	vnsel vm2, $0x0, v60;
	_ =	sdelay $0x3  }
0xcc: {  	v9 =	vadd.s32 v53, v60;
	[tilespmem:v61+s17+$0x0] =	vst.idx.msk vm14, v10  }
0xcd: {  	v62 =	vor.u32 s15, v6;
	vm15 =	vne.s32 v53, $0x0;
	vm2 =	vgt.s32 v9, $0x0;
	v8 =	vld.idx.msk [tilespmem:v8+s19+$0x0], vm3  }
0xce: {  	v9 =	vnsel vm2, $0x0, v9;
	_ =	sdelay $0x3  }
0xcf: {  	s31 =	sadd.s32 $0x4, s31;
	[tilespmem:v62+s17+$0x0] =	vst.idx.msk vm3, v8  }
0xd0: {  	p0 =	slt.u32 s31, $0xFC;
	v63 =	vor.u32 s15, v7;
	v8 =	vld.idx.msk [tilespmem:v9+s19+$0x0], vm15  }
.Ltmp1:
0xd1: {  	_ = 	snop;
	(pc) =	sbr.rel @p0 .LBB2_5-.Ltmp1, $3  }
0xd2: {  	_ =	sdelay $0x1  }
0xd3: {  	s15 =	spop (v2sf)  }
0xd4: {  	s3 =	sadd.s32 $0x100, s3;
	s6 =	sadd.s32 s6, s15;
	[tilespmem:v63+s17+$0x0] =	vst.idx.msk vm15, v8  }
0xd5: {  	s0 =	sshll.u32 s29, $0xF  }
0xd6: {  	s0 =	sor.u32 s8, s0  }
0xd7: {  	s31 =	sshrl.u32 s0, $0x3  }
0xd8: {  	s0 =	simm.s32 $0x0;
	s3 =	sadd.s32 s7, s31  }
0xd9: {  	[hbm4b:s3+s0] =	stream.linear.scatter [tilespmem:s17], [sflag:$0x3], $0x4000, $0x38;
	[tilespmem:$0x12900] =	vst v63  }
0xda: {  	_ =	swait.ge [sflag:s24], $0x1000  }
0xdb: {  	[sflag:s24] =	ssyncset.done $0x0  }
0xdc: {  	[sflag:s24] =	ssyncadd.s32 $0xFFFFF000  }
0xdd: {  	_ =	swait.ge [sflag:s24], $0x4000  }
0xde: {  	[sflag:s24] =	ssyncset.done $0x0  }
0xdf: {  	[sflag:s24] =	ssyncadd.s32 $0xFFFFC000  }
0xe0: {  	_ =	swait.ge [sflag:s24], $0x4008  }
0xe1: {  	s30 =	sadd.s32 $0xFFFFFFFF, s30;
	[sflag:s24] =	ssyncset.done $0x0  }
0xe2: {  	s6 =	simm.s32 $0x0;
	s3 =	simm.s32 $0xFFFFFFFC;
	[sflag:s24] =	ssyncadd.s32 $0xFFFFBFF8  }
.LBB2_7:
0xe3: {  	s15 =	sshra.s32 s0, $0x2  }
0xe4: {  	v8 =	vld [tilespmem:s15+$0x1000];
	_ =	sdelay $0x4  }
0xe5: {  	v9 =	vand.u32 $0xFF, v8;
	v10 =	vshrl.u32 v8, $0x8;
	v11 =	vshrl.u32 v8, $0x18  }
0xe6: {  	v8 =	vshrl.u32 v8, $0x10;
	v10 =	vand.u32 $0xFF, v10;
	v12 =	vadd.s32 v9, v11  }
0xe7: {  	v8 =	vand.u32 $0xFF, v8;
	v12 =	vadd.s32 v10, v12  }
0xe8: {  	v12 =	vadd.s32 v8, v12  }
0xe9: {  	(xrf0) =	vadd.scan.msk.s32 $0xffff, v12;
	_ =	sdelay $0x3  }
0xea: {  	s9 =	sadd.s32 s6, s30  }
0xeb: {  	v13 =	vadd.s32 s9, v9  }
0xec: {  	v12 =	vsub.s32 v13, v12;
	v14, _, _ =	vpop (xrf0)  }
0xed: {  	v12 =	vadd.s32 v14, v12  }
0xee: {  	vm3 =	vne.s32 v9, $0x0;
	vm2 =	vgt.s32 v12, $0x0  }
0xef: {  	v18 =	vnsel vm2, $0x0, v12;
	_ =	sdelay $0x3  }
0xf0: {  	v12 =	vadd.s32 v10, v12  }
0xf1: {  	v19 =	vor.u32 s0, v1;
	vm4 =	vne.s32 v10, $0x0;
	vm2 =	vgt.s32 v12, $0x0;
	v9 =	vld.idx.msk [tilespmem:v18+s23+$0x0], vm3  }
0xf2: {  	v20 =	vnsel vm2, $0x0, v12;
	_ =	sdelay $0x3  }
0xf3: {  	v21 =	vadd.s32 v8, v12;
	[tilespmem:v19+s21+$0x0] =	vst.idx.msk vm3, v9  }
0xf4: {  	v22 =	vor.u32 s0, v2;
	vm2 =	vgt.s32 v21, $0x0;
	vm3 =	vne.s32 v8, $0x0;
	v10 =	vld.idx.msk [tilespmem:v20+s23+$0x0], vm4  }
0xf5: {  	v8 =	vnsel vm2, $0x0, v21;
	_ =	sdelay $0x3  }
0xf6: {  	v9 =	vadd.s32 v11, v21;
	[tilespmem:v22+s21+$0x0] =	vst.idx.msk vm4, v10  }
0xf7: {  	v23 =	vor.u32 s0, v3;
	vm9 =	vne.s32 v11, $0x0;
	vm2 =	vgt.s32 v9, $0x0;
	v8 =	vld.idx.msk [tilespmem:v8+s23+$0x0], vm3  }
0xf8: {  	v9 =	vnsel vm2, $0x0, v9;
	_ =	sdelay $0x3  }
0xf9: {  	[tilespmem:v23+s21+$0x0] =	vst.idx.msk vm3, v8  }
0xfa: {  	v24 =	vor.u32 s0, v4;
	v8 =	vld.idx.msk [tilespmem:v9+s23+$0x0], vm9;
	_ =	sdelay $0x1  }
0xfb: {  	(v2sf) =	vpush v14, $0xF;
	_ =	sdelay $0x2  }
0xfc: {  	[tilespmem:v24+s21+$0x0] =	vst.idx.msk vm9, v8  }
0xfd: {  	v8 =	vld [tilespmem:s15+$0x1010];
	_ =	sdelay $0x4  }
0xfe: {  	v25 =	vand.u32 $0xFF, v8;
	v26 =	vshrl.u32 v8, $0x8;
	v27 =	vshrl.u32 v8, $0x18  }
0xff: {  	v8 =	vshrl.u32 v8, $0x10;
	v10 =	vand.u32 $0xFF, v26;
	v28 =	vadd.s32 v25, v27  }
0x100: {  	v8 =	vand.u32 $0xFF, v8;
	v12 =	vadd.s32 v10, v28  }
0x101: {  	v12 =	vadd.s32 v8, v12  }
0x102: {  	(xrf0) =	vadd.scan.msk.s32 $0xffff, v12;
	_ =	sdelay $0x1  }
0x103: {  	s9 =	spop (v2sf)  }
0x104: {  	s6 =	sadd.s32 s6, s9  }
0x105: {  	s9 =	sadd.s32 s6, s30  }
0x106: {  	v29 =	vadd.s32 s9, v25  }
0x107: {  	v12 =	vsub.s32 v29, v12;
	v30, _, _ =	vpop (xrf0)  }
0x108: {  	v12 =	vadd.s32 v30, v12  }
0x109: {  	vm3 =	vne.s32 v25, $0x0;
	vm2 =	vgt.s32 v12, $0x0  }
0x10a: {  	v31 =	vnsel vm2, $0x0, v12;
	_ =	sdelay $0x3  }
0x10b: {  	s9 =	sadd.s32 $0x40, s0;
	v12 =	vadd.s32 v10, v12  }
0x10c: {  	v32 =	vor.u32 s9, v1;
	vm10 =	vne.s32 v10, $0x0;
	vm2 =	vgt.s32 v12, $0x0;
	v9 =	vld.idx.msk [tilespmem:v31+s23+$0x0], vm3  }
0x10d: {  	v33 =	vnsel vm2, $0x0, v12;
	_ =	sdelay $0x3  }
0x10e: {  	v34 =	vadd.s32 v8, v12;
	[tilespmem:v32+s21+$0x0] =	vst.idx.msk vm3, v9  }
0x10f: {  	v35 =	vor.u32 s9, v5;
	vm2 =	vgt.s32 v34, $0x0;
	vm3 =	vne.s32 v8, $0x0;
	v10 =	vld.idx.msk [tilespmem:v33+s23+$0x0], vm10  }
0x110: {  	v8 =	vnsel vm2, $0x0, v34;
	_ =	sdelay $0x3  }
0x111: {  	v9 =	vadd.s32 v27, v34;
	[tilespmem:v35+s21+$0x0] =	vst.idx.msk vm10, v10  }
0x112: {  	vm11 =	vne.s32 v27, $0x0;
	v36 =	vor.u32 s9, v6;
	vm2 =	vgt.s32 v9, $0x0;
	v8 =	vld.idx.msk [tilespmem:v8+s23+$0x0], vm3  }
0x113: {  	v9 =	vnsel vm2, $0x0, v9;
	_ =	sdelay $0x3  }
0x114: {  	[tilespmem:v36+s21+$0x0] =	vst.idx.msk vm3, v8  }
0x115: {  	v37 =	vor.u32 s9, v7;
	v8 =	vld.idx.msk [tilespmem:v9+s23+$0x0], vm11;
	_ =	sdelay $0x1  }
0x116: {  	(v2sf) =	vpush v30, $0xF;
	_ =	sdelay $0x2  }
0x117: {  	[tilespmem:v37+s21+$0x0] =	vst.idx.msk vm11, v8  }
0x118: {  	v8 =	vld [tilespmem:s15+$0x1020];
	_ =	sdelay $0x4  }
0x119: {  	v38 =	vand.u32 $0xFF, v8;
	v39 =	vshrl.u32 v8, $0x8;
	v40 =	vshrl.u32 v8, $0x18  }
0x11a: {  	v8 =	vshrl.u32 v8, $0x10;
	v10 =	vand.u32 $0xFF, v39;
	v41 =	vadd.s32 v38, v40  }
0x11b: {  	v8 =	vand.u32 $0xFF, v8;
	v12 =	vadd.s32 v10, v41  }
0x11c: {  	v12 =	vadd.s32 v8, v12  }
0x11d: {  	(xrf0) =	vadd.scan.msk.s32 $0xffff, v12;
	_ =	sdelay $0x1  }
0x11e: {  	s9 =	spop (v2sf)  }
0x11f: {  	s6 =	sadd.s32 s6, s9  }
0x120: {  	s9 =	sadd.s32 s6, s30  }
0x121: {  	v42 =	vadd.s32 s9, v38  }
0x122: {  	v12 =	vsub.s32 v42, v12;
	v43, _, _ =	vpop (xrf0)  }
0x123: {  	v12 =	vadd.s32 v43, v12  }
0x124: {  	vm3 =	vne.s32 v38, $0x0;
	vm2 =	vgt.s32 v12, $0x0  }
0x125: {  	v44 =	vnsel vm2, $0x0, v12;
	_ =	sdelay $0x3  }
0x126: {  	s9 =	sadd.s32 $0x80, s0;
	v12 =	vadd.s32 v10, v12  }
0x127: {  	v45 =	vor.u32 s9, v1;
	vm12 =	vne.s32 v10, $0x0;
	vm2 =	vgt.s32 v12, $0x0;
	v9 =	vld.idx.msk [tilespmem:v44+s23+$0x0], vm3  }
0x128: {  	v46 =	vnsel vm2, $0x0, v12;
	_ =	sdelay $0x3  }
0x129: {  	v47 =	vadd.s32 v8, v12;
	[tilespmem:v45+s21+$0x0] =	vst.idx.msk vm3, v9  }
0x12a: {  	v48 =	vor.u32 s9, v2;
	vm2 =	vgt.s32 v47, $0x0;
	vm3 =	vne.s32 v8, $0x0;
	v10 =	vld.idx.msk [tilespmem:v46+s23+$0x0], vm12  }
0x12b: {  	v8 =	vnsel vm2, $0x0, v47;
	_ =	sdelay $0x3  }
0x12c: {  	v9 =	vadd.s32 v40, v47;
	[tilespmem:v48+s21+$0x0] =	vst.idx.msk vm12, v10  }
0x12d: {  	vm13 =	vne.s32 v40, $0x0;
	v49 =	vor.u32 s9, v3;
	vm2 =	vgt.s32 v9, $0x0;
	v8 =	vld.idx.msk [tilespmem:v8+s23+$0x0], vm3  }
0x12e: {  	v9 =	vnsel vm2, $0x0, v9;
	_ =	sdelay $0x3  }
0x12f: {  	[tilespmem:v49+s21+$0x0] =	vst.idx.msk vm3, v8  }
0x130: {  	v50 =	vor.u32 s9, v4;
	v8 =	vld.idx.msk [tilespmem:v9+s23+$0x0], vm13;
	_ =	sdelay $0x1  }
0x131: {  	(v2sf) =	vpush v43, $0xF;
	_ =	sdelay $0x2  }
0x132: {  	[tilespmem:v50+s21+$0x0] =	vst.idx.msk vm13, v8  }
0x133: {  	v8 =	vld [tilespmem:s15+$0x1030];
	_ =	sdelay $0x4  }
0x134: {  	v51 =	vand.u32 $0xFF, v8;
	v52 =	vshrl.u32 v8, $0x8;
	v53 =	vshrl.u32 v8, $0x18  }
0x135: {  	v8 =	vshrl.u32 v8, $0x10;
	v10 =	vand.u32 $0xFF, v52;
	v54 =	vadd.s32 v51, v53  }
0x136: {  	v8 =	vand.u32 $0xFF, v8;
	v12 =	vadd.s32 v10, v54  }
0x137: {  	v12 =	vadd.s32 v8, v12  }
0x138: {  	(xrf0) =	vadd.scan.msk.s32 $0xffff, v12;
	_ =	sdelay $0x1  }
0x139: {  	s15 =	spop (v2sf)  }
0x13a: {  	s6 =	sadd.s32 s6, s15  }
0x13b: {  	s9 =	sadd.s32 s6, s30  }
0x13c: {  	v55 =	vadd.s32 s9, v51  }
0x13d: {  	v12 =	vsub.s32 v55, v12;
	v56, _, _ =	vpop (xrf0)  }
0x13e: {  	v12 =	vadd.s32 v56, v12  }
0x13f: {  	vm3 =	vne.s32 v51, $0x0;
	vm2 =	vgt.s32 v12, $0x0  }
0x140: {  	v57 =	vnsel vm2, $0x0, v12;
	_ =	sdelay $0x3  }
0x141: {  	s15 =	sadd.s32 $0xC0, s0;
	v12 =	vadd.s32 v10, v12  }
0x142: {  	v58 =	vor.u32 s15, v1;
	vm14 =	vne.s32 v10, $0x0;
	vm2 =	vgt.s32 v12, $0x0;
	v9 =	vld.idx.msk [tilespmem:v57+s23+$0x0], vm3  }
0x143: {  	v59 =	vnsel vm2, $0x0, v12;
	_ =	sdelay $0x3  }
0x144: {  	v60 =	vadd.s32 v8, v12;
	[tilespmem:v58+s21+$0x0] =	vst.idx.msk vm3, v9  }
0x145: {  	v61 =	vor.u32 s15, v5;
	vm2 =	vgt.s32 v60, $0x0;
	vm3 =	vne.s32 v8, $0x0;
	v10 =	vld.idx.msk [tilespmem:v59+s23+$0x0], vm14  }
0x146: {  	(v2sf) =	vpush v56, $0xF;
	v8 =	vnsel vm2, $0x0, v60;
	_ =	sdelay $0x3  }
0x147: {  	v9 =	vadd.s32 v53, v60;
	[tilespmem:v61+s21+$0x0] =	vst.idx.msk vm14, v10  }
0x148: {  	v62 =	vor.u32 s15, v6;
	vm15 =	vne.s32 v53, $0x0;
	vm2 =	vgt.s32 v9, $0x0;
	v8 =	vld.idx.msk [tilespmem:v8+s23+$0x0], vm3  }
0x149: {  	v9 =	vnsel vm2, $0x0, v9;
	_ =	sdelay $0x3  }
0x14a: {  	s3 =	sadd.s32 $0x4, s3;
	[tilespmem:v62+s21+$0x0] =	vst.idx.msk vm3, v8  }
0x14b: {  	p0 =	slt.u32 s3, $0xFC;
	v63 =	vor.u32 s15, v7;
	v8 =	vld.idx.msk [tilespmem:v9+s23+$0x0], vm15  }
.Ltmp2:
0x14c: {  	_ = 	snop;
	(pc) =	sbr.rel @p0 .LBB2_7-.Ltmp2, $3  }
0x14d: {  	_ =	sdelay $0x1  }
0x14e: {  	s15 =	spop (v2sf)  }
0x14f: {  	s0 =	sadd.s32 $0x100, s0;
	s6 =	sadd.s32 s6, s15;
	[tilespmem:v63+s21+$0x0] =	vst.idx.msk vm15, v8  }
0x150: {  	s0 =	sadd.s32 s31, s7;
	s3 =	sshll.u32 s29, $0x1  }
0x151: {  	s0 =	sadd.s32 $0x800, s0;
	s6 =	smin.u32 s3, $0x1D  }
0x152: {  	[hbm4b:s0+s2] =	stream.linear.scatter [tilespmem:s21], [sflag:$0x4], $0x4000, $0x38;
	[tilespmem:$0x12900] =	vst v63  }
0x153: {  	s0 =	sadd.s32 $0x2, s6  }
0x154: {  	s6 =	sshll.u32 s0, $0xE  }
0x155: {  	_ =	swait.ge [sflag:s25], $0x4000;
	s6 =	sadd.s32 s8, s6  }
0x156: {  	[sflag:s25] =	ssyncset.done $0x0;
	s9 =	sshrl.u32 s6, $0x5  }
0x157: {  	[sflag:s25] =	ssyncadd.s32 $0xFFFFC000;
	s6 =	sshrl.u32 s6, $0x3;
	s9 =	sadd.s32 s1, s9  }
0x158: {  	[tilespmem:s2], [sflag:$0x1] =	stream.linear.gather [hbm4b:s9+s2], $0x1000, $0x38;
	[tilespmem:$0x12900] =	vst v63  }
0x159: {  	s6 =	sadd.s32 s4, s6;
	s9 =	sadd.s32 s11, s0  }
0x15a: {  	[tilespmem:s17], [sflag:$0x1] =	stream.linear.gather [hbm4b:s6+s2], $0x4000, $0x38;
	[tilespmem:$0x12900] =	vst v63  }
0x15b: {  	s6 =	sand.u32 $0x7F0, s9  }
0x15c: {  	v8 =	vld [tilespmem:s6+$0x12500];
	_ =	sdelay $0x1  }
0x15d: {  	s0 =	sand.u32 $0xF, s0  }
0x15e: {  	v9 =	vmov s0  }
0x15f: {  	vm2 =	veq.s32 v9, v0  }
0x160: {  	v8 =	vnsel vm2, $0x0, v8  }
0x161: {  	(xrf0) =	vadd.scan.msk.s32 $0xffff, v8;
	_ =	sdelay $0x5  }
0x162: {  	v8, _, _ =	vpop (xrf0)  }
0x163: {  	(v2sf) =	vpush v8, $0xF;
	_ =	sdelay $0xe  }
0x164: {  	s0 =	spop (v2sf)  }
0x165: {  	s15 =	sand.u32 $0x7, s0  }
0x166: {  	s31 =	sshra.s32 s0, $0x1F;
	p0 =	slt.s32 s0, $0x1;
	p1 =	sne.s32 s15, $0x0  }
0x167: {  	s15 =	sshrl.u32 s31, $0x1D;
	p0 =	por !p0, !p1  }
0x168: {  	s9 =	simm.s32 $0x1;
	s6 =	sadd.s32 s15, s0;
	p0 =	por !p0, !p0  }
0x169: {  	s6 =	sshrl.u32 s6, $0x3;
	s9 =	simm.s32 @!p0 $0x0  }
0x16a: {  	s6 =	ssub.s32 s6, s9  }
0x16b: {  	s6 =	sshll.u32 s6, $0x3  }
0x16c: {  	p0 =	sgt.s32 s6, $0x0  }
0x16d: {  	s6 =	simm.s32 @!p0 $0x0  }
0x16e: {  	s3 =	smin.u32 s3, $0x1C;
	s6 =	smin.u32 s6, $0xFFBFF8  }
0x16f: {  	s3 =	sadd.s32 $0x3, s3;
	s31 =	sshrl.u32 s6, $0x3  }
0x170: {  	s15 =	sshll.u32 s3, $0xE;
	s9 =	sadd.s32 s5, s31  }
0x171: {  	[tilespmem:s19], [sflag:$0x1] =	stream.linear.gather [hbm4b:s9+s2], $0x4008, $0x38;
	[tilespmem:$0x12900] =	vst v63  }
0x172: {  	s9 =	sadd.s32 s8, s15;
	_ =	swait.ge [sflag:s26], $0x4000  }
0x173: {  	s15 =	sshrl.u32 s9, $0x5;
	[sflag:s26] =	ssyncset.done $0x0  }
0x174: {  	s9 =	sshrl.u32 s9, $0x3;
	s15 =	sadd.s32 s1, s15;
	[sflag:s26] =	ssyncadd.s32 $0xFFFFC000  }
0x175: {  	[tilespmem:s20], [sflag:$0x2] =	stream.linear.gather [hbm4b:s15+s2], $0x1000, $0x38;
	[tilespmem:$0x12900] =	vst v63  }
0x176: {  	s31 =	sadd.s32 s11, s3;
	s9 =	sadd.s32 s4, s9  }
0x177: {  	[tilespmem:s21], [sflag:$0x2] =	stream.linear.gather [hbm4b:s9+s2], $0x4000, $0x38;
	[tilespmem:$0x12900] =	vst v63  }
0x178: {  	s9 =	sand.u32 $0x7F0, s31  }
0x179: {  	v8 =	vld [tilespmem:s9+$0x12500];
	_ =	sdelay $0x1  }
0x17a: {  	s3 =	sand.u32 $0xF, s3  }
0x17b: {  	v63 =	vmov s3  }
0x17c: {  	vm2 =	veq.s32 v63, v0  }
0x17d: {  	v8 =	vnsel vm2, $0x0, v8  }
0x17e: {  	(xrf0) =	vadd.scan.msk.s32 $0xffff, v8;
	_ =	sdelay $0x5  }
0x17f: {  	v8, _, _ =	vpop (xrf0)  }
0x180: {  	(v2sf) =	vpush v8, $0xF;
	_ =	sdelay $0xe  }
0x181: {  	s3 =	spop (v2sf)  }
0x182: {  	s15 =	sand.u32 $0x7, s3  }
0x183: {  	s31 =	sshra.s32 s3, $0x1F;
	p5 =	slt.s32 s3, $0x1;
	p6 =	sne.s32 s15, $0x0  }
0x184: {  	s15 =	sshrl.u32 s31, $0x1D;
	p0 =	por !p5, !p6  }
0x185: {  	s9 =	sadd.s32 s15, s3;
	s15 =	simm.s32 $0x1;
	p0 =	por !p0, !p0  }
0x186: {  	s9 =	sshrl.u32 s9, $0x3;
	s15 =	simm.s32 @!p0 $0x0  }
0x187: {  	s9 =	ssub.s32 s9, s15  }
0x188: {  	s9 =	sshll.u32 s9, $0x3  }
0x189: {  	s29 =	sadd.s32 $0x1, s29;
	p0 =	sgt.s32 s9, $0x0  }
0x18a: {  	s9 =	simm.s32 @!p0 $0x0;
	p0 =	sne.s32 s29, $0x10  }
.Ltmp3:
0x18b: {  	_ = 	snop;
	(pc) =	sbr.rel @p0 .LBB2_4-.Ltmp3, $4  }
0x18c: {  	s9 =	smin.u32 s9, $0xFFBFF8  }
0x18d: {  	s31 =	sshrl.u32 s9, $0x3  }
0x18e: {  	s0 =	ssub.s32 s0, s6;
	s30 =	ssub.s32 s3, s9;
	s15 =	sadd.s32 s5, s31  }
0x18f: {  	[tilespmem:s23], [sflag:$0x2] =	stream.linear.gather [hbm4b:s15+s2], $0x4008, $0x38;
	[tilespmem:$0x12900] =	vst v63  }
0x190: {  	_ =	swait.ge [sflag:s18], $0x1000  }
0x191: {  	[sflag:s18] =	ssyncset.done $0x0  }
0x192: {  	[sflag:s18] =	ssyncadd.s32 $0xFFFFF000  }
0x193: {  	_ =	swait.ge [sflag:s18], $0x4000  }
0x194: {  	[sflag:s18] =	ssyncset.done $0x0  }
0x195: {  	[sflag:s18] =	ssyncadd.s32 $0xFFFFC000  }
0x196: {  	_ =	swait.ge [sflag:s18], $0x4008  }
0x197: {  	[sflag:s18] =	ssyncset.done $0x0  }
0x198: {  	[sflag:s18] =	ssyncadd.s32 $0xFFFFBFF8  }
0x199: {  	_ =	swait.ge [sflag:s24], $0x1000  }
0x19a: {  	[sflag:s24] =	ssyncset.done $0x0  }
0x19b: {  	s28 =	sadd.s32 $0x1, s28;
	[sflag:s24] =	ssyncadd.s32 $0xFFFFF000  }
0x19c: {  	p0 =	sne.s32 s28, s14;
	_ =	swait.ge [sflag:s24], $0x4000  }
.Ltmp4:
0x19d: {  	[sflag:s24] =	ssyncset.done $0x0;
	(pc) =	sbr.rel @p0 .LBB2_1-.Ltmp4, $4  }
0x19e: {  	[sflag:s24] =	ssyncadd.s32 $0xFFFFC000  }
0x19f: {  	_ =	swait.ge [sflag:s24], $0x4008  }
0x1a0: {  	[sflag:s24] =	ssyncset.done $0x0  }
0x1a1: {  	[sflag:s24] =	ssyncadd.s32 $0xFFFFBFF8  }
0x1a2: {  	_ =	sfence.sel $0x180000  }
0x1a3: {  	[bflag:$0x0] =	sbarrier.arrive $0xFFFF  }
0x1a4: {  	_ =	strace $0x90000053  }
0x1a5: {  	s0 =	stileid.u32;
	[bflag:$0x2] =	sbarrier.arrive $0xFFFF  }
0x1a6: {  	p0 =	sne.s32 s0, $0x0;
	s0 =	rddreg [dreg:$0x2]  }
0x1a7: {  	s0 =	sadd.s32 @!p0 $0x100000, s0  }
0x1a8: {  	[sflag:s0] =	ssyncadd.tile.s32 @!p0 $0x1;
	_ =	shalt  }
.Lfunc_end2:
_tile_overlayer_lowered:
.L_overlay_start_2:
0x1a9: {  	(tag) =	ssettag $0x2  }
0x1aa: {  	s0 =	rddreg [dreg:$0x0];
	s2 =	stileid.u32  }
0x1ab: {  	s1 =	rddreg [dreg:$0x1];
	p0 =	sne.s32 s2, $0x0  }
0x1ac: {  	s3 =	rddreg [dreg:$0x2];
	[bflag:$0x3] =	sbarrier.arrive $0xFFFF;
	s2 =	simm.s32 @!p0 $0x1C05  }
0x1ad: {  	[timem:s3], [sflag:s2] =	dma.local @!p0 [hbm:s0], s1  }
0x1ae: {  	s0 =	simm.s32 @!p0 $0x5  }
0x1af: {  	_ =	swait.ge @!p0 [sflag:s0], s1  }
0x1b0: {  	s1 =	ssub.s32 @!p0 $0x0, s1;
	[sflag:s0] =	ssyncset.done @!p0 $0x0  }
0x1b1: {  	[sflag:s0] =	ssyncadd.s32 @!p0 s1  }
0x1b2: {  	[bflag:$0x3] =	sbarrier.arrive $0xFFFF  }
0x1b3: {  	_ =	shalt  }

// kernel: sparse-core-data-format-call.1.cloned.1.call-start
scs
called_computation.1_lowered:
.L_overlay_start_0:
0x0: {  	s2 =	sld [smem:$0x3FD9]  }
0x1: {  	s3 =	sld [smem:$0x3FFE];
	_ =	sdelay $0x1  }
0x2: {  	s1 =	srdreg.scid  }
0x3: {  	s0 =	sand.u32 $0x1, s1  }
0x4: {  	s18 =	sshll.u32 s0, $0xA;
	s2 =	sadd.s32 s3, s2  }
0x5: {  	s2 =	sadd.s32 s2, s18  }
0x6: {  	[smem:$0x3FC5] =	sst s2  }
0x7: {  	_ = 	snop  }
0x8: {  	s19 =	sld [smem:$0x3FC9];
	(tm) =	ssettm $0x1  }
0x9: {  	s20 =	sld [smem:$0x3FFB];
	_ =	sdelay $0x3  }
0xa: {  	_ =	strace s20  }
0xb: {  	s2 =	sld [smem:$0x3FFC];
	_ =	sdelay $0x3  }
0xc: {  	_ =	strace s2  }
0xd: {  	s2 =	sld [smem:$0x3FFD];
	_ =	sdelay $0x3  }
0xe: {  	_ =	strace s2  }
0xf: {  	_ =	strace $0x8FFFFFFF  }
0x10: {  	s21 =	sld [smem:$0x3FDB];
	_ =	sdelay $0x1  }
0x11: {  	s4 =	simm.s32 $_scs_section_size  }
0x12: {  	s5 =	simm.s32 $_size__tile_overlayer_lowered;
	s6 =	simm.s32 $_tile_overlayer_lowered  }
0x13: {  	s7 =	simm.s32 $0x1BFF;
	s22 =	sshll.u32 s6, $0x1;
	s4 =	sadd.s32 s4, s21  }
0x14: {  	s23 =	simm.s32 $0x0;
	s5 =	sshll.u32 s5, $0x1;
	s6 =	sadd.s32 s22, s4  }
0x15: {  	[timem:s23], [sflag:s7] =	dma.local [hbm:s6], s5  }
0x16: {  	_ =	swait.ge [sflag:s7], s5  }
0x17: {  	s5 =	ssub.s32 $0x0, s5;
	[sflag:s7] =	ssyncset.done $0x0  }
0x18: {  	[sflag:s7] =	ssyncadd.s32 s5;
	_ =	sdelay $0x1  }
0x19: {  	s24 =	simm.s32 $0x1B8B  }
0x1a: {  	_ =	swait.ge [sflag:s24], $0x1  }
0x1b: {  	[sflag:s24] =	ssyncset.done $0x0  }
0x1c: {  	[sflag:s24] =	ssyncadd.s32 $0xFFFFFFFF  }
0x1d: {  	s5 =	sld [smem:$0x0]  }
0x1e: {  	s6 =	sand.u32 $0xFFFFFFFE, s1  }
0x1f: {  	p0 =	sne.s32 s1, s6  }
0x20: {  	s6 =	sshll.u32 @p0 s6, $0xE  }
0x21: {  	s6 =	sadd.s32 @p0 $0x11B8D, s6;
	s7 =	sshll.u32 @p0 s5, $0x11  }
0x22: {  	s6 =	sor.u32 @p0 s7, s6  }
0x23: {  	[sflag:s6] =	ssyncadd.remote.s32 @p0 $0x1;
	_ =	sdelay $0x1  }
0x24: {  	s6 =	simm.s32 @p0 $0x1B8D  }
0x25: {  	_ =	swait.eq @p0 [sflag:s6], $0x1  }
0x26: {  	[sflag:s6] =	ssyncadd.s32 @p0 $0xFFFFFFFF  }
0x27: {  	s7 =	sshll.u32 @!p0 s1, $0xE  }
0x28: {  	s7 =	sor.u32 @!p0 $0x4000, s7;
	s6 =	simm.s32 @!p0 $0x1B8D  }
0x29: {  	s5 =	sshll.u32 @!p0 s5, $0x11;
	s7 =	sadd.s32 @!p0 $0x11B8D, s7;
	_ =	swait.eq @!p0 [sflag:s6], $0x1  }
0x2a: {  	s5 =	sor.u32 @!p0 s5, s7;
	[sflag:s6] =	ssyncadd.s32 @!p0 $0xFFFFFFFF  }
0x2b: {  	s26 =	simm.s32 $0x1B8E;
	s25 =	sld [smem:$0x3FFE];
	[sflag:s5] =	ssyncadd.remote.s32 @!p0 $0x1  }
0x2c: {  	s27 =	simm.s32 $execute0_lowered;
	[smem:$0x3FD2] =	sst s26  }
0x2d: {  	s6 =	sshll.u32 s27, $0x1;
	_ =	strace $0x80000049;
	[dreg:$0x1] =	wrdreg $0xFFFFFFFF  }
0x2e: {  	s28 =	simm.s32 $_size_execute0_lowered;
	s4 =	sadd.s32 s4, s6;
	[dreg:$0x0] =	wrdreg $0x0  }
0x2f: {  	s6 =	sshll.u32 s28, $0x1;
	[dreg:$0x2] =	wrdreg s4  }
0x30: {  	[dreg:$0x3] =	wrdreg s6  }
0x31: {  	[dreg:$0x4] =	wrdreg $0xC0  }
0x32: {  	_ =	task [dreg:s23], $0x5FFFF  }
0x33: {  	[dreg:$0x1] =	wrdreg $0xFFFFFFFF  }
0x34: {  	[dreg:$0x0] =	wrdreg $0x60  }
0x35: {  	[dreg:$0x2] =	wrdreg s19  }
0x36: {  	[dreg:$0x3] =	wrdreg s25  }
0x37: {  	[dreg:$0x4] =	wrdreg $0xA  }
0x38: {  	_ =	task.clear_ibuf [dreg:s23], $0x5FFFF;
	_ =	strace $0x90000049  }
0x39: {  	s29 =	simm.s32 $0xA;
	_ =	strace $0x8000004B  }
0x3a: {  	_ =	swait.ge [sflag:s29], $0x1  }
0x3b: {  	[sflag:s29] =	ssyncadd.s32 $0xFFFFFFFF  }
0x3c: {  	_ =	strace $0x9000004B  }
0x3d: {  	_ =	sfence  }
0x3e: {  	s30 =	sld [smem:$0x0];
	_ =	sdelay $0x2  }
0x3f: {  	s31 =	sshll.u32 s1, $0xD;
	s1 =	sshrl.u32 s1, $0x2  }
0x40: {  	s4 =	sand.u32 $0x4000, s31;
	s1 =	sadd.s32 s1, s30  }
0x41: {  	s0 =	sor.u32 s4, s0;
	s1 =	sshll.u32 s1, $0x11  }
0x42: {  	s0 =	sor.u32 s1, s0  }
0x43: {  	s0 =	sadd.s32 $0x8F2B, s0  }
0x44: {  	[sflag:s0] =	ssyncadd.remote.s32 $0x1  }
0x45: {  	_ =	sfence.sel $0xFFFF  }
0x46: {  	[dreg:$0x0] =	wrdreg $0xFFFFFFFF;
	(pc) =	sbr.abs _section_cstart, $3  }
0x47: {  	[dreg:$0x1] =	wrdreg $0xFFFFFFFF  }
0x48: {  	_ =	task.clear_ibuf [dreg:s23], $0x2FFFF;
	_ =	strace $0x9FFFFFFF  }
0x49: {  	(tm) =	ssettm $0x7FFFFFFF  }
tec
execute0_lowered:
.L_overlay_start_1:
0x0: {  	(tag) =	ssettag $0x1  }
0x1: {  	s0 =	srdreg.scid  }
0x2: {  	s1 =	sshll.u32 s0, $0x4  }
0x3: {  	s2 =	rddreg [dreg:$0x0];
	s0 =	stileid.u32;
	s1 =	sand.u32 $0x10, s1  }
0x4: {  	s4 =	rddreg [dreg:$0x1];
	s7 =	simm.s32 $0x1;
	s1 =	sor.u32 s0, s1  }
0x5: {  	s8 =	simm.s32 $0x2;
	s9 =	simm.s32 $0x0;
	s3 =	sshll.u32 s1, $0x1  }
0x6: {  	s12 =	simm.s32 $0x0;
	s11 =	simm.s32 $0x0;
	s6 =	ssub.s32 $0x800, s3  }
.Ltmp0:
0x7: {  	s4 =	sadd.s32 $0x201000, s4;
	s5 =	sand.u32 $0x3E, s6;
	(pc) =	sbr.rel .LBB1_1-.Ltmp0, $4  }
0x8: {  	s1 =	rddreg [dreg:$0x2];
	_ =	strace $0x8000004A;
	p0 =	sne.s32 s5, $0x0  }
0x9: {  	s6 =	sshrl.u32 s6, $0x6;
	s5 =	simm.s32 $0x1;
	s7 =	simm.s32 @!p0 $0x0  }
0xa: {  	s10 =	smov.u32 s3;
	[sflag:s5] =	ssyncpa.u1 $0x0;
	s6 =	sadd.s32 s7, s6  }
0xb: {  	[sflag:s8] =	ssyncpa.u1 $0x0;
	s8 =	simm.s32 $0x0;
	s7 =	sadd.s32 $0x1, s6  }
.LBB1_9:
0xc: {  	s14 =	sadd.s32 $0x40, s10  }
0xd: {  	p1 =	sgt.s32 s14, $0x7FF  }
0xe: {  	s14 =	smov.u32 @p1 s3;
	p1 =	sne.s32 s11, s7  }
.Ltmp1:
0xf: {  	p0 =	slt.u32 s11, $0x2;
	(pc) =	sbr.rel @!p1 .LBB1_10-.Ltmp1, $4  }
0x10: {  	s13 =	simm.s32 @!p0 $0x2  }
0x11: {  	s15 =	sadd.s32 $0x1, s11;
	_ =	swait.ge @!p0 [sflag:s13], $0x4000  }
0x12: {  	s12 =	smov.u32 s10;
	s9 =	sadd.s32 $0x4000, s9;
	[sflag:s13] =	ssyncset.done @!p0 $0x0  }
0x13: {  	s11 =	smov.u32 s15;
	s10 =	smov.u32 s14;
	[sflag:s13] =	ssyncadd.s32 @!p0 $0xFFFFC000  }
.LBB1_1:
0x14: {  	p0 =	sge.u32 s11, s6  }
0x15: {  	s13 =	sxor.u32 @!p0 $0xFFFFFFFF, s11  }
0x16: {  	s31 =	sadd.s32 $0xFFFFFFFF, s11;
	s14 =	sshll.u32 @!p0 s10, $0xA;
	s13 =	sshll.u32 @!p0 s13, $0xE  }
0x17: {  	s15 =	simm.s32 @!p0 $0x0;
	s14 =	sadd.s32 @!p0 s2, s14;
	s13 =	sand.u32 @!p0 $0x4000, s13  }
0x18: {  	[tilespmem:s13], [sflag:$0x1] =	stream.linear.gather @!p0 [hbm4b:s14+s15], $0x4000, $0x38;
	[tilespmem:$0x10000] =	vst v63  }
0x19: {  	p0 =	sge.u32 s31, s6  }
.Ltmp2:
0x1a: {  	_ = 	snop;
	(pc) =	sbr.rel @p0 .LBB1_9-.Ltmp2, $1  }
0x1b: {  	_ =	sdelay $0x3  }
0x1c: {  	s13 =	sshll.u32 s9, $0x2  }
0x1d: {  	_ =	swait.ge [sflag:s5], $0x4000;
	s14 =	sshll.u32 s11, $0xE;
	s16 =	simm.s32 $0x0  }
0x1e: {  	p1 =	por $0x1, $0x1;
	s13 =	sand.u32 $0x10000, s13;
	[sflag:s5] =	ssyncset.done $0x0  }
0x1f: {  	s14 =	sand.u32 $0x4000, s14;
	s15 =	sshrl.u32 s13, $0x2;
	[sflag:s5] =	ssyncadd.s32 $0xFFFFC000  }
0x20: {  	s13 =	sor.u32 $0x8000, s14;
	s14 =	sadd.s32 $0x8040, s15;
	s15 =	sadd.s32 $0x40, s15  }
.LBB1_3:
0x21: {  	s16 =	sshll.u32 s16, $0x2  }
0x22: {  	p0 =	por p1, p1;
	s17 =	sshra.s32 s16, $0x2  }
0x23: {  	s18 =	simm.s32 $0x0;
	s16 =	sadd.s32 s17, s14;
	s17 =	sadd.s32 s17, s15  }
.LBB1_4:
0x24: {  	v0 =	vmov s17;
	_ =	sdelay $0x3  }
0x25: {  	s20 =	simm.s32 $0x0  }
0x26: {  	v6 =	vld.idx.msk [tilespmem:v0+s20+$0x30 ss:$0x1], $0xffff  }
0x27: {  	v7 =	vld.idx.msk [tilespmem:v0+s20+$0xFFFFFFC0 ss:$0x1], $0xffff  }
0x28: {  	v5 =	vld.idx.msk [tilespmem:v0+s20+$0xFFFFFFD0 ss:$0x1], $0xffff  }
0x29: {  	v4 =	vld.idx.msk [tilespmem:v0+s20+$0xFFFFFFE0 ss:$0x1], $0xffff  }
0x2a: {  	v3 =	vld.idx.msk [tilespmem:v0+s20+$0xFFFFFFF0 ss:$0x1], $0xffff  }
0x2b: {  	v1 =	vld.idx.msk [tilespmem:v0+s20+$0x0 ss:$0x1], $0xffff  }
0x2c: {  	v2 =	vld.idx.msk [tilespmem:v0+s20+$0x10 ss:$0x1], $0xffff;
	[tilespmem:s16+$0x30] =	vst v6  }
0x2d: {  	s19 =	simm.s32 $0x80;
	s21 =	simm.s32 $0x400;
	[tilespmem:s16+$0xFFFFFFC0] =	vst v7;
	v6 =	vld.idx.msk [tilespmem:v0+s20+$0x20 ss:$0x1], $0xffff;
	s20 =	smov.u32 s16  }
.LBB1_5:
0x2e: {  	p1 =	sne.s32 s21, $0xE00;
	v7 =	vld.idx.msk [tilespmem:v0+s19+$0x30 ss:$0x1], $0xffff;
	[tilespmem:s20+$0xFFFFFFD0] =	vst v5  }
0x2f: {  	v8 =	vld.idx.msk [tilespmem:v0+s19+$0xFFFFFFC0 ss:$0x1], $0xffff;
	[tilespmem:s20+$0xFFFFFFE0] =	vst v4  }
0x30: {  	v5 =	vld.idx.msk [tilespmem:v0+s19+$0xFFFFFFD0 ss:$0x1], $0xffff;
	[tilespmem:s20+$0xFFFFFFF0] =	vst v3  }
.Ltmp3:
0x31: {  	v4 =	vld.idx.msk [tilespmem:v0+s19+$0xFFFFFFE0 ss:$0x1], $0xffff;
	[tilespmem:s20+$0x0] =	vst v1;
	(pc) =	sbr.rel @p1 .LBB1_5-.Ltmp3, $4  }
0x32: {  	v3 =	vld.idx.msk [tilespmem:v0+s19+$0xFFFFFFF0 ss:$0x1], $0xffff;
	[tilespmem:s20+$0x10] =	vst v2  }
0x33: {  	v1 =	vld.idx.msk [tilespmem:v0+s19+$0x0 ss:$0x1], $0xffff;
	[tilespmem:s20+$0x20] =	vst v6;
	s20 =	sadd.s32 $0x400, s20  }
0x34: {  	v2 =	vld.idx.msk [tilespmem:v0+s19+$0x10 ss:$0x1], $0xffff;
	[tilespmem:s20+$0x30] =	vst v7  }
0x35: {  	[tilespmem:s20+$0xFFFFFFC0] =	vst v8;
	v6 =	vld.idx.msk [tilespmem:v0+s19+$0x20 ss:$0x1], $0xffff;
	s19 =	sshra.s32 s21, $0x2;
	s21 =	sadd.s32 $0x200, s21  }
0x36: {  	_ =	sdelay $0x2  }
0x37: {  	[tilespmem:s20+$0xFFFFFFD0] =	vst v5  }
0x38: {  	v56 =	vld.idx.msk [tilespmem:v0+s19+$0x30 ss:$0x1], $0xffff;
	[tilespmem:s20+$0xFFFFFFE0] =	vst v4  }
0x39: {  	v57 =	vld.idx.msk [tilespmem:v0+s19+$0xFFFFFFC0 ss:$0x1], $0xffff;
	[tilespmem:s20+$0xFFFFFFF0] =	vst v3  }
0x3a: {  	v58 =	vld.idx.msk [tilespmem:v0+s19+$0xFFFFFFD0 ss:$0x1], $0xffff;
	[tilespmem:s20+$0x0] =	vst v1  }
0x3b: {  	v59 =	vld.idx.msk [tilespmem:v0+s19+$0xFFFFFFE0 ss:$0x1], $0xffff;
	[tilespmem:s20+$0x10] =	vst v2  }
0x3c: {  	v60 =	vld.idx.msk [tilespmem:v0+s19+$0xFFFFFFF0 ss:$0x1], $0xffff;
	s31 =	sadd.s32 $0x400, s20;
	[tilespmem:s20+$0x20] =	vst v6  }
0x3d: {  	v61 =	vld.idx.msk [tilespmem:v0+s19+$0x0 ss:$0x1], $0xffff;
	[tilespmem:s31+$0x30] =	vst v56  }
0x3e: {  	v62 =	vld.idx.msk [tilespmem:v0+s19+$0x10 ss:$0x1], $0xffff;
	s18 =	sadd.s32 $0x1, s18;
	[tilespmem:s31+$0xFFFFFFC0] =	vst v57  }
0x3f: {  	v63 =	vld.idx.msk [tilespmem:v0+s19+$0x20 ss:$0x1], $0xffff;
	p1 =	sne.s32 s18, $0x8;
	[tilespmem:s31+$0xFFFFFFD0] =	vst v58  }
.Ltmp4:
0x40: {  	[tilespmem:s31+$0xFFFFFFE0] =	vst v59;
	(pc) =	sbr.rel @p1 .LBB1_4-.Ltmp4, $4  }
0x41: {  	[tilespmem:s31+$0xFFFFFFF0] =	vst v60  }
0x42: {  	[tilespmem:s31+$0x0] =	vst v61  }
0x43: {  	[tilespmem:s31+$0x10] =	vst v62  }
0x44: {  	s16 =	sadd.s32 $0x80, s16;
	s17 =	sadd.s32 $0x400, s17;
	[tilespmem:s31+$0x20] =	vst v63  }
.Ltmp5:
0x45: {  	(pc) =	sbr.rel @p0 .LBB1_3-.Ltmp5, $2  }
0x46: {  	_ =	sdelay $0x2  }
0x47: {  	s16 =	simm.s32 $0x2000;
	p1 =	por $0x0, $0x0  }
.Ltmp6:
0x48: {  	(pc) =	sbr.rel .LBB1_9-.Ltmp6, $4  }
0x49: {  	_ = 	snop  }
0x4a: {  	s12 =	sshll.u32 s12, $0xA  }
0x4b: {  	s12 =	sadd.s32 s4, s12  }
0x4c: {  	[hbm4b:s12+s8] =	stream.linear.scatter [tilespmem:s13], [sflag:$0x2], $0x4000, $0x38;
	[tilespmem:$0x10000] =	vst v63  }
.LBB1_10:
0x4d: {  	_ =	sfence.sel $0x180000  }
0x4e: {  	s2 =	simm.s32 $0x1;
	[bflag:$0x0] =	sbarrier.arrive $0xFFFF  }
0x4f: {  	s31 =	simm.s32 $0x2;
	[sflag:s2] =	ssyncpa.u1 $0x1  }
0x50: {  	[sflag:s31] =	ssyncpa.u1 $0x1  }
0x51: {  	p0 =	sne.s32 s0, $0x0;
	_ =	strace $0x9000004A  }
0x52: {  	s0 =	sadd.s32 @!p0 $0x100000, s1;
	[bflag:$0x2] =	sbarrier.arrive $0xFFFF  }
0x53: {  	[sflag:s0] =	ssyncadd.tile.s32 @!p0 $0x1;
	_ =	shalt  }
.Lfunc_end1:
_tile_overlayer_lowered:
.L_overlay_start_2:
0x54: {  	(tag) =	ssettag $0x2  }
0x55: {  	s0 =	rddreg [dreg:$0x0];
	s2 =	stileid.u32  }
0x56: {  	s1 =	rddreg [dreg:$0x1];
	p0 =	sne.s32 s2, $0x0  }
0x57: {  	s3 =	rddreg [dreg:$0x2];
	[bflag:$0x3] =	sbarrier.arrive $0xFFFF;
	s2 =	simm.s32 @!p0 $0x1C01  }
0x58: {  	[timem:s3], [sflag:s2] =	dma.local @!p0 [hbm:s0], s1  }
0x59: {  	s0 =	simm.s32 @!p0 $0x1  }
0x5a: {  	_ =	swait.ge @!p0 [sflag:s0], s1  }
0x5b: {  	s1 =	ssub.s32 @!p0 $0x0, s1;
	[sflag:s0] =	ssyncset.done @!p0 $0x0  }
0x5c: {  	[sflag:s0] =	ssyncadd.s32 @!p0 s1  }
0x5d: {  	[bflag:$0x3] =	sbarrier.arrive $0xFFFF  }
0x5e: {  	_ =	shalt  }

// kernel: sparse-core-data-format-call.2.cloned.1.call-start
scs
called_computation.2_lowered:
.L_overlay_start_0:
0x0: {  	s2 =	sld [smem:$0x3FD9]  }
0x1: {  	s3 =	sld [smem:$0x3FFE];
	_ =	sdelay $0x1  }
0x2: {  	s1 =	srdreg.scid  }
0x3: {  	s0 =	sand.u32 $0x1, s1  }
0x4: {  	s18 =	sshll.u32 s0, $0xA;
	s2 =	sadd.s32 s3, s2  }
0x5: {  	s2 =	sadd.s32 s2, s18  }
0x6: {  	[smem:$0x3FC5] =	sst s2  }
0x7: {  	_ = 	snop  }
0x8: {  	s2 =	sld [smem:$0x3FD0];
	(tm) =	ssettm $0x1  }
0x9: {  	s19 =	sld [smem:$0x3FFB];
	_ =	sdelay $0x3  }
0xa: {  	_ =	strace s19  }
0xb: {  	s3 =	sld [smem:$0x3FFC];
	_ =	sdelay $0x3  }
0xc: {  	_ =	strace s3  }
0xd: {  	s3 =	sld [smem:$0x3FFD];
	_ =	sdelay $0x3  }
0xe: {  	_ =	strace s3  }
0xf: {  	_ =	strace $0x8FFFFFFF  }
0x10: {  	s20 =	sld [smem:$0x3FDB];
	_ =	sdelay $0x1  }
0x11: {  	s4 =	simm.s32 $_scs_section_size  }
0x12: {  	s5 =	simm.s32 $_size__tile_overlayer_lowered;
	s6 =	simm.s32 $_tile_overlayer_lowered  }
0x13: {  	s23 =	simm.s32 $0x1BFF;
	s22 =	sshll.u32 s6, $0x1;
	s3 =	sadd.s32 s4, s20  }
0x14: {  	s7 =	simm.s32 $0x0;
	s21 =	sshll.u32 s5, $0x1;
	s5 =	sadd.s32 s22, s3  }
0x15: {  	[timem:s7], [sflag:s23] =	dma.local [hbm:s5], s21  }
0x16: {  	_ =	swait.ge [sflag:s23], s21  }
0x17: {  	s4 =	ssub.s32 $0x0, s21;
	[sflag:s23] =	ssyncset.done $0x0  }
0x18: {  	[sflag:s23] =	ssyncadd.s32 s4;
	_ =	sdelay $0x1  }
0x19: {  	s24 =	simm.s32 $0x1B8B  }
0x1a: {  	_ =	swait.ge [sflag:s24], $0x1  }
0x1b: {  	[sflag:s24] =	ssyncset.done $0x0  }
0x1c: {  	s26 =	simm.s32 $0x1B8E;
	s25 =	sld [smem:$0x3FFE];
	[sflag:s24] =	ssyncadd.s32 $0xFFFFFFFF  }
0x1d: {  	s27 =	simm.s32 $execute0_lowered;
	[smem:$0x3FD2] =	sst s26  }
0x1e: {  	s5 =	sshll.u32 s27, $0x1;
	_ =	strace $0x80000046;
	[dreg:$0x1] =	wrdreg $0xFFFFFFFF  }
0x1f: {  	s28 =	simm.s32 $_size_execute0_lowered;
	s3 =	sadd.s32 s3, s5;
	[dreg:$0x0] =	wrdreg $0x0  }
0x20: {  	s5 =	sshll.u32 s28, $0x1;
	[dreg:$0x2] =	wrdreg s3  }
0x21: {  	[dreg:$0x3] =	wrdreg s5  }
0x22: {  	[dreg:$0x4] =	wrdreg $0xC0  }
0x23: {  	_ =	task [dreg:s7], $0x5FFFF  }
0x24: {  	[dreg:$0x1] =	wrdreg $0xFFFFFFFF  }
0x25: {  	[dreg:$0x0] =	wrdreg $0x60  }
0x26: {  	[dreg:$0x2] =	wrdreg s2  }
0x27: {  	[dreg:$0x3] =	wrdreg s25  }
0x28: {  	[dreg:$0x4] =	wrdreg $0xB  }
0x29: {  	_ =	task.clear_ibuf [dreg:s7], $0x5FFFF;
	_ =	strace $0x90000046  }
0x2a: {  	s29 =	simm.s32 $0xB;
	_ =	strace $0x80000048  }
0x2b: {  	_ =	swait.ge [sflag:s29], $0x1  }
0x2c: {  	[sflag:s29] =	ssyncadd.s32 $0xFFFFFFFF  }
0x2d: {  	_ =	strace $0x90000048  }
0x2e: {  	_ =	sfence  }
0x2f: {  	s30 =	sld [smem:$0x0];
	_ =	sdelay $0x2  }
0x30: {  	s31 =	sshll.u32 s1, $0xD;
	s1 =	sshrl.u32 s1, $0x2  }
0x31: {  	s3 =	sand.u32 $0x4000, s31;
	s1 =	sadd.s32 s1, s30  }
0x32: {  	s0 =	sor.u32 s3, s0;
	s1 =	sshll.u32 s1, $0x11  }
0x33: {  	s0 =	sor.u32 s1, s0  }
0x34: {  	s0 =	sadd.s32 $0x8F2B, s0  }
0x35: {  	[sflag:s0] =	ssyncadd.remote.s32 $0x1  }
0x36: {  	_ =	sfence.sel $0xFFFF  }
0x37: {  	[dreg:$0x0] =	wrdreg $0xFFFFFFFF;
	(pc) =	sbr.abs _section_cstart, $3  }
0x38: {  	[dreg:$0x1] =	wrdreg $0xFFFFFFFF  }
0x39: {  	_ =	task.clear_ibuf [dreg:s7], $0x2FFFF;
	_ =	strace $0x9FFFFFFF  }
0x3a: {  	(tm) =	ssettm $0x7FFFFFFF  }
0x3b: {  	_ =	shalt  }
tec
execute0_lowered:
.L_overlay_start_1:
0x0: {  	(tag) =	ssettag $0x1  }
0x1: {  	s0 =	srdreg.scid  }
0x2: {  	s1 =	sshll.u32 s0, $0x4  }
0x3: {  	s3 =	rddreg [dreg:$0x0];
	s0 =	stileid.u32;
	s1 =	sand.u32 $0x10, s1  }
0x4: {  	s6 =	rddreg [dreg:$0x1];
	s5 =	simm.s32 $0x1;
	s1 =	sor.u32 s0, s1  }
0x5: {  	s31 =	simm.s32 $0x2;
	s13 =	simm.s32 $0x0;
	s2 =	sshll.u32 s1, $0x7  }
0x6: {  	s8 =	simm.s32 $0x20000;
	s12 =	simm.s32 $0x0;
	s4 =	ssub.s32 $0x4000, s2  }
0x7: {  	s9 =	simm.s32 $0x0;
	s11 =	simm.s32 $0x0;
	s30 =	sand.u32 $0xF80, s4  }
.Ltmp0:
0x8: {  	s6 =	sadd.s32 $0x1000, s6;
	p0 =	sne.s32 s30, $0x0;
	(pc) =	sbr.rel .LBB1_1-.Ltmp0, $4  }
0x9: {  	s1 =	rddreg [dreg:$0x2];
	s7 =	sshrl.u32 s4, $0xC;
	s5 =	simm.s32 @!p0 $0x0  }
0xa: {  	_ =	strace $0x80000047;
	s4 =	simm.s32 $0x1;
	s5 =	sadd.s32 s5, s7  }
0xb: {  	s10 =	smov.u32 s2;
	[sflag:s4] =	ssyncpa.u1 $0x0;
	s5 =	sshll.u32 s5, $0x3  }
0xc: {  	[sflag:s31] =	ssyncpa.u1 $0x0;
	p0 =	por $0x0, $0x0;
	s7 =	sor.u32 $0x1, s5  }
.LBB1_4:
0xd: {  	v5 =	vld [tilespmem:s16+$0xFFFFFFD0]  }
0xe: {  	[tilespmem:s17+$0x2040 ss:$0x81] =	vst.msk $0xffff, v1;
	v58 =	vld [tilespmem:s16+$0xFFFFFFE0]  }
0xf: {  	[tilespmem:s17+$0x2850 ss:$0x81] =	vst.msk $0xffff, v2;
	v59 =	vld [tilespmem:s16+$0xFFFFFFF0]  }
0x10: {  	s18 =	sshra.s32 s18, $0x2;
	[tilespmem:s17+$0x3060 ss:$0x81] =	vst.msk $0xffff, v3;
	v60 =	vld [tilespmem:s16+$0x0]  }
0x11: {  	[tilespmem:s17+$0x0 ss:$0x81] =	vst.msk $0xffff, v0;
	v61 =	vld [tilespmem:s16+$0x10];
	s15 =	sadd.s32 s18, s15  }
0x12: {  	s26 =	sshll.u32 s13, $0xE;
	v62 =	vld [tilespmem:s16+$0x20];
	[tilespmem:s15+$0x3870 ss:$0x81] =	vst.msk $0xffff, v4  }
0x13: {  	s27 =	sand.u32 $0x78, s12;
	s19 =	sshll.u32 s12, $0x3;
	v63 =	vld [tilespmem:s16+$0xFFFFFFC0];
	s29 =	sshll.u32 s13, $0x7;
	[tilespmem:s15+$0x810 ss:$0x81] =	vst.msk $0xffff, v5  }
0x14: {  	s17 =	sand.u32 $0xFE0000, s26;
	s28 =	sand.u32 $0xFFFC00, s19;
	s19 =	sand.u32 $0x3C00, s19;
	[tilespmem:s15+$0x1020 ss:$0x81] =	vst.msk $0xffff, v58  }
0x15: {  	s13 =	sand.u32 $0x380, s29;
	s16 =	sadd.s32 s28, s17;
	s30 =	sor.u32 s27, s19;
	[tilespmem:s15+$0x1830 ss:$0x81] =	vst.msk $0xffff, v59  }
0x16: {  	s16 =	sand.u32 $0xFFC000, s16;
	s13 =	sor.u32 s13, s30;
	[tilespmem:s15+$0x2040 ss:$0x81] =	vst.msk $0xffff, v60  }
0x17: {  	s31 =	sand.u32 $0x7, s12;
	s13 =	sor.u32 s16, s13;
	[tilespmem:s15+$0x2850 ss:$0x81] =	vst.msk $0xffff, v61  }
0x18: {  	s12 =	sshll.u32 s31, $0x12;
	[tilespmem:s15+$0x3060 ss:$0x81] =	vst.msk $0xffff, v62;
	s13 =	sshrl.u32 s13, $0x3  }
0x19: {  	s12 =	sor.u32 $0x400, s12;
	[tilespmem:s15+$0x0 ss:$0x81] =	vst.msk $0xffff, v63;
	s13 =	sadd.s32 s6, s13  }
0x1a: {  	[hbm4b:s13+s12] =	stream.strided.scatter [tilespmem:s14], [sflag:$0x2], $0x4000, s8, s12, $0x20;
	[tilespmem:$0x10100] =	vst v63  }
.LBB1_5:
0x1b: {  	s14 =	sadd.s32 $0x80, s9  }
0x1c: {  	s12 =	sadd.s32 $0x1000, s10;
	s16 =	smov.u32 s10;
	p2 =	sgt.s32 s14, $0x3FF  }
0x1d: {  	s16 =	smov.u32 @p2 s12  }
0x1e: {  	s14 =	simm.s32 @p2 $0x0;
	p2 =	sgt.s32 s16, $0x3FFF  }
0x1f: {  	s16 =	smov.u32 @p2 s2;
	p2 =	sne.s32 s11, s7  }
.Ltmp1:
0x20: {  	p1 =	slt.u32 s11, $0x2;
	(pc) =	sbr.rel @!p2 .LBB1_6-.Ltmp1, $4  }
0x21: {  	s15 =	simm.s32 @!p1 $0x2  }
0x22: {  	s13 =	smov.u32 s9;
	p0 =	por !p0, !p0;
	_ =	swait.ge @!p1 [sflag:s15], $0x4000  }
0x23: {  	s12 =	smov.u32 s10;
	[sflag:s15] =	ssyncset.done @!p1 $0x0;
	s9 =	smov.u32 s14  }
0x24: {  	s11 =	sadd.s32 $0x1, s11;
	[sflag:s15] =	ssyncadd.s32 @!p1 $0xFFFFC000;
	s10 =	smov.u32 s16  }
.LBB1_1:
0x25: {  	p1 =	sge.u32 s11, s5  }
0x26: {  	s31 =	sadd.s32 $0xFFFFFFFF, s11;
	s14 =	sshll.u32 @!p1 s10, $0xA  }
0x27: {  	s15 =	sshll.u32 @!p1 s9, $0x3;
	s16 =	sshll.u32 @!p1 s10, $0x7;
	s14 =	sand.u32 @!p1 $0xFFE000, s14  }
0x28: {  	s17 =	sand.u32 @!p1 $0x78, s9;
	s14 =	sadd.s32 @!p1 s14, s15;
	s15 =	sand.u32 @!p1 $0x380, s16  }
0x29: {  	s16 =	sxor.u32 @!p1 $0xFFFFFFFF, s11;
	s14 =	sand.u32 @!p1 $0xFFFC00, s14;
	s15 =	sor.u32 @!p1 s15, s17  }
0x2a: {  	s16 =	sshll.u32 @!p1 s16, $0xE;
	s14 =	sor.u32 @!p1 s14, s15;
	s15 =	sand.u32 @!p1 $0x7, s9  }
0x2b: {  	s17 =	simm.s32 @!p1 $0x2000;
	s14 =	sshrl.u32 @!p1 s14, $0x3;
	s15 =	sshll.u32 @!p1 s15, $0x12  }
0x2c: {  	s16 =	sand.u32 @!p1 $0x4000, s16;
	s14 =	sadd.s32 @!p1 s3, s14;
	s15 =	sor.u32 @!p1 $0x400, s15  }
0x2d: {  	[tilespmem:s16], [sflag:$0x1] =	stream.strided.gather @!p1 [hbm4b:s14+s15], $0x4000, s17, s15, $0x38;
	[tilespmem:$0x10100] =	vst v63  }
0x2e: {  	p1 =	sge.u32 s31, s5  }
.Ltmp2:
0x2f: {  	_ = 	snop;
	(pc) =	sbr.rel @p1 .LBB1_5-.Ltmp2, $1  }
0x30: {  	_ =	sdelay $0x3  }
0x31: {  	s14 =	simm.s32 $0x1  }
0x32: {  	_ =	swait.ge [sflag:s4], $0x4000;
	s14 =	simm.s32 @!p0 $0x0  }
0x33: {  	[sflag:s4] =	ssyncset.done $0x0;
	s15 =	sshll.u32 s14, $0xE  }
0x34: {  	[sflag:s4] =	ssyncadd.s32 $0xFFFFC000;
	s16 =	sor.u32 $0x40, s15  }
0x35: {  	s14 =	smul.u32 $0x10200, s14;
	v0 =	vld [tilespmem:s16+$0x30]  }
0x36: {  	v3 =	vld [tilespmem:s16+$0xFFFFFFD0]  }
0x37: {  	s14 =	sshrl.u32 s14, $0x2;
	v4 =	vld [tilespmem:s16+$0xFFFFFFE0]  }
0x38: {  	v5 =	vld [tilespmem:s16+$0xFFFFFFF0];
	s15 =	sor.u32 $0x8000, s14  }
0x39: {  	s31 =	sand.u32 $0x1, s11;
	v1 =	vld [tilespmem:s16+$0x0];
	s17 =	sadd.s32 $0x0, s15  }
0x3a: {  	v2 =	vld [tilespmem:s16+$0x10];
	s14 =	smul.u32 $0x10200, s31;
	[tilespmem:s17+$0x3870 ss:$0x81] =	vst.msk $0xffff, v0  }
0x3b: {  	[tilespmem:s17+$0x810 ss:$0x81] =	vst.msk $0xffff, v3;
	v3 =	vld [tilespmem:s16+$0x20]  }
0x3c: {  	s14 =	sshrl.u32 s14, $0x2;
	v0 =	vld [tilespmem:s16+$0xFFFFFFC0];
	[tilespmem:s17+$0x1020 ss:$0x81] =	vst.msk $0xffff, v4;
	s16 =	sadd.s32 $0x80, s16  }
0x3d: {  	s18 =	simm.s32 $0x4;
	s19 =	simm.s32 $0x8;
	s14 =	sor.u32 $0x8000, s14;
	[tilespmem:s17+$0x1830 ss:$0x81] =	vst.msk $0xffff, v5;
	v4 =	vld [tilespmem:s16+$0x30]  }
.LBB1_3:
0x3e: {  	p1 =	sne.s32 s19, $0x1FC;
	v5 =	vld [tilespmem:s16+$0xFFFFFFD0];
	[tilespmem:s17+$0x2040 ss:$0x81] =	vst.msk $0xffff, v1  }
0x3f: {  	v6 =	vld [tilespmem:s16+$0xFFFFFFE0];
	[tilespmem:s17+$0x2850 ss:$0x81] =	vst.msk $0xffff, v2  }
0x40: {  	s20 =	sshra.s32 s18, $0x2;
	s18 =	smov.u32 s19;
	v7 =	vld [tilespmem:s16+$0xFFFFFFF0];
	[tilespmem:s17+$0x3060 ss:$0x81] =	vst.msk $0xffff, v3  }
.Ltmp3:
0x41: {  	v1 =	vld [tilespmem:s16+$0x0];
	[tilespmem:s17+$0x0 ss:$0x81] =	vst.msk $0xffff, v0;
	s17 =	sadd.s32 s20, s15;
	(pc) =	sbr.rel @p1 .LBB1_3-.Ltmp3, $4  }
0x42: {  	v2 =	vld [tilespmem:s16+$0x10];
	[tilespmem:s17+$0x3870 ss:$0x81] =	vst.msk $0xffff, v4  }
0x43: {  	[tilespmem:s17+$0x810 ss:$0x81] =	vst.msk $0xffff, v5;
	v3 =	vld [tilespmem:s16+$0x20]  }
0x44: {  	v0 =	vld [tilespmem:s16+$0xFFFFFFC0];
	[tilespmem:s17+$0x1020 ss:$0x81] =	vst.msk $0xffff, v6;
	s16 =	sadd.s32 $0x80, s16  }
0x45: {  	s19 =	sadd.s32 $0x4, s19;
	v4 =	vld [tilespmem:s16+$0x30];
	[tilespmem:s17+$0x1830 ss:$0x81] =	vst.msk $0xffff, v7  }
.Ltmp4:
0x46: {  	_ = 	snop;
	(pc) =	sbr.rel .LBB1_4-.Ltmp4, $1  }
0x47: {  	_ =	sdelay $0x3  }
.LBB1_6:
0x48: {  	_ =	sfence.sel $0x180000  }
0x49: {  	s2 =	simm.s32 $0x1;
	[bflag:$0x0] =	sbarrier.arrive $0xFFFF  }
0x4a: {  	s31 =	simm.s32 $0x2;
	[sflag:s2] =	ssyncpa.u1 $0x1  }
0x4b: {  	[sflag:s31] =	ssyncpa.u1 $0x1  }
0x4c: {  	p0 =	sne.s32 s0, $0x0;
	_ =	strace $0x90000047  }
0x4d: {  	s0 =	sadd.s32 @!p0 $0x100000, s1;
	[bflag:$0x2] =	sbarrier.arrive $0xFFFF  }
0x4e: {  	[sflag:s0] =	ssyncadd.tile.s32 @!p0 $0x1;
	_ =	shalt  }
.Lfunc_end1:
_tile_overlayer_lowered:
.L_overlay_start_2:
0x4f: {  	(tag) =	ssettag $0x2  }
0x50: {  	s0 =	rddreg [dreg:$0x0];
	s2 =	stileid.u32  }
0x51: {  	s1 =	rddreg [dreg:$0x1];
	p0 =	sne.s32 s2, $0x0  }
0x52: {  	s3 =	rddreg [dreg:$0x2];
	[bflag:$0x3] =	sbarrier.arrive $0xFFFF;
	s2 =	simm.s32 @!p0 $0x1C01  }
0x53: {  	[timem:s3], [sflag:s2] =	dma.local @!p0 [hbm:s0], s1  }
0x54: {  	s0 =	simm.s32 @!p0 $0x1  }
0x55: {  	_ =	swait.ge @!p0 [sflag:s0], s1  }
0x56: {  	s1 =	ssub.s32 @!p0 $0x0, s1;
	[sflag:s0] =	ssyncset.done @!p0 $0x0  }
0x57: {  	[sflag:s0] =	ssyncadd.s32 @!p0 s1  }
0x58: {  	[bflag:$0x3] =	sbarrier.arrive $0xFFFF  }
0x59: {  	_ =	shalt  }

// kernel: sparse-core-data-format-call.cloned.1.call-start
scs
called_computation_lowered:
.L_overlay_start_0:
0x0: {  	s2 =	sld [smem:$0x3FD9]  }
0x1: {  	s3 =	sld [smem:$0x3FFE];
	_ =	sdelay $0x1  }
0x2: {  	s1 =	srdreg.scid  }
0x3: {  	s0 =	sand.u32 $0x1, s1  }
0x4: {  	s18 =	sshll.u32 s0, $0xA;
	s2 =	sadd.s32 s3, s2  }
0x5: {  	s2 =	sadd.s32 s2, s18  }
0x6: {  	[smem:$0x3FC5] =	sst s2  }
0x7: {  	_ = 	snop  }
0x8: {  	s19 =	sld [smem:$0x3FC7];
	(tm) =	ssettm $0x1  }
0x9: {  	s20 =	sld [smem:$0x3FFB];
	_ =	sdelay $0x3  }
0xa: {  	_ =	strace s20  }
0xb: {  	s2 =	sld [smem:$0x3FFC];
	_ =	sdelay $0x3  }
0xc: {  	_ =	strace s2  }
0xd: {  	s2 =	sld [smem:$0x3FFD];
	_ =	sdelay $0x3  }
0xe: {  	_ =	strace s2  }
0xf: {  	_ =	strace $0x8FFFFFFF  }
0x10: {  	s21 =	sld [smem:$0x3FDB];
	_ =	sdelay $0x1  }
0x11: {  	s4 =	simm.s32 $_scs_section_size  }
0x12: {  	s5 =	simm.s32 $_size__tile_overlayer_lowered;
	s6 =	simm.s32 $_tile_overlayer_lowered  }
0x13: {  	s7 =	simm.s32 $0x1BFF;
	s22 =	sshll.u32 s6, $0x1;
	s4 =	sadd.s32 s4, s21  }
0x14: {  	s23 =	simm.s32 $0x0;
	s5 =	sshll.u32 s5, $0x1;
	s6 =	sadd.s32 s22, s4  }
0x15: {  	[timem:s23], [sflag:s7] =	dma.local [hbm:s6], s5  }
0x16: {  	_ =	swait.ge [sflag:s7], s5  }
0x17: {  	s5 =	ssub.s32 $0x0, s5;
	[sflag:s7] =	ssyncset.done $0x0  }
0x18: {  	[sflag:s7] =	ssyncadd.s32 s5;
	_ =	sdelay $0x1  }
0x19: {  	s24 =	simm.s32 $0x1B8B  }
0x1a: {  	_ =	swait.ge [sflag:s24], $0x1  }
0x1b: {  	[sflag:s24] =	ssyncset.done $0x0  }
0x1c: {  	[sflag:s24] =	ssyncadd.s32 $0xFFFFFFFF  }
0x1d: {  	s5 =	sld [smem:$0x0]  }
0x1e: {  	s6 =	sand.u32 $0xFFFFFFFE, s1  }
0x1f: {  	p0 =	sne.s32 s1, s6  }
0x20: {  	s6 =	sshll.u32 @p0 s6, $0xE  }
0x21: {  	s6 =	sadd.s32 @p0 $0x11B8D, s6;
	s7 =	sshll.u32 @p0 s5, $0x11  }
0x22: {  	s6 =	sor.u32 @p0 s7, s6  }
0x23: {  	[sflag:s6] =	ssyncadd.remote.s32 @p0 $0x1;
	_ =	sdelay $0x1  }
0x24: {  	s6 =	simm.s32 @p0 $0x1B8D  }
0x25: {  	_ =	swait.eq @p0 [sflag:s6], $0x1  }
0x26: {  	[sflag:s6] =	ssyncadd.s32 @p0 $0xFFFFFFFF  }
0x27: {  	s7 =	sshll.u32 @!p0 s1, $0xE  }
0x28: {  	s7 =	sor.u32 @!p0 $0x4000, s7;
	s6 =	simm.s32 @!p0 $0x1B8D  }
0x29: {  	s5 =	sshll.u32 @!p0 s5, $0x11;
	s7 =	sadd.s32 @!p0 $0x11B8D, s7;
	_ =	swait.eq @!p0 [sflag:s6], $0x1  }
0x2a: {  	s5 =	sor.u32 @!p0 s5, s7;
	[sflag:s6] =	ssyncadd.s32 @!p0 $0xFFFFFFFF  }
0x2b: {  	s26 =	simm.s32 $0x1B8E;
	s25 =	sld [smem:$0x3FFE];
	[sflag:s5] =	ssyncadd.remote.s32 @!p0 $0x1  }
0x2c: {  	s27 =	simm.s32 $execute0_lowered;
	[smem:$0x3FD2] =	sst s26  }
0x2d: {  	s6 =	sshll.u32 s27, $0x1;
	_ =	strace $0x8000004C;
	[dreg:$0x1] =	wrdreg $0xFFFFFFFF  }
0x2e: {  	s28 =	simm.s32 $_size_execute0_lowered;
	s4 =	sadd.s32 s4, s6;
	[dreg:$0x0] =	wrdreg $0x0  }
0x2f: {  	s6 =	sshll.u32 s28, $0x1;
	[dreg:$0x2] =	wrdreg s4  }
0x30: {  	[dreg:$0x3] =	wrdreg s6  }
0x31: {  	[dreg:$0x4] =	wrdreg $0xC0  }
0x32: {  	_ =	task [dreg:s23], $0x5FFFF  }
0x33: {  	[dreg:$0x1] =	wrdreg $0xFFFFFFFF  }
0x34: {  	[dreg:$0x0] =	wrdreg $0x60  }
0x35: {  	[dreg:$0x2] =	wrdreg s19  }
0x36: {  	[dreg:$0x3] =	wrdreg s25  }
0x37: {  	[dreg:$0x4] =	wrdreg $0x9  }
0x38: {  	_ =	task.clear_ibuf [dreg:s23], $0x5FFFF;
	_ =	strace $0x9000004C  }
0x39: {  	s29 =	simm.s32 $0x9;
	_ =	strace $0x8000004E  }
0x3a: {  	_ =	swait.ge [sflag:s29], $0x1  }
0x3b: {  	[sflag:s29] =	ssyncadd.s32 $0xFFFFFFFF  }
0x3c: {  	_ =	strace $0x9000004E  }
0x3d: {  	_ =	sfence  }
0x3e: {  	s30 =	sld [smem:$0x0];
	_ =	sdelay $0x2  }
0x3f: {  	s31 =	sshll.u32 s1, $0xD;
	s1 =	sshrl.u32 s1, $0x2  }
0x40: {  	s4 =	sand.u32 $0x4000, s31;
	s1 =	sadd.s32 s1, s30  }
0x41: {  	s0 =	sor.u32 s4, s0;
	s1 =	sshll.u32 s1, $0x11  }
0x42: {  	s0 =	sor.u32 s1, s0  }
0x43: {  	s0 =	sadd.s32 $0x8F2B, s0  }
0x44: {  	[sflag:s0] =	ssyncadd.remote.s32 $0x1  }
0x45: {  	_ =	sfence.sel $0xFFFF  }
0x46: {  	[dreg:$0x0] =	wrdreg $0xFFFFFFFF;
	(pc) =	sbr.abs _section_cstart, $3  }
0x47: {  	[dreg:$0x1] =	wrdreg $0xFFFFFFFF  }
0x48: {  	_ =	task.clear_ibuf [dreg:s23], $0x2FFFF;
	_ =	strace $0x9FFFFFFF  }
0x49: {  	(tm) =	ssettm $0x7FFFFFFF  }
tec
execute0_lowered:
.L_overlay_start_1:
0x0: {  	(tag) =	ssettag $0x1  }
0x1: {  	s0 =	srdreg.scid  }
0x2: {  	s1 =	sshll.u32 s0, $0x4  }
0x3: {  	s2 =	rddreg [dreg:$0x0];
	s0 =	stileid.u32;
	s1 =	sand.u32 $0x10, s1  }
0x4: {  	s4 =	rddreg [dreg:$0x1];
	s7 =	simm.s32 $0x1;
	s1 =	sor.u32 s0, s1  }
0x5: {  	s8 =	simm.s32 $0x2;
	s9 =	simm.s32 $0x0;
	s3 =	sshll.u32 s1, $0x1  }
0x6: {  	s12 =	simm.s32 $0x0;
	s11 =	simm.s32 $0x0;
	s6 =	ssub.s32 $0x800, s3  }
.Ltmp0:
0x7: {  	s4 =	sadd.s32 $0x401000, s4;
	s5 =	sand.u32 $0x3E, s6;
	(pc) =	sbr.rel .LBB1_1-.Ltmp0, $4  }
0x8: {  	s1 =	rddreg [dreg:$0x2];
	_ =	strace $0x8000004D;
	p0 =	sne.s32 s5, $0x0  }
0x9: {  	s6 =	sshrl.u32 s6, $0x6;
	s5 =	simm.s32 $0x1;
	s7 =	simm.s32 @!p0 $0x0  }
0xa: {  	s10 =	smov.u32 s3;
	[sflag:s5] =	ssyncpa.u1 $0x0;
	s6 =	sadd.s32 s7, s6  }
0xb: {  	[sflag:s8] =	ssyncpa.u1 $0x0;
	s8 =	simm.s32 $0x0;
	s7 =	sadd.s32 $0x1, s6  }
.LBB1_9:
0xc: {  	s14 =	sadd.s32 $0x40, s10  }
0xd: {  	p1 =	sgt.s32 s14, $0x7FF  }
0xe: {  	s14 =	smov.u32 @p1 s3;
	p1 =	sne.s32 s11, s7  }
.Ltmp1:
0xf: {  	p0 =	slt.u32 s11, $0x2;
	(pc) =	sbr.rel @!p1 .LBB1_10-.Ltmp1, $4  }
0x10: {  	s13 =	simm.s32 @!p0 $0x2  }
0x11: {  	s15 =	sadd.s32 $0x1, s11;
	_ =	swait.ge @!p0 [sflag:s13], $0x4000  }
0x12: {  	s12 =	smov.u32 s10;
	s9 =	sadd.s32 $0x4000, s9;
	[sflag:s13] =	ssyncset.done @!p0 $0x0  }
0x13: {  	s11 =	smov.u32 s15;
	s10 =	smov.u32 s14;
	[sflag:s13] =	ssyncadd.s32 @!p0 $0xFFFFC000  }
.LBB1_1:
0x14: {  	p0 =	sge.u32 s11, s6  }
0x15: {  	s13 =	sxor.u32 @!p0 $0xFFFFFFFF, s11  }
0x16: {  	s31 =	sadd.s32 $0xFFFFFFFF, s11;
	s14 =	sshll.u32 @!p0 s10, $0xA;
	s13 =	sshll.u32 @!p0 s13, $0xE  }
0x17: {  	s15 =	simm.s32 @!p0 $0x0;
	s14 =	sadd.s32 @!p0 s2, s14;
	s13 =	sand.u32 @!p0 $0x4000, s13  }
0x18: {  	[tilespmem:s13], [sflag:$0x1] =	stream.linear.gather @!p0 [hbm4b:s14+s15], $0x4000, $0x38;
	[tilespmem:$0x10000] =	vst v63  }
0x19: {  	p0 =	sge.u32 s31, s6  }
.Ltmp2:
0x1a: {  	_ = 	snop;
	(pc) =	sbr.rel @p0 .LBB1_9-.Ltmp2, $1  }
0x1b: {  	_ =	sdelay $0x3  }
0x1c: {  	s13 =	sshll.u32 s9, $0x2  }
0x1d: {  	_ =	swait.ge [sflag:s5], $0x4000;
	s14 =	sshll.u32 s11, $0xE;
	s16 =	simm.s32 $0x0  }
0x1e: {  	p1 =	por $0x1, $0x1;
	s13 =	sand.u32 $0x10000, s13;
	[sflag:s5] =	ssyncset.done $0x0  }
0x1f: {  	s14 =	sand.u32 $0x4000, s14;
	s15 =	sshrl.u32 s13, $0x2;
	[sflag:s5] =	ssyncadd.s32 $0xFFFFC000  }
0x20: {  	s13 =	sor.u32 $0x8000, s14;
	s14 =	sadd.s32 $0x8040, s15;
	s15 =	sadd.s32 $0x40, s15  }
.LBB1_3:
0x21: {  	s16 =	sshll.u32 s16, $0x2  }
0x22: {  	p0 =	por p1, p1;
	s17 =	sshra.s32 s16, $0x2  }
0x23: {  	s18 =	simm.s32 $0x0;
	s16 =	sadd.s32 s17, s14;
	s17 =	sadd.s32 s17, s15  }
.LBB1_4:
0x24: {  	v0 =	vmov s17;
	_ =	sdelay $0x3  }
0x25: {  	s20 =	simm.s32 $0x0  }
0x26: {  	v6 =	vld.idx.msk [tilespmem:v0+s20+$0x30 ss:$0x1], $0xffff  }
0x27: {  	v7 =	vld.idx.msk [tilespmem:v0+s20+$0xFFFFFFC0 ss:$0x1], $0xffff  }
0x28: {  	v5 =	vld.idx.msk [tilespmem:v0+s20+$0xFFFFFFD0 ss:$0x1], $0xffff  }
0x29: {  	v4 =	vld.idx.msk [tilespmem:v0+s20+$0xFFFFFFE0 ss:$0x1], $0xffff  }
0x2a: {  	v3 =	vld.idx.msk [tilespmem:v0+s20+$0xFFFFFFF0 ss:$0x1], $0xffff  }
0x2b: {  	v1 =	vld.idx.msk [tilespmem:v0+s20+$0x0 ss:$0x1], $0xffff  }
0x2c: {  	v2 =	vld.idx.msk [tilespmem:v0+s20+$0x10 ss:$0x1], $0xffff;
	[tilespmem:s16+$0x30] =	vst v6  }
0x2d: {  	s19 =	simm.s32 $0x80;
	s21 =	simm.s32 $0x400;
	[tilespmem:s16+$0xFFFFFFC0] =	vst v7;
	v6 =	vld.idx.msk [tilespmem:v0+s20+$0x20 ss:$0x1], $0xffff;
	s20 =	smov.u32 s16  }
.LBB1_5:
0x2e: {  	p1 =	sne.s32 s21, $0xE00;
	v7 =	vld.idx.msk [tilespmem:v0+s19+$0x30 ss:$0x1], $0xffff;
	[tilespmem:s20+$0xFFFFFFD0] =	vst v5  }
0x2f: {  	v8 =	vld.idx.msk [tilespmem:v0+s19+$0xFFFFFFC0 ss:$0x1], $0xffff;
	[tilespmem:s20+$0xFFFFFFE0] =	vst v4  }
0x30: {  	v5 =	vld.idx.msk [tilespmem:v0+s19+$0xFFFFFFD0 ss:$0x1], $0xffff;
	[tilespmem:s20+$0xFFFFFFF0] =	vst v3  }
.Ltmp3:
0x31: {  	v4 =	vld.idx.msk [tilespmem:v0+s19+$0xFFFFFFE0 ss:$0x1], $0xffff;
	[tilespmem:s20+$0x0] =	vst v1;
	(pc) =	sbr.rel @p1 .LBB1_5-.Ltmp3, $4  }
0x32: {  	v3 =	vld.idx.msk [tilespmem:v0+s19+$0xFFFFFFF0 ss:$0x1], $0xffff;
	[tilespmem:s20+$0x10] =	vst v2  }
0x33: {  	v1 =	vld.idx.msk [tilespmem:v0+s19+$0x0 ss:$0x1], $0xffff;
	[tilespmem:s20+$0x20] =	vst v6;
	s20 =	sadd.s32 $0x400, s20  }
0x34: {  	v2 =	vld.idx.msk [tilespmem:v0+s19+$0x10 ss:$0x1], $0xffff;
	[tilespmem:s20+$0x30] =	vst v7  }
0x35: {  	[tilespmem:s20+$0xFFFFFFC0] =	vst v8;
	v6 =	vld.idx.msk [tilespmem:v0+s19+$0x20 ss:$0x1], $0xffff;
	s19 =	sshra.s32 s21, $0x2;
	s21 =	sadd.s32 $0x200, s21  }
0x36: {  	_ =	sdelay $0x2  }
0x37: {  	[tilespmem:s20+$0xFFFFFFD0] =	vst v5  }
0x38: {  	v56 =	vld.idx.msk [tilespmem:v0+s19+$0x30 ss:$0x1], $0xffff;
	[tilespmem:s20+$0xFFFFFFE0] =	vst v4  }
0x39: {  	v57 =	vld.idx.msk [tilespmem:v0+s19+$0xFFFFFFC0 ss:$0x1], $0xffff;
	[tilespmem:s20+$0xFFFFFFF0] =	vst v3  }
0x3a: {  	v58 =	vld.idx.msk [tilespmem:v0+s19+$0xFFFFFFD0 ss:$0x1], $0xffff;
	[tilespmem:s20+$0x0] =	vst v1  }
0x3b: {  	v59 =	vld.idx.msk [tilespmem:v0+s19+$0xFFFFFFE0 ss:$0x1], $0xffff;
	[tilespmem:s20+$0x10] =	vst v2  }
0x3c: {  	v60 =	vld.idx.msk [tilespmem:v0+s19+$0xFFFFFFF0 ss:$0x1], $0xffff;
	s31 =	sadd.s32 $0x400, s20;
	[tilespmem:s20+$0x20] =	vst v6  }
0x3d: {  	v61 =	vld.idx.msk [tilespmem:v0+s19+$0x0 ss:$0x1], $0xffff;
	[tilespmem:s31+$0x30] =	vst v56  }
0x3e: {  	v62 =	vld.idx.msk [tilespmem:v0+s19+$0x10 ss:$0x1], $0xffff;
	s18 =	sadd.s32 $0x1, s18;
	[tilespmem:s31+$0xFFFFFFC0] =	vst v57  }
0x3f: {  	v63 =	vld.idx.msk [tilespmem:v0+s19+$0x20 ss:$0x1], $0xffff;
	p1 =	sne.s32 s18, $0x8;
	[tilespmem:s31+$0xFFFFFFD0] =	vst v58  }
.Ltmp4:
0x40: {  	[tilespmem:s31+$0xFFFFFFE0] =	vst v59;
	(pc) =	sbr.rel @p1 .LBB1_4-.Ltmp4, $4  }
0x41: {  	[tilespmem:s31+$0xFFFFFFF0] =	vst v60  }
0x42: {  	[tilespmem:s31+$0x0] =	vst v61  }
0x43: {  	[tilespmem:s31+$0x10] =	vst v62  }
0x44: {  	s16 =	sadd.s32 $0x80, s16;
	s17 =	sadd.s32 $0x400, s17;
	[tilespmem:s31+$0x20] =	vst v63  }
.Ltmp5:
0x45: {  	(pc) =	sbr.rel @p0 .LBB1_3-.Ltmp5, $2  }
0x46: {  	_ =	sdelay $0x2  }
0x47: {  	s16 =	simm.s32 $0x2000;
	p1 =	por $0x0, $0x0  }
.Ltmp6:
0x48: {  	(pc) =	sbr.rel .LBB1_9-.Ltmp6, $4  }
0x49: {  	_ = 	snop  }
0x4a: {  	s12 =	sshll.u32 s12, $0xA  }
0x4b: {  	s12 =	sadd.s32 s4, s12  }
0x4c: {  	[hbm4b:s12+s8] =	stream.linear.scatter [tilespmem:s13], [sflag:$0x2], $0x4000, $0x38;
	[tilespmem:$0x10000] =	vst v63  }
.LBB1_10:
0x4d: {  	_ =	sfence.sel $0x180000  }
0x4e: {  	s2 =	simm.s32 $0x1;
	[bflag:$0x0] =	sbarrier.arrive $0xFFFF  }
0x4f: {  	s31 =	simm.s32 $0x2;
	[sflag:s2] =	ssyncpa.u1 $0x1  }
0x50: {  	[sflag:s31] =	ssyncpa.u1 $0x1  }
0x51: {  	p0 =	sne.s32 s0, $0x0;
	_ =	strace $0x9000004D  }
0x52: {  	s0 =	sadd.s32 @!p0 $0x100000, s1;
	[bflag:$0x2] =	sbarrier.arrive $0xFFFF  }
0x53: {  	[sflag:s0] =	ssyncadd.tile.s32 @!p0 $0x1;
	_ =	shalt  }
.Lfunc_end1:
_tile_overlayer_lowered:
.L_overlay_start_2:
0x54: {  	(tag) =	ssettag $0x2  }
0x55: {  	s0 =	rddreg [dreg:$0x0];
	s2 =	stileid.u32  }
0x56: {  	s1 =	rddreg [dreg:$0x1];
	p0 =	sne.s32 s2, $0x0  }
0x57: {  	s3 =	rddreg [dreg:$0x2];
	[bflag:$0x3] =	sbarrier.arrive $0xFFFF;
	s2 =	simm.s32 @!p0 $0x1C01  }
0x58: {  	[timem:s3], [sflag:s2] =	dma.local @!p0 [hbm:s0], s1  }
0x59: {  	s0 =	simm.s32 @!p0 $0x1  }
0x5a: {  	_ =	swait.ge @!p0 [sflag:s0], s1  }
0x5b: {  	s1 =	ssub.s32 @!p0 $0x0, s1;
	[sflag:s0] =	ssyncset.done @!p0 $0x0  }
0x5c: {  	[sflag:s0] =	ssyncadd.s32 @!p0 s1  }
0x5d: {  	[bflag:$0x3] =	sbarrier.arrive $0xFFFF  }
0x5e: {  	_ =	shalt  }

</sc_bundles>
